<compile_context>
chip_gen: v7x
topology: tpu7x:2x2x1
jax: 0.10.2.dev20260603
libtpu: 0.0.44.dev20260713+nightly
codegen_flags: <defaults>
</compile_context>

<pallas_src>
import jax
import jax.numpy as jnp
from jax import lax
from jax.experimental import pallas as pl
from jax.experimental.pallas import tpu as pltpu
from jax.experimental.pallas import tpu_sc as plsc

B, N, H, K = 4, 512, 32, 22
NC, NS, L = 2, 16, 16
NW = NC * NS
PAIRS = B * N
PPW = PAIRS // NW
C = 2
CN = C * N
STEPS = PPW // C
SLOTS = 2


def _sc_body(sp_hbm, tbl_hbm, out_hbm, tbl_raw, tbl_v, dbuf, obuf, isems,
             osems):
    wid = lax.axis_index("s") * NC + lax.axis_index("c")
    pltpu.sync_copy(tbl_hbm, tbl_raw)
    lane0 = jnp.zeros((L,), dtype=jnp.int32)

    @plsc.parallel_loop(0, K * H, unroll=4)
    def _(v):
        src = (v % K) * H + v // K
        tbl_v[pl.ds(v * L, L)] = plsc.load_gather(tbl_raw, [lane0 + src])
    pair0 = wid * PPW
    b = pair0 // N
    i_base = pair0 - b * N

    def start_in(step, sl):
        pltpu.async_copy(
            sp_hbm.at[b, pl.ds(i_base + step * C, C), :],
            dbuf.at[sl], isems.at[sl])

    def start_out(step, sl):
        pltpu.async_copy(
            obuf.at[sl],
            out_hbm.at[b, :, pl.ds(i_base + step * C, C), :],
            osems.at[sl])

    def wait_in(sl):
        pltpu.make_async_copy(sp_hbm.at[0, pl.ds(0, C), :], dbuf.at[sl],
                              isems.at[sl]).wait()

    def wait_out(sl):
        pltpu.make_async_copy(obuf.at[sl],
                              out_hbm.at[0, :, pl.ds(0, C), :],
                              osems.at[sl]).wait()

    lane = jnp.arange(L, dtype=jnp.int32)

    def compute(sl):
        @plsc.parallel_loop(0, CN // L, unroll=4)
        def _(t):
            c, j = divmod(t * L, N)
            d16 = dbuf[sl, c, pl.ds(j, L)]
            d16 = jnp.minimum(jnp.maximum(d16, 0), K - 1)
            d16s = d16 * L + lane
            for h in range(H):
                obuf[sl, h, c, pl.ds(j, L)] = plsc.load_gather(
                    tbl_v.at[pl.ds(h * (K * L), K * L)], [d16s])

    for sl in range(SLOTS):
        start_in(sl, sl)

    def step_group(g, carry):
        for sl in range(SLOTS):
            step = g * SLOTS + sl
            wait_in(sl)

            @pl.when(g > 0)
            def _():
                wait_out(sl)

            compute(sl)
            start_out(step, sl)

            @pl.when(step + SLOTS < STEPS)
            def _():
                start_in(step + SLOTS, sl)
        return carry

    lax.fori_loop(0, STEPS // SLOTS, step_group, None)
    for sl in range(SLOTS):
        wait_out(sl)


@jax.jit
def kernel(sp_dist, table):
    tflat = table.reshape(-1)
    mesh = plsc.VectorSubcoreMesh(core_axis_name="c", subcore_axis_name="s")
    run = pl.kernel(
        _sc_body,
        out_type=jax.ShapeDtypeStruct((B, H, N, N), jnp.float32),
        mesh=mesh,
        scratch_types=[
            pltpu.VMEM((K * H,), jnp.float32),
            pltpu.VMEM((H * K * L,), jnp.float32),
            pltpu.VMEM((SLOTS, C, N), jnp.int32),
            pltpu.VMEM((SLOTS, H, C, N), jnp.float32),
            pltpu.SemaphoreType.DMA((SLOTS,)),
            pltpu.SemaphoreType.DMA((SLOTS,)),
        ],
        compiler_params=pltpu.CompilerParams(needs_layout_passes=False),
    )
    return run(sp_dist, tflat)

# --- scband reference (transcript-rebuilt; emitter-appended) ---
"""Pipeline reference for scband-spatial-encoding-48455821033929 (READ-ONLY COPY).

The authoritative reference and input builder live on the scoring server;
editing this copy changes nothing except your own understanding.
"""

import jax, jax.numpy as jnp
import numpy as np

MAX_SP_DIST = 20
N_HEADS = 32


def setup_inputs(seed: int = 0) -> dict:
    key = jax.random.key(seed)
    k1, k2 = jax.random.split(key)
    sp_dist = jax.random.randint(k1, (4, 512, 512), 0, 22, dtype=jnp.int32)
    table = jax.random.normal(k2, (MAX_SP_DIST + 2, N_HEADS), dtype=jnp.float32) * 0.02
    return {"sp_dist": sp_dist, "table": table}


def reference(sp_dist, table):
    # clamp(0, max_dist + 1)
    dist_clipped = jnp.clip(sp_dist, 0, MAX_SP_DIST + 1)
    # embedding lookup: [B, N+1, N+1] -> [B, N+1, N+1, H]
    bias = jnp.take(table, dist_clipped, axis=0)
    # permute(0, 3, 1, 2) -> [B, H, N+1, N+1]
    return jnp.transpose(bias, (0, 3, 1, 2))

if __name__ == "__main__":
    import jax
    _d = setup_inputs()
    print(jax.jit(kernel)(*tuple(_d.values())))

</pallas_src>

<mosaic_0001>
#map = affine_map<(d0, d1) -> (0, 0, 0)>
#map1 = affine_map<(d0, d1) -> (0)>
#map2 = affine_map<(d0, d1) -> (0, 0, 0, 0)>
module attributes {stable_mosaic.version = 14 : i64} {
  func.func @_sc_body(%arg0: i32, %arg1: i32, %arg2: memref<4x512x512xi32, #tpu.memory_space<hbm>>, %arg3: memref<704xf32, #tpu.memory_space<hbm>>, %arg4: memref<4x32x512x512xf32, #tpu.memory_space<hbm>>, %arg5: memref<704xf32, #tpu.memory_space<vmem>>, %arg6: memref<11264xf32, #tpu.memory_space<vmem>>, %arg7: memref<2x2x512xi32, #tpu.memory_space<vmem>>, %arg8: memref<2x32x2x512xf32, #tpu.memory_space<vmem>>, %arg9: memref<2x!tpu.dma_semaphore, #tpu.memory_space<semaphore_mem>>, %arg10: memref<2x!tpu.dma_semaphore, #tpu.memory_space<semaphore_mem>>) attributes {dimension_semantics = [#tpu.dimension_semantics<core_parallel>, #tpu.dimension_semantics<subcore_parallel>], iteration_bounds = array<i64: 2, 16>, scalar_prefetch = 0 : i64, scratch_operands = 6 : i64, tpu.core_type = #tpu.core_type<sc_vector_subcore>, window_params = [{transform_indices = #map}, {transform_indices = #map1}, {transform_indices = #map2}]} {
    %mul3A = arith.constant 2 : i32
    %mul3A_0 = arith.muli %arg1, %mul3A : i32
    %add3A = arith.addi %mul3A_0, %arg0 : i32
    "tpu.region"() ({
      %run_scoped3A = tpu.sem_alloc : memref<!tpu.dma_semaphore, #tpu.memory_space<semaphore_mem>>
      tpu.enqueue_dma source(%arg3 : memref<704xf32, #tpu.memory_space<hbm>>) target(%arg5 : memref<704xf32, #tpu.memory_space<vmem>>) target_semaphore(%run_scoped3A : memref<!tpu.dma_semaphore, #tpu.memory_space<semaphore_mem>>)
      tpu.wait_dma2 semaphore(%run_scoped3A : memref<!tpu.dma_semaphore, #tpu.memory_space<semaphore_mem>>) src(%arg3 : memref<704xf32, #tpu.memory_space<hbm>>) dst(%arg5 : memref<704xf32, #tpu.memory_space<vmem>>)
      tpu.yield
    }) : () -> ()
    %broadcast_in_dim3A = arith.constant 0 : i32
    %broadcast_in_dim3A_1 = vector.broadcast %broadcast_in_dim3A : i32 to vector<16xi32>
    %parallel_loop3A = arith.constant 0 : i32
    %parallel_loop3A_2 = arith.constant 704 : i32
    %parallel_loop3A_3 = arith.constant 1 : i32
    scf.for %parallel_loop3A_117 = %parallel_loop3A to %parallel_loop3A_2 step %parallel_loop3A_3  : i32 {
      %parallel_loop3A_118 = arith.constant 22 : i32
      %parallel_loop3A_119 = arith.constant 0 : i32
      %parallel_loop3A_120 = arith.cmpi eq, %parallel_loop3A_118, %parallel_loop3A_119 : i32
      %parallel_loop3A_121 = arith.constant 1 : i32
      %parallel_loop3A_122 = arith.select %parallel_loop3A_120, %parallel_loop3A_121, %parallel_loop3A_118 : i32
      %parallel_loop3A_123 = arith.remsi %parallel_loop3A_117, %parallel_loop3A_122 : i32
      %parallel_loop3A_124 = arith.constant 0 : i32
      %parallel_loop3A_125 = arith.cmpi ne, %parallel_loop3A_123, %parallel_loop3A_124 : i32
      %parallel_loop3A_126 = arith.constant 0 : i32
      %parallel_loop3A_127 = arith.cmpi slt, %parallel_loop3A_123, %parallel_loop3A_126 : i32
      %parallel_loop3A_128 = arith.constant 0 : i32
      %parallel_loop3A_129 = arith.cmpi slt, %parallel_loop3A_122, %parallel_loop3A_128 : i32
      %parallel_loop3A_130 = arith.xori %parallel_loop3A_127, %parallel_loop3A_129 : i1
      %parallel_loop3A_131 = arith.andi %parallel_loop3A_130, %parallel_loop3A_125 : i1
      %parallel_loop3A_132 = arith.addi %parallel_loop3A_123, %parallel_loop3A_122 : i32
      %parallel_loop3A_133 = arith.select %parallel_loop3A_131, %parallel_loop3A_132, %parallel_loop3A_123 : i32
      %parallel_loop3A_134 = arith.constant 32 : i32
      %parallel_loop3A_135 = arith.muli %parallel_loop3A_133, %parallel_loop3A_134 : i32
      %parallel_loop3A_136 = arith.constant 22 : i32
      %parallel_loop3A_137 = arith.divsi %parallel_loop3A_117, %parallel_loop3A_136 : i32
      %parallel_loop3A_138 = arith.constant 0 : i32
      %parallel_loop3A_139 = arith.cmpi sgt, %parallel_loop3A_117, %parallel_loop3A_138 : i32
      %parallel_loop3A_140 = arith.extui %parallel_loop3A_139 : i1 to i32
      %parallel_loop3A_141 = arith.constant 0 : i32
      %parallel_loop3A_142 = arith.cmpi slt, %parallel_loop3A_117, %parallel_loop3A_141 : i32
      %parallel_loop3A_143 = arith.extui %parallel_loop3A_142 : i1 to i32
      %parallel_loop3A_144 = arith.subi %parallel_loop3A_140, %parallel_loop3A_143 : i32
      %parallel_loop3A_145 = arith.constant 0 : i32
      %parallel_loop3A_146 = arith.cmpi sgt, %parallel_loop3A_136, %parallel_loop3A_145 : i32
      %parallel_loop3A_147 = arith.extui %parallel_loop3A_146 : i1 to i32
      %parallel_loop3A_148 = arith.constant 0 : i32
      %parallel_loop3A_149 = arith.cmpi slt, %parallel_loop3A_136, %parallel_loop3A_148 : i32
      %parallel_loop3A_150 = arith.extui %parallel_loop3A_149 : i1 to i32
      %parallel_loop3A_151 = arith.subi %parallel_loop3A_147, %parallel_loop3A_150 : i32
      %parallel_loop3A_152 = arith.cmpi ne, %parallel_loop3A_144, %parallel_loop3A_151 : i32
      %parallel_loop3A_153 = arith.remsi %parallel_loop3A_117, %parallel_loop3A_136 : i32
      %parallel_loop3A_154 = arith.constant 0 : i32
      %parallel_loop3A_155 = arith.cmpi ne, %parallel_loop3A_153, %parallel_loop3A_154 : i32
      %parallel_loop3A_156 = arith.andi %parallel_loop3A_152, %parallel_loop3A_155 : i1
      %parallel_loop3A_157 = arith.constant 1 : i32
      %parallel_loop3A_158 = arith.subi %parallel_loop3A_137, %parallel_loop3A_157 : i32
      %parallel_loop3A_159 = arith.select %parallel_loop3A_156, %parallel_loop3A_158, %parallel_loop3A_137 : i32
      %parallel_loop3A_160 = arith.addi %parallel_loop3A_135, %parallel_loop3A_159 : i32
      %parallel_loop3A_161 = vector.broadcast %parallel_loop3A_160 : i32 to vector<16xi32>
      %parallel_loop3A_162 = arith.addi %broadcast_in_dim3A_1, %parallel_loop3A_161 : vector<16xi32>
      %parallel_loop3A_163 = tpu.vector_load_idx %arg5[%parallel_loop3A_162] : memref<704xf32, #tpu.memory_space<vmem>>[vector<16xi32>], vector<16xf32>,
      %parallel_loop3A_164 = arith.constant 16 : i32
      %parallel_loop3A_165 = arith.muli %parallel_loop3A_117, %parallel_loop3A_164 : i32
      %parallel_loop3A_166 = arith.index_cast %parallel_loop3A_165 : i32 to index
      %parallel_loop3A_167 = tpu.vector_load %arg6[%parallel_loop3A_166] {strides = array<i32>} : memref<11264xf32, #tpu.memory_space<vmem>>, vector<16xf32>,
      tpu.vector_store %arg6[%parallel_loop3A_166], %parallel_loop3A_163 {strides = array<i32>} : memref<11264xf32, #tpu.memory_space<vmem>>, vector<16xf32>,
    } {sc.loop_unroll_factor = 4 : i64, sc.parallel_access}
    %mul3A_4 = arith.constant 64 : i32
    %mul3A_5 = arith.muli %add3A, %mul3A_4 : i32
    %jit3A = arith.constant 512 : i32
    %div3A = arith.divsi %mul3A_5, %jit3A : i32
    %sign3A = arith.constant 0 : i32
    %sign3A_6 = arith.cmpi sgt, %mul3A_5, %sign3A : i32
    %sign3A_7 = arith.extui %sign3A_6 : i1 to i32
    %sign3A_8 = arith.constant 0 : i32
    %sign3A_9 = arith.cmpi slt, %mul3A_5, %sign3A_8 : i32
    %sign3A_10 = arith.extui %sign3A_9 : i1 to i32
    %sign3A_11 = arith.subi %sign3A_7, %sign3A_10 : i32
    %sign3A_12 = arith.constant 0 : i32
    %sign3A_13 = arith.cmpi sgt, %jit3A, %sign3A_12 : i32
    %sign3A_14 = arith.extui %sign3A_13 : i1 to i32
    %sign3A_15 = arith.constant 0 : i32
    %sign3A_16 = arith.cmpi slt, %jit3A, %sign3A_15 : i32
    %sign3A_17 = arith.extui %sign3A_16 : i1 to i32
    %sign3A_18 = arith.subi %sign3A_14, %sign3A_17 : i32
    %ne3A = arith.cmpi ne, %sign3A_11, %sign3A_18 : i32
    %rem3A = arith.remsi %mul3A_5, %jit3A : i32
    %ne3A_19 = arith.constant 0 : i32
    %ne3A_20 = arith.cmpi ne, %rem3A, %ne3A_19 : i32
    %and3A = arith.andi %ne3A, %ne3A_20 : i1
    %sub3A = arith.constant 1 : i32
    %sub3A_21 = arith.subi %div3A, %sub3A : i32
    %select_n3A = arith.select %and3A, %sub3A_21, %div3A : i32
    %mul3A_22 = arith.constant 512 : i32
    %mul3A_23 = arith.muli %select_n3A, %mul3A_22 : i32
    %sub3A_24 = arith.subi %mul3A_5, %mul3A_23 : i32
    %iota3A = tpu.iota {dimensions = array<i32: 0>} : vector<16xi32>
    %add3A_25 = arith.constant 0 : i32
    %add3A_26 = arith.addi %sub3A_24, %add3A_25 : i32
    %dma_start3A = arith.constant 0 : i32
    %dma_start3A_27 = arith.constant 0 : i32
    %dma_start3A_28 = arith.constant 0 : i32
    %dma_start3A_29 = arith.constant 0 : i32
    %dma_start3A_30 = tpu.memref_slice %arg7[%dma_start3A, %dma_start3A_28, %dma_start3A_29] : memref<2x2x512xi32, #tpu.memory_space<vmem>> -> memref<1x2x512xi32, #tpu.memory_space<vmem>>
    %dma_start3A_31 = tpu.memref_squeeze %dma_start3A_30 : memref<1x2x512xi32, #tpu.memory_space<vmem>> -> memref<2x512xi32, #tpu.memory_space<vmem>>
    %dma_start3A_32 = arith.constant 0 : i32
    %dma_start3A_33 = tpu.memref_slice %arg2[%select_n3A, %add3A_26, %dma_start3A_32] : memref<4x512x512xi32, #tpu.memory_space<hbm>> -> memref<1x2x512xi32, #tpu.memory_space<hbm>>
    %dma_start3A_34 = tpu.memref_squeeze %dma_start3A_33 : memref<1x2x512xi32, #tpu.memory_space<hbm>> -> memref<2x512xi32, #tpu.memory_space<hbm>>
    %dma_start3A_35 = tpu.memref_slice %arg9[%dma_start3A_27] : memref<2x!tpu.dma_semaphore, #tpu.memory_space<semaphore_mem>> -> memref<1x!tpu.dma_semaphore, #tpu.memory_space<semaphore_mem>>
    %dma_start3A_36 = tpu.memref_squeeze %dma_start3A_35 : memref<1x!tpu.dma_semaphore, #tpu.memory_space<semaphore_mem>> -> memref<!tpu.dma_semaphore, #tpu.memory_space<semaphore_mem>>
    %dma_start3A_37 = arith.constant 0 : i32
    %dma_start3A_38 = arith.constant 0 : i32
    %dma_start3A_39 = tpu.memref_slice %arg7[%dma_start3A, %dma_start3A_37, %dma_start3A_38] : memref<2x2x512xi32, #tpu.memory_space<vmem>> -> memref<1x2x512xi32, #tpu.memory_space<vmem>>
    %dma_start3A_40 = tpu.memref_squeeze %dma_start3A_39 : memref<1x2x512xi32, #tpu.memory_space<vmem>> -> memref<2x512xi32, #tpu.memory_space<vmem>>
    %dma_start3A_41 = arith.constant 0 : i32
    %dma_start3A_42 = tpu.memref_slice %arg2[%select_n3A, %add3A_26, %dma_start3A_41] : memref<4x512x512xi32, #tpu.memory_space<hbm>> -> memref<1x2x512xi32, #tpu.memory_space<hbm>>
    %dma_start3A_43 = tpu.memref_squeeze %dma_start3A_42 : memref<1x2x512xi32, #tpu.memory_space<hbm>> -> memref<2x512xi32, #tpu.memory_space<hbm>>
    tpu.enqueue_dma source(%dma_start3A_43 : memref<2x512xi32, #tpu.memory_space<hbm>>) target(%dma_start3A_40 : memref<2x512xi32, #tpu.memory_space<vmem>>) target_semaphore(%dma_start3A_36 : memref<!tpu.dma_semaphore, #tpu.memory_space<semaphore_mem>>)
    %add3A_44 = arith.constant 2 : i32
    %add3A_45 = arith.addi %sub3A_24, %add3A_44 : i32
    %dma_start3A_46 = arith.constant 1 : i32
    %dma_start3A_47 = arith.constant 1 : i32
    %dma_start3A_48 = arith.constant 0 : i32
    %dma_start3A_49 = arith.constant 0 : i32
    %dma_start3A_50 = tpu.memref_slice %arg7[%dma_start3A_46, %dma_start3A_48, %dma_start3A_49] : memref<2x2x512xi32, #tpu.memory_space<vmem>> -> memref<1x2x512xi32, #tpu.memory_space<vmem>>
    %dma_start3A_51 = tpu.memref_squeeze %dma_start3A_50 : memref<1x2x512xi32, #tpu.memory_space<vmem>> -> memref<2x512xi32, #tpu.memory_space<vmem>>
    %dma_start3A_52 = arith.constant 0 : i32
    %dma_start3A_53 = tpu.memref_slice %arg2[%select_n3A, %add3A_45, %dma_start3A_52] : memref<4x512x512xi32, #tpu.memory_space<hbm>> -> memref<1x2x512xi32, #tpu.memory_space<hbm>>
    %dma_start3A_54 = tpu.memref_squeeze %dma_start3A_53 : memref<1x2x512xi32, #tpu.memory_space<hbm>> -> memref<2x512xi32, #tpu.memory_space<hbm>>
    %dma_start3A_55 = tpu.memref_slice %arg9[%dma_start3A_47] : memref<2x!tpu.dma_semaphore, #tpu.memory_space<semaphore_mem>> -> memref<1x!tpu.dma_semaphore, #tpu.memory_space<semaphore_mem>>
    %dma_start3A_56 = tpu.memref_squeeze %dma_start3A_55 : memref<1x!tpu.dma_semaphore, #tpu.memory_space<semaphore_mem>> -> memref<!tpu.dma_semaphore, #tpu.memory_space<semaphore_mem>>
    %dma_start3A_57 = arith.constant 0 : i32
    %dma_start3A_58 = arith.constant 0 : i32
    %dma_start3A_59 = tpu.memref_slice %arg7[%dma_start3A_46, %dma_start3A_57, %dma_start3A_58] : memref<2x2x512xi32, #tpu.memory_space<vmem>> -> memref<1x2x512xi32, #tpu.memory_space<vmem>>
    %dma_start3A_60 = tpu.memref_squeeze %dma_start3A_59 : memref<1x2x512xi32, #tpu.memory_space<vmem>> -> memref<2x512xi32, #tpu.memory_space<vmem>>
    %dma_start3A_61 = arith.constant 0 : i32
    %dma_start3A_62 = tpu.memref_slice %arg2[%select_n3A, %add3A_45, %dma_start3A_61] : memref<4x512x512xi32, #tpu.memory_space<hbm>> -> memref<1x2x512xi32, #tpu.memory_space<hbm>>
    %dma_start3A_63 = tpu.memref_squeeze %dma_start3A_62 : memref<1x2x512xi32, #tpu.memory_space<hbm>> -> memref<2x512xi32, #tpu.memory_space<hbm>>
    tpu.enqueue_dma source(%dma_start3A_63 : memref<2x512xi32, #tpu.memory_space<hbm>>) target(%dma_start3A_60 : memref<2x512xi32, #tpu.memory_space<vmem>>) target_semaphore(%dma_start3A_56 : memref<!tpu.dma_semaphore, #tpu.memory_space<semaphore_mem>>)
    %scan3A = arith.constant 0 : i32
    %scan3A_64 = arith.constant 16 : i32
    %scan3A_65 = arith.addi %scan3A, %scan3A_64 : i32
    %scan3A_66 = arith.constant 1 : i32
    scf.for %scan3A_117 = %scan3A to %scan3A_65 step %scan3A_66  : i32 {
      %mul3A_118 = arith.constant 2 : i32
      %mul3A_119 = arith.muli %scan3A_117, %mul3A_118 : i32
      %add3A_120 = arith.constant 0 : i32
      %add3A_121 = arith.addi %mul3A_119, %add3A_120 : i32
      %dma_wait3A_122 = arith.constant 0 : i32
      %dma_wait3A_123 = arith.constant 0 : i32
      %dma_wait3A_124 = arith.constant 0 : i32
      %dma_wait3A_125 = arith.constant 0 : i32
      %dma_wait3A_126 = arith.constant 0 : i32
      %dma_wait3A_127 = tpu.memref_slice %arg7[%dma_wait3A_123, %dma_wait3A_125, %dma_wait3A_126] : memref<2x2x512xi32, #tpu.memory_space<vmem>> -> memref<1x2x512xi32, #tpu.memory_space<vmem>>
      %dma_wait3A_128 = tpu.memref_squeeze %dma_wait3A_127 : memref<1x2x512xi32, #tpu.memory_space<vmem>> -> memref<2x512xi32, #tpu.memory_space<vmem>>
      %dma_wait3A_129 = arith.constant 0 : i32
      %dma_wait3A_130 = arith.constant 0 : i32
      %dma_wait3A_131 = tpu.memref_slice %arg2[%dma_wait3A_122, %dma_wait3A_129, %dma_wait3A_130] : memref<4x512x512xi32, #tpu.memory_space<hbm>> -> memref<1x2x512xi32, #tpu.memory_space<hbm>>
      %dma_wait3A_132 = tpu.memref_squeeze %dma_wait3A_131 : memref<1x2x512xi32, #tpu.memory_space<hbm>> -> memref<2x512xi32, #tpu.memory_space<hbm>>
      %dma_wait3A_133 = tpu.memref_slice %arg9[%dma_wait3A_124] : memref<2x!tpu.dma_semaphore, #tpu.memory_space<semaphore_mem>> -> memref<1x!tpu.dma_semaphore, #tpu.memory_space<semaphore_mem>>
      %dma_wait3A_134 = tpu.memref_squeeze %dma_wait3A_133 : memref<1x!tpu.dma_semaphore, #tpu.memory_space<semaphore_mem>> -> memref<!tpu.dma_semaphore, #tpu.memory_space<semaphore_mem>>
      %dma_wait3A_135 = arith.constant 0 : i32
      %dma_wait3A_136 = arith.constant 0 : i32
      %dma_wait3A_137 = tpu.memref_slice %arg7[%dma_wait3A_123, %dma_wait3A_135, %dma_wait3A_136] : memref<2x2x512xi32, #tpu.memory_space<vmem>> -> memref<1x2x512xi32, #tpu.memory_space<vmem>>
      %dma_wait3A_138 = tpu.memref_squeeze %dma_wait3A_137 : memref<1x2x512xi32, #tpu.memory_space<vmem>> -> memref<2x512xi32, #tpu.memory_space<vmem>>
      %dma_wait3A_139 = arith.constant 0 : i32
      %dma_wait3A_140 = arith.constant 0 : i32
      %dma_wait3A_141 = tpu.memref_slice %arg2[%dma_wait3A_122, %dma_wait3A_139, %dma_wait3A_140] : memref<4x512x512xi32, #tpu.memory_space<hbm>> -> memref<1x2x512xi32, #tpu.memory_space<hbm>>
      %dma_wait3A_142 = tpu.memref_squeeze %dma_wait3A_141 : memref<1x2x512xi32, #tpu.memory_space<hbm>> -> memref<2x512xi32, #tpu.memory_space<hbm>>
      tpu.wait_dma2 semaphore(%dma_wait3A_134 : memref<!tpu.dma_semaphore, #tpu.memory_space<semaphore_mem>>) src(%dma_wait3A_142 : memref<2x512xi32, #tpu.memory_space<hbm>>) dst(%dma_wait3A_138 : memref<2x512xi32, #tpu.memory_space<vmem>>)
      %gt3A = arith.constant 0 : i32
      %gt3A_143 = arith.cmpi sgt, %scan3A_117, %gt3A : i32
      %convert_element_type3A = arith.extui %gt3A_143 : i1 to i32
      %cond3A = arith.constant 0 : i32
      %cond3A_144 = arith.cmpi ne, %convert_element_type3A, %cond3A : i32
      scf.if %cond3A_144 {
        %dma_wait3A_244 = arith.constant 0 : i32
        %dma_wait3A_245 = arith.constant 0 : i32
        %dma_wait3A_246 = arith.constant 0 : i32
        %dma_wait3A_247 = arith.constant 0 : i32
        %dma_wait3A_248 = arith.constant 0 : i32
        %dma_wait3A_249 = arith.constant 0 : i32
        %dma_wait3A_250 = tpu.memref_slice %arg8[%dma_wait3A_244, %dma_wait3A_247, %dma_wait3A_248, %dma_wait3A_249] : memref<2x32x2x512xf32, #tpu.memory_space<vmem>> -> memref<1x32x2x512xf32, #tpu.memory_space<vmem>>
        %dma_wait3A_251 = tpu.memref_squeeze %dma_wait3A_250 : memref<1x32x2x512xf32, #tpu.memory_space<vmem>> -> memref<32x2x512xf32, #tpu.memory_space<vmem>>
        %dma_wait3A_252 = arith.constant 0 : i32
        %dma_wait3A_253 = arith.constant 0 : i32
        %dma_wait3A_254 = arith.constant 0 : i32
        %dma_wait3A_255 = tpu.memref_slice %arg4[%dma_wait3A_245, %dma_wait3A_252, %dma_wait3A_253, %dma_wait3A_254] : memref<4x32x512x512xf32, #tpu.memory_space<hbm>> -> memref<1x32x2x512xf32, #tpu.memory_space<hbm>>
        %dma_wait3A_256 = tpu.memref_squeeze %dma_wait3A_255 : memref<1x32x2x512xf32, #tpu.memory_space<hbm>> -> memref<32x2x512xf32, #tpu.memory_space<hbm>>
        %dma_wait3A_257 = tpu.memref_slice %arg10[%dma_wait3A_246] : memref<2x!tpu.dma_semaphore, #tpu.memory_space<semaphore_mem>> -> memref<1x!tpu.dma_semaphore, #tpu.memory_space<semaphore_mem>>
        %dma_wait3A_258 = tpu.memref_squeeze %dma_wait3A_257 : memref<1x!tpu.dma_semaphore, #tpu.memory_space<semaphore_mem>> -> memref<!tpu.dma_semaphore, #tpu.memory_space<semaphore_mem>>
        %dma_wait3A_259 = arith.constant 0 : i32
        %dma_wait3A_260 = arith.constant 0 : i32
        %dma_wait3A_261 = arith.constant 0 : i32
        %dma_wait3A_262 = tpu.memref_slice %arg4[%dma_wait3A_245, %dma_wait3A_259, %dma_wait3A_260, %dma_wait3A_261] : memref<4x32x512x512xf32, #tpu.memory_space<hbm>> -> memref<1x32x2x512xf32, #tpu.memory_space<hbm>>
        %dma_wait3A_263 = tpu.memref_squeeze %dma_wait3A_262 : memref<1x32x2x512xf32, #tpu.memory_space<hbm>> -> memref<32x2x512xf32, #tpu.memory_space<hbm>>
        %dma_wait3A_264 = arith.constant 0 : i32
        %dma_wait3A_265 = arith.constant 0 : i32
        %dma_wait3A_266 = arith.constant 0 : i32
        %dma_wait3A_267 = tpu.memref_slice %arg8[%dma_wait3A_244, %dma_wait3A_264, %dma_wait3A_265, %dma_wait3A_266] : memref<2x32x2x512xf32, #tpu.memory_space<vmem>> -> memref<1x32x2x512xf32, #tpu.memory_space<vmem>>
        %dma_wait3A_268 = tpu.memref_squeeze %dma_wait3A_267 : memref<1x32x2x512xf32, #tpu.memory_space<vmem>> -> memref<32x2x512xf32, #tpu.memory_space<vmem>>
        tpu.wait_dma2 semaphore(%dma_wait3A_258 : memref<!tpu.dma_semaphore, #tpu.memory_space<semaphore_mem>>) src(%dma_wait3A_268 : memref<32x2x512xf32, #tpu.memory_space<vmem>>) dst(%dma_wait3A_263 : memref<32x2x512xf32, #tpu.memory_space<hbm>>)
      } else {
      }
      %parallel_loop3A_145 = arith.constant 0 : i32
      %parallel_loop3A_146 = arith.constant 64 : i32
      %parallel_loop3A_147 = arith.constant 1 : i32
      scf.for %parallel_loop3A_244 = %parallel_loop3A_145 to %parallel_loop3A_146 step %parallel_loop3A_147  : i32 {
        %parallel_loop3A_245 = arith.constant 16 : i32
        %parallel_loop3A_246 = arith.muli %parallel_loop3A_244, %parallel_loop3A_245 : i32
        %parallel_loop3A_247 = arith.constant 512 : i32
        %parallel_loop3A_248 = arith.divsi %parallel_loop3A_246, %parallel_loop3A_247 : i32
        %parallel_loop3A_249 = arith.constant 0 : i32
        %parallel_loop3A_250 = arith.cmpi sgt, %parallel_loop3A_246, %parallel_loop3A_249 : i32
        %parallel_loop3A_251 = arith.extui %parallel_loop3A_250 : i1 to i32
        %parallel_loop3A_252 = arith.constant 0 : i32
        %parallel_loop3A_253 = arith.cmpi slt, %parallel_loop3A_246, %parallel_loop3A_252 : i32
        %parallel_loop3A_254 = arith.extui %parallel_loop3A_253 : i1 to i32
        %parallel_loop3A_255 = arith.subi %parallel_loop3A_251, %parallel_loop3A_254 : i32
        %parallel_loop3A_256 = arith.constant 0 : i32
        %parallel_loop3A_257 = arith.cmpi sgt, %parallel_loop3A_247, %parallel_loop3A_256 : i32
        %parallel_loop3A_258 = arith.extui %parallel_loop3A_257 : i1 to i32
        %parallel_loop3A_259 = arith.constant 0 : i32
        %parallel_loop3A_260 = arith.cmpi slt, %parallel_loop3A_247, %parallel_loop3A_259 : i32
        %parallel_loop3A_261 = arith.extui %parallel_loop3A_260 : i1 to i32
        %parallel_loop3A_262 = arith.subi %parallel_loop3A_258, %parallel_loop3A_261 : i32
        %parallel_loop3A_263 = arith.cmpi ne, %parallel_loop3A_255, %parallel_loop3A_262 : i32
        %parallel_loop3A_264 = arith.remsi %parallel_loop3A_246, %parallel_loop3A_247 : i32
        %parallel_loop3A_265 = arith.constant 0 : i32
        %parallel_loop3A_266 = arith.cmpi ne, %parallel_loop3A_264, %parallel_loop3A_265 : i32
        %parallel_loop3A_267 = arith.andi %parallel_loop3A_263, %parallel_loop3A_266 : i1
        %parallel_loop3A_268 = arith.constant 1 : i32
        %parallel_loop3A_269 = arith.subi %parallel_loop3A_248, %parallel_loop3A_268 : i32
        %parallel_loop3A_270 = arith.select %parallel_loop3A_267, %parallel_loop3A_269, %parallel_loop3A_248 : i32
        %parallel_loop3A_271 = arith.constant 0 : i32
        %parallel_loop3A_272 = arith.cmpi eq, %parallel_loop3A_247, %parallel_loop3A_271 : i32
        %parallel_loop3A_273 = arith.constant 1 : i32
        %parallel_loop3A_274 = arith.select %parallel_loop3A_272, %parallel_loop3A_273, %parallel_loop3A_247 : i32
        %parallel_loop3A_275 = arith.remsi %parallel_loop3A_246, %parallel_loop3A_274 : i32
        %parallel_loop3A_276 = arith.constant 0 : i32
        %parallel_loop3A_277 = arith.cmpi ne, %parallel_loop3A_275, %parallel_loop3A_276 : i32
        %parallel_loop3A_278 = arith.constant 0 : i32
        %parallel_loop3A_279 = arith.cmpi slt, %parallel_loop3A_275, %parallel_loop3A_278 : i32
        %parallel_loop3A_280 = arith.constant 0 : i32
        %parallel_loop3A_281 = arith.cmpi slt, %parallel_loop3A_274, %parallel_loop3A_280 : i32
        %parallel_loop3A_282 = arith.xori %parallel_loop3A_279, %parallel_loop3A_281 : i1
        %parallel_loop3A_283 = arith.andi %parallel_loop3A_282, %parallel_loop3A_277 : i1
        %parallel_loop3A_284 = arith.addi %parallel_loop3A_275, %parallel_loop3A_274 : i32
        %parallel_loop3A_285 = arith.select %parallel_loop3A_283, %parallel_loop3A_284, %parallel_loop3A_275 : i32
        %parallel_loop3A_286 = arith.constant 0 : i32
        %parallel_loop3A_287 = arith.index_cast %parallel_loop3A_286 : i32 to index
        %parallel_loop3A_288 = arith.index_cast %parallel_loop3A_270 : i32 to index
        %parallel_loop3A_289 = arith.index_cast %parallel_loop3A_285 : i32 to index
        %parallel_loop3A_290 = tpu.vector_load %arg7[%parallel_loop3A_287, %parallel_loop3A_288, %parallel_loop3A_289] {strides = array<i32>} : memref<2x2x512xi32, #tpu.memory_space<vmem>>, vector<16xi32>,
        %parallel_loop3A_291 = arith.constant 0 : i32
        %parallel_loop3A_292 = vector.broadcast %parallel_loop3A_291 : i32 to vector<16xi32>
        %parallel_loop3A_293 = arith.maxsi %parallel_loop3A_290, %parallel_loop3A_292 : vector<16xi32>
        %parallel_loop3A_294 = arith.constant 21 : i32
        %parallel_loop3A_295 = vector.broadcast %parallel_loop3A_294 : i32 to vector<16xi32>
        %parallel_loop3A_296 = arith.minsi %parallel_loop3A_293, %parallel_loop3A_295 : vector<16xi32>
        %parallel_loop3A_297 = arith.constant 16 : i32
        %parallel_loop3A_298 = vector.broadcast %parallel_loop3A_297 : i32 to vector<16xi32>
        %parallel_loop3A_299 = arith.muli %parallel_loop3A_296, %parallel_loop3A_298 : vector<16xi32>
        %parallel_loop3A_300 = arith.addi %parallel_loop3A_299, %iota3A : vector<16xi32>
        %parallel_loop3A_301 = arith.constant 0 : i32
        %parallel_loop3A_302 = tpu.memref_slice %arg6[%parallel_loop3A_301] : memref<11264xf32, #tpu.memory_space<vmem>> -> memref<352xf32, #tpu.memory_space<vmem>>
        %parallel_loop3A_303 = tpu.vector_load_idx %parallel_loop3A_302[%parallel_loop3A_300] : memref<352xf32, #tpu.memory_space<vmem>>[vector<16xi32>], vector<16xf32>,
        %parallel_loop3A_304 = arith.constant 0 : i32
        %parallel_loop3A_305 = arith.constant 0 : i32
        %parallel_loop3A_306 = arith.index_cast %parallel_loop3A_304 : i32 to index
        %parallel_loop3A_307 = arith.index_cast %parallel_loop3A_305 : i32 to index
        %parallel_loop3A_308 = arith.index_cast %parallel_loop3A_270 : i32 to index
        %parallel_loop3A_309 = arith.index_cast %parallel_loop3A_285 : i32 to index
        %parallel_loop3A_310 = tpu.vector_load %arg8[%parallel_loop3A_306, %parallel_loop3A_307, %parallel_loop3A_308, %parallel_loop3A_309] {strides = array<i32>} : memref<2x32x2x512xf32, #tpu.memory_space<vmem>>, vector<16xf32>,
        tpu.vector_store %arg8[%parallel_loop3A_306, %parallel_loop3A_307, %parallel_loop3A_308, %parallel_loop3A_309], %parallel_loop3A_303 {strides = array<i32>} : memref<2x32x2x512xf32, #tpu.memory_space<vmem>>, vector<16xf32>,
        %parallel_loop3A_311 = arith.constant 352 : i32
        %parallel_loop3A_312 = tpu.memref_slice %arg6[%parallel_loop3A_311] : memref<11264xf32, #tpu.memory_space<vmem>> -> memref<352xf32, #tpu.memory_space<vmem>>
        %parallel_loop3A_313 = tpu.vector_load_idx %parallel_loop3A_312[%parallel_loop3A_300] : memref<352xf32, #tpu.memory_space<vmem>>[vector<16xi32>], vector<16xf32>,
        %parallel_loop3A_314 = arith.constant 0 : i32
        %parallel_loop3A_315 = arith.constant 1 : i32
        %parallel_loop3A_316 = arith.index_cast %parallel_loop3A_314 : i32 to index
        %parallel_loop3A_317 = arith.index_cast %parallel_loop3A_315 : i32 to index
        %parallel_loop3A_318 = arith.index_cast %parallel_loop3A_270 : i32 to index
        %parallel_loop3A_319 = arith.index_cast %parallel_loop3A_285 : i32 to index
        %parallel_loop3A_320 = tpu.vector_load %arg8[%parallel_loop3A_316, %parallel_loop3A_317, %parallel_loop3A_318, %parallel_loop3A_319] {strides = array<i32>} : memref<2x32x2x512xf32, #tpu.memory_space<vmem>>, vector<16xf32>,
        tpu.vector_store %arg8[%parallel_loop3A_316, %parallel_loop3A_317, %parallel_loop3A_318, %parallel_loop3A_319], %parallel_loop3A_313 {strides = array<i32>} : memref<2x32x2x512xf32, #tpu.memory_space<vmem>>, vector<16xf32>,
        %parallel_loop3A_321 = arith.constant 704 : i32
        %parallel_loop3A_322 = tpu.memref_slice %arg6[%parallel_loop3A_321] : memref<11264xf32, #tpu.memory_space<vmem>> -> memref<352xf32, #tpu.memory_space<vmem>>
        %parallel_loop3A_323 = tpu.vector_load_idx %parallel_loop3A_322[%parallel_loop3A_300] : memref<352xf32, #tpu.memory_space<vmem>>[vector<16xi32>], vector<16xf32>,
        %parallel_loop3A_324 = arith.constant 0 : i32
        %parallel_loop3A_325 = arith.constant 2 : i32
        %parallel_loop3A_326 = arith.index_cast %parallel_loop3A_324 : i32 to index
        %parallel_loop3A_327 = arith.index_cast %parallel_loop3A_325 : i32 to index
        %parallel_loop3A_328 = arith.index_cast %parallel_loop3A_270 : i32 to index
        %parallel_loop3A_329 = arith.index_cast %parallel_loop3A_285 : i32 to index
        %parallel_loop3A_330 = tpu.vector_load %arg8[%parallel_loop3A_326, %parallel_loop3A_327, %parallel_loop3A_328, %parallel_loop3A_329] {strides = array<i32>} : memref<2x32x2x512xf32, #tpu.memory_space<vmem>>, vector<16xf32>,
        tpu.vector_store %arg8[%parallel_loop3A_326, %parallel_loop3A_327, %parallel_loop3A_328, %parallel_loop3A_329], %parallel_loop3A_323 {strides = array<i32>} : memref<2x32x2x512xf32, #tpu.memory_space<vmem>>, vector<16xf32>,
        %parallel_loop3A_331 = arith.constant 1056 : i32
        %parallel_loop3A_332 = tpu.memref_slice %arg6[%parallel_loop3A_331] : memref<11264xf32, #tpu.memory_space<vmem>> -> memref<352xf32, #tpu.memory_space<vmem>>
        %parallel_loop3A_333 = tpu.vector_load_idx %parallel_loop3A_332[%parallel_loop3A_300] : memref<352xf32, #tpu.memory_space<vmem>>[vector<16xi32>], vector<16xf32>,
        %parallel_loop3A_334 = arith.constant 0 : i32
        %parallel_loop3A_335 = arith.constant 3 : i32
        %parallel_loop3A_336 = arith.index_cast %parallel_loop3A_334 : i32 to index
        %parallel_loop3A_337 = arith.index_cast %parallel_loop3A_335 : i32 to index
        %parallel_loop3A_338 = arith.index_cast %parallel_loop3A_270 : i32 to index
        %parallel_loop3A_339 = arith.index_cast %parallel_loop3A_285 : i32 to index
        %parallel_loop3A_340 = tpu.vector_load %arg8[%parallel_loop3A_336, %parallel_loop3A_337, %parallel_loop3A_338, %parallel_loop3A_339] {strides = array<i32>} : memref<2x32x2x512xf32, #tpu.memory_space<vmem>>, vector<16xf32>,
        tpu.vector_store %arg8[%parallel_loop3A_336, %parallel_loop3A_337, %parallel_loop3A_338, %parallel_loop3A_339], %parallel_loop3A_333 {strides = array<i32>} : memref<2x32x2x512xf32, #tpu.memory_space<vmem>>, vector<16xf32>,
        %parallel_loop3A_341 = arith.constant 1408 : i32
        %parallel_loop3A_342 = tpu.memref_slice %arg6[%parallel_loop3A_341] : memref<11264xf32, #tpu.memory_space<vmem>> -> memref<352xf32, #tpu.memory_space<vmem>>
        %parallel_loop3A_343 = tpu.vector_load_idx %parallel_loop3A_342[%parallel_loop3A_300] : memref<352xf32, #tpu.memory_space<vmem>>[vector<16xi32>], vector<16xf32>,
        %parallel_loop3A_344 = arith.constant 0 : i32
        %parallel_loop3A_345 = arith.constant 4 : i32
        %parallel_loop3A_346 = arith.index_cast %parallel_loop3A_344 : i32 to index
        %parallel_loop3A_347 = arith.index_cast %parallel_loop3A_345 : i32 to index
        %parallel_loop3A_348 = arith.index_cast %parallel_loop3A_270 : i32 to index
        %parallel_loop3A_349 = arith.index_cast %parallel_loop3A_285 : i32 to index
        %parallel_loop3A_350 = tpu.vector_load %arg8[%parallel_loop3A_346, %parallel_loop3A_347, %parallel_loop3A_348, %parallel_loop3A_349] {strides = array<i32>} : memref<2x32x2x512xf32, #tpu.memory_space<vmem>>, vector<16xf32>,
        tpu.vector_store %arg8[%parallel_loop3A_346, %parallel_loop3A_347, %parallel_loop3A_348, %parallel_loop3A_349], %parallel_loop3A_343 {strides = array<i32>} : memref<2x32x2x512xf32, #tpu.memory_space<vmem>>, vector<16xf32>,
        %parallel_loop3A_351 = arith.constant 1760 : i32
        %parallel_loop3A_352 = tpu.memref_slice %arg6[%parallel_loop3A_351] : memref<11264xf32, #tpu.memory_space<vmem>> -> memref<352xf32, #tpu.memory_space<vmem>>
        %parallel_loop3A_353 = tpu.vector_load_idx %parallel_loop3A_352[%parallel_loop3A_300] : memref<352xf32, #tpu.memory_space<vmem>>[vector<16xi32>], vector<16xf32>,
        %parallel_loop3A_354 = arith.constant 0 : i32
        %parallel_loop3A_355 = arith.constant 5 : i32
        %parallel_loop3A_356 = arith.index_cast %parallel_loop3A_354 : i32 to index
        %parallel_loop3A_357 = arith.index_cast %parallel_loop3A_355 : i32 to index
        %parallel_loop3A_358 = arith.index_cast %parallel_loop3A_270 : i32 to index
        %parallel_loop3A_359 = arith.index_cast %parallel_loop3A_285 : i32 to index
        %parallel_loop3A_360 = tpu.vector_load %arg8[%parallel_loop3A_356, %parallel_loop3A_357, %parallel_loop3A_358, %parallel_loop3A_359] {strides = array<i32>} : memref<2x32x2x512xf32, #tpu.memory_space<vmem>>, vector<16xf32>,
        tpu.vector_store %arg8[%parallel_loop3A_356, %parallel_loop3A_357, %parallel_loop3A_358, %parallel_loop3A_359], %parallel_loop3A_353 {strides = array<i32>} : memref<2x32x2x512xf32, #tpu.memory_space<vmem>>, vector<16xf32>,
        %parallel_loop3A_361 = arith.constant 2112 : i32
        %parallel_loop3A_362 = tpu.memref_slice %arg6[%parallel_loop3A_361] : memref<11264xf32, #tpu.memory_space<vmem>> -> memref<352xf32, #tpu.memory_space<vmem>>
        %parallel_loop3A_363 = tpu.vector_load_idx %parallel_loop3A_362[%parallel_loop3A_300] : memref<352xf32, #tpu.memory_space<vmem>>[vector<16xi32>], vector<16xf32>,
        %parallel_loop3A_364 = arith.constant 0 : i32
        %parallel_loop3A_365 = arith.constant 6 : i32
        %parallel_loop3A_366 = arith.index_cast %parallel_loop3A_364 : i32 to index
        %parallel_loop3A_367 = arith.index_cast %parallel_loop3A_365 : i32 to index
        %parallel_loop3A_368 = arith.index_cast %parallel_loop3A_270 : i32 to index
        %parallel_loop3A_369 = arith.index_cast %parallel_loop3A_285 : i32 to index
        %parallel_loop3A_370 = tpu.vector_load %arg8[%parallel_loop3A_366, %parallel_loop3A_367, %parallel_loop3A_368, %parallel_loop3A_369] {strides = array<i32>} : memref<2x32x2x512xf32, #tpu.memory_space<vmem>>, vector<16xf32>,
        tpu.vector_store %arg8[%parallel_loop3A_366, %parallel_loop3A_367, %parallel_loop3A_368, %parallel_loop3A_369], %parallel_loop3A_363 {strides = array<i32>} : memref<2x32x2x512xf32, #tpu.memory_space<vmem>>, vector<16xf32>,
        %parallel_loop3A_371 = arith.constant 2464 : i32
        %parallel_loop3A_372 = tpu.memref_slice %arg6[%parallel_loop3A_371] : memref<11264xf32, #tpu.memory_space<vmem>> -> memref<352xf32, #tpu.memory_space<vmem>>
        %parallel_loop3A_373 = tpu.vector_load_idx %parallel_loop3A_372[%parallel_loop3A_300] : memref<352xf32, #tpu.memory_space<vmem>>[vector<16xi32>], vector<16xf32>,
        %parallel_loop3A_374 = arith.constant 0 : i32
        %parallel_loop3A_375 = arith.constant 7 : i32
        %parallel_loop3A_376 = arith.index_cast %parallel_loop3A_374 : i32 to index
        %parallel_loop3A_377 = arith.index_cast %parallel_loop3A_375 : i32 to index
        %parallel_loop3A_378 = arith.index_cast %parallel_loop3A_270 : i32 to index
        %parallel_loop3A_379 = arith.index_cast %parallel_loop3A_285 : i32 to index
        %parallel_loop3A_380 = tpu.vector_load %arg8[%parallel_loop3A_376, %parallel_loop3A_377, %parallel_loop3A_378, %parallel_loop3A_379] {strides = array<i32>} : memref<2x32x2x512xf32, #tpu.memory_space<vmem>>, vector<16xf32>,
        tpu.vector_store %arg8[%parallel_loop3A_376, %parallel_loop3A_377, %parallel_loop3A_378, %parallel_loop3A_379], %parallel_loop3A_373 {strides = array<i32>} : memref<2x32x2x512xf32, #tpu.memory_space<vmem>>, vector<16xf32>,
        %parallel_loop3A_381 = arith.constant 2816 : i32
        %parallel_loop3A_382 = tpu.memref_slice %arg6[%parallel_loop3A_381] : memref<11264xf32, #tpu.memory_space<vmem>> -> memref<352xf32, #tpu.memory_space<vmem>>
        %parallel_loop3A_383 = tpu.vector_load_idx %parallel_loop3A_382[%parallel_loop3A_300] : memref<352xf32, #tpu.memory_space<vmem>>[vector<16xi32>], vector<16xf32>,
        %parallel_loop3A_384 = arith.constant 0 : i32
        %parallel_loop3A_385 = arith.constant 8 : i32
        %parallel_loop3A_386 = arith.index_cast %parallel_loop3A_384 : i32 to index
        %parallel_loop3A_387 = arith.index_cast %parallel_loop3A_385 : i32 to index
        %parallel_loop3A_388 = arith.index_cast %parallel_loop3A_270 : i32 to index
        %parallel_loop3A_389 = arith.index_cast %parallel_loop3A_285 : i32 to index
        %parallel_loop3A_390 = tpu.vector_load %arg8[%parallel_loop3A_386, %parallel_loop3A_387, %parallel_loop3A_388, %parallel_loop3A_389] {strides = array<i32>} : memref<2x32x2x512xf32, #tpu.memory_space<vmem>>, vector<16xf32>,
        tpu.vector_store %arg8[%parallel_loop3A_386, %parallel_loop3A_387, %parallel_loop3A_388, %parallel_loop3A_389], %parallel_loop3A_383 {strides = array<i32>} : memref<2x32x2x512xf32, #tpu.memory_space<vmem>>, vector<16xf32>,
        %parallel_loop3A_391 = arith.constant 3168 : i32
        %parallel_loop3A_392 = tpu.memref_slice %arg6[%parallel_loop3A_391] : memref<11264xf32, #tpu.memory_space<vmem>> -> memref<352xf32, #tpu.memory_space<vmem>>
        %parallel_loop3A_393 = tpu.vector_load_idx %parallel_loop3A_392[%parallel_loop3A_300] : memref<352xf32, #tpu.memory_space<vmem>>[vector<16xi32>], vector<16xf32>,
        %parallel_loop3A_394 = arith.constant 0 : i32
        %parallel_loop3A_395 = arith.constant 9 : i32
        %parallel_loop3A_396 = arith.index_cast %parallel_loop3A_394 : i32 to index
        %parallel_loop3A_397 = arith.index_cast %parallel_loop3A_395 : i32 to index
        %parallel_loop3A_398 = arith.index_cast %parallel_loop3A_270 : i32 to index
        %parallel_loop3A_399 = arith.index_cast %parallel_loop3A_285 : i32 to index
        %parallel_loop3A_400 = tpu.vector_load %arg8[%parallel_loop3A_396, %parallel_loop3A_397, %parallel_loop3A_398, %parallel_loop3A_399] {strides = array<i32>} : memref<2x32x2x512xf32, #tpu.memory_space<vmem>>, vector<16xf32>,
        tpu.vector_store %arg8[%parallel_loop3A_396, %parallel_loop3A_397, %parallel_loop3A_398, %parallel_loop3A_399], %parallel_loop3A_393 {strides = array<i32>} : memref<2x32x2x512xf32, #tpu.memory_space<vmem>>, vector<16xf32>,
        %parallel_loop3A_401 = arith.constant 3520 : i32
        %parallel_loop3A_402 = tpu.memref_slice %arg6[%parallel_loop3A_401] : memref<11264xf32, #tpu.memory_space<vmem>> -> memref<352xf32, #tpu.memory_space<vmem>>
        %parallel_loop3A_403 = tpu.vector_load_idx %parallel_loop3A_402[%parallel_loop3A_300] : memref<352xf32, #tpu.memory_space<vmem>>[vector<16xi32>], vector<16xf32>,
        %parallel_loop3A_404 = arith.constant 0 : i32
        %parallel_loop3A_405 = arith.constant 10 : i32
        %parallel_loop3A_406 = arith.index_cast %parallel_loop3A_404 : i32 to index
        %parallel_loop3A_407 = arith.index_cast %parallel_loop3A_405 : i32 to index
        %parallel_loop3A_408 = arith.index_cast %parallel_loop3A_270 : i32 to index
        %parallel_loop3A_409 = arith.index_cast %parallel_loop3A_285 : i32 to index
        %parallel_loop3A_410 = tpu.vector_load %arg8[%parallel_loop3A_406, %parallel_loop3A_407, %parallel_loop3A_408, %parallel_loop3A_409] {strides = array<i32>} : memref<2x32x2x512xf32, #tpu.memory_space<vmem>>, vector<16xf32>,
        tpu.vector_store %arg8[%parallel_loop3A_406, %parallel_loop3A_407, %parallel_loop3A_408, %parallel_loop3A_409], %parallel_loop3A_403 {strides = array<i32>} : memref<2x32x2x512xf32, #tpu.memory_space<vmem>>, vector<16xf32>,
        %parallel_loop3A_411 = arith.constant 3872 : i32
        %parallel_loop3A_412 = tpu.memref_slice %arg6[%parallel_loop3A_411] : memref<11264xf32, #tpu.memory_space<vmem>> -> memref<352xf32, #tpu.memory_space<vmem>>
        %parallel_loop3A_413 = tpu.vector_load_idx %parallel_loop3A_412[%parallel_loop3A_300] : memref<352xf32, #tpu.memory_space<vmem>>[vector<16xi32>], vector<16xf32>,
        %parallel_loop3A_414 = arith.constant 0 : i32
        %parallel_loop3A_415 = arith.constant 11 : i32
        %parallel_loop3A_416 = arith.index_cast %parallel_loop3A_414 : i32 to index
        %parallel_loop3A_417 = arith.index_cast %parallel_loop3A_415 : i32 to index
        %parallel_loop3A_418 = arith.index_cast %parallel_loop3A_270 : i32 to index
        %parallel_loop3A_419 = arith.index_cast %parallel_loop3A_285 : i32 to index
        %parallel_loop3A_420 = tpu.vector_load %arg8[%parallel_loop3A_416, %parallel_loop3A_417, %parallel_loop3A_418, %parallel_loop3A_419] {strides = array<i32>} : memref<2x32x2x512xf32, #tpu.memory_space<vmem>>, vector<16xf32>,
        tpu.vector_store %arg8[%parallel_loop3A_416, %parallel_loop3A_417, %parallel_loop3A_418, %parallel_loop3A_419], %parallel_loop3A_413 {strides = array<i32>} : memref<2x32x2x512xf32, #tpu.memory_space<vmem>>, vector<16xf32>,
        %parallel_loop3A_421 = arith.constant 4224 : i32
        %parallel_loop3A_422 = tpu.memref_slice %arg6[%parallel_loop3A_421] : memref<11264xf32, #tpu.memory_space<vmem>> -> memref<352xf32, #tpu.memory_space<vmem>>
        %parallel_loop3A_423 = tpu.vector_load_idx %parallel_loop3A_422[%parallel_loop3A_300] : memref<352xf32, #tpu.memory_space<vmem>>[vector<16xi32>], vector<16xf32>,
        %parallel_loop3A_424 = arith.constant 0 : i32
        %parallel_loop3A_425 = arith.constant 12 : i32
        %parallel_loop3A_426 = arith.index_cast %parallel_loop3A_424 : i32 to index
        %parallel_loop3A_427 = arith.index_cast %parallel_loop3A_425 : i32 to index
        %parallel_loop3A_428 = arith.index_cast %parallel_loop3A_270 : i32 to index
        %parallel_loop3A_429 = arith.index_cast %parallel_loop3A_285 : i32 to index
        %parallel_loop3A_430 = tpu.vector_load %arg8[%parallel_loop3A_426, %parallel_loop3A_427, %parallel_loop3A_428, %parallel_loop3A_429] {strides = array<i32>} : memref<2x32x2x512xf32, #tpu.memory_space<vmem>>, vector<16xf32>,
        tpu.vector_store %arg8[%parallel_loop3A_426, %parallel_loop3A_427, %parallel_loop3A_428, %parallel_loop3A_429], %parallel_loop3A_423 {strides = array<i32>} : memref<2x32x2x512xf32, #tpu.memory_space<vmem>>, vector<16xf32>,
        %parallel_loop3A_431 = arith.constant 4576 : i32
        %parallel_loop3A_432 = tpu.memref_slice %arg6[%parallel_loop3A_431] : memref<11264xf32, #tpu.memory_space<vmem>> -> memref<352xf32, #tpu.memory_space<vmem>>
        %parallel_loop3A_433 = tpu.vector_load_idx %parallel_loop3A_432[%parallel_loop3A_300] : memref<352xf32, #tpu.memory_space<vmem>>[vector<16xi32>], vector<16xf32>,
        %parallel_loop3A_434 = arith.constant 0 : i32
        %parallel_loop3A_435 = arith.constant 13 : i32
        %parallel_loop3A_436 = arith.index_cast %parallel_loop3A_434 : i32 to index
        %parallel_loop3A_437 = arith.index_cast %parallel_loop3A_435 : i32 to index
        %parallel_loop3A_438 = arith.index_cast %parallel_loop3A_270 : i32 to index
        %parallel_loop3A_439 = arith.index_cast %parallel_loop3A_285 : i32 to index
        %parallel_loop3A_440 = tpu.vector_load %arg8[%parallel_loop3A_436, %parallel_loop3A_437, %parallel_loop3A_438, %parallel_loop3A_439] {strides = array<i32>} : memref<2x32x2x512xf32, #tpu.memory_space<vmem>>, vector<16xf32>,
        tpu.vector_store %arg8[%parallel_loop3A_436, %parallel_loop3A_437, %parallel_loop3A_438, %parallel_loop3A_439], %parallel_loop3A_433 {strides = array<i32>} : memref<2x32x2x512xf32, #tpu.memory_space<vmem>>, vector<16xf32>,
        %parallel_loop3A_441 = arith.constant 4928 : i32
        %parallel_loop3A_442 = tpu.memref_slice %arg6[%parallel_loop3A_441] : memref<11264xf32, #tpu.memory_space<vmem>> -> memref<352xf32, #tpu.memory_space<vmem>>
        %parallel_loop3A_443 = tpu.vector_load_idx %parallel_loop3A_442[%parallel_loop3A_300] : memref<352xf32, #tpu.memory_space<vmem>>[vector<16xi32>], vector<16xf32>,
        %parallel_loop3A_444 = arith.constant 0 : i32
        %parallel_loop3A_445 = arith.constant 14 : i32
        %parallel_loop3A_446 = arith.index_cast %parallel_loop3A_444 : i32 to index
        %parallel_loop3A_447 = arith.index_cast %parallel_loop3A_445 : i32 to index
        %parallel_loop3A_448 = arith.index_cast %parallel_loop3A_270 : i32 to index
        %parallel_loop3A_449 = arith.index_cast %parallel_loop3A_285 : i32 to index
        %parallel_loop3A_450 = tpu.vector_load %arg8[%parallel_loop3A_446, %parallel_loop3A_447, %parallel_loop3A_448, %parallel_loop3A_449] {strides = array<i32>} : memref<2x32x2x512xf32, #tpu.memory_space<vmem>>, vector<16xf32>,
        tpu.vector_store %arg8[%parallel_loop3A_446, %parallel_loop3A_447, %parallel_loop3A_448, %parallel_loop3A_449], %parallel_loop3A_443 {strides = array<i32>} : memref<2x32x2x512xf32, #tpu.memory_space<vmem>>, vector<16xf32>,
        %parallel_loop3A_451 = arith.constant 5280 : i32
        %parallel_loop3A_452 = tpu.memref_slice %arg6[%parallel_loop3A_451] : memref<11264xf32, #tpu.memory_space<vmem>> -> memref<352xf32, #tpu.memory_space<vmem>>
        %parallel_loop3A_453 = tpu.vector_load_idx %parallel_loop3A_452[%parallel_loop3A_300] : memref<352xf32, #tpu.memory_space<vmem>>[vector<16xi32>], vector<16xf32>,
        %parallel_loop3A_454 = arith.constant 0 : i32
        %parallel_loop3A_455 = arith.constant 15 : i32
        %parallel_loop3A_456 = arith.index_cast %parallel_loop3A_454 : i32 to index
        %parallel_loop3A_457 = arith.index_cast %parallel_loop3A_455 : i32 to index
        %parallel_loop3A_458 = arith.index_cast %parallel_loop3A_270 : i32 to index
        %parallel_loop3A_459 = arith.index_cast %parallel_loop3A_285 : i32 to index
        %parallel_loop3A_460 = tpu.vector_load %arg8[%parallel_loop3A_456, %parallel_loop3A_457, %parallel_loop3A_458, %parallel_loop3A_459] {strides = array<i32>} : memref<2x32x2x512xf32, #tpu.memory_space<vmem>>, vector<16xf32>,
        tpu.vector_store %arg8[%parallel_loop3A_456, %parallel_loop3A_457, %parallel_loop3A_458, %parallel_loop3A_459], %parallel_loop3A_453 {strides = array<i32>} : memref<2x32x2x512xf32, #tpu.memory_space<vmem>>, vector<16xf32>,
        %parallel_loop3A_461 = arith.constant 5632 : i32
        %parallel_loop3A_462 = tpu.memref_slice %arg6[%parallel_loop3A_461] : memref<11264xf32, #tpu.memory_space<vmem>> -> memref<352xf32, #tpu.memory_space<vmem>>
        %parallel_loop3A_463 = tpu.vector_load_idx %parallel_loop3A_462[%parallel_loop3A_300] : memref<352xf32, #tpu.memory_space<vmem>>[vector<16xi32>], vector<16xf32>,
        %parallel_loop3A_464 = arith.constant 0 : i32
        %parallel_loop3A_465 = arith.constant 16 : i32
        %parallel_loop3A_466 = arith.index_cast %parallel_loop3A_464 : i32 to index
        %parallel_loop3A_467 = arith.index_cast %parallel_loop3A_465 : i32 to index
        %parallel_loop3A_468 = arith.index_cast %parallel_loop3A_270 : i32 to index
        %parallel_loop3A_469 = arith.index_cast %parallel_loop3A_285 : i32 to index
        %parallel_loop3A_470 = tpu.vector_load %arg8[%parallel_loop3A_466, %parallel_loop3A_467, %parallel_loop3A_468, %parallel_loop3A_469] {strides = array<i32>} : memref<2x32x2x512xf32, #tpu.memory_space<vmem>>, vector<16xf32>,
        tpu.vector_store %arg8[%parallel_loop3A_466, %parallel_loop3A_467, %parallel_loop3A_468, %parallel_loop3A_469], %parallel_loop3A_463 {strides = array<i32>} : memref<2x32x2x512xf32, #tpu.memory_space<vmem>>, vector<16xf32>,
        %parallel_loop3A_471 = arith.constant 5984 : i32
        %parallel_loop3A_472 = tpu.memref_slice %arg6[%parallel_loop3A_471] : memref<11264xf32, #tpu.memory_space<vmem>> -> memref<352xf32, #tpu.memory_space<vmem>>
        %parallel_loop3A_473 = tpu.vector_load_idx %parallel_loop3A_472[%parallel_loop3A_300] : memref<352xf32, #tpu.memory_space<vmem>>[vector<16xi32>], vector<16xf32>,
        %parallel_loop3A_474 = arith.constant 0 : i32
        %parallel_loop3A_475 = arith.constant 17 : i32
        %parallel_loop3A_476 = arith.index_cast %parallel_loop3A_474 : i32 to index
        %parallel_loop3A_477 = arith.index_cast %parallel_loop3A_475 : i32 to index
        %parallel_loop3A_478 = arith.index_cast %parallel_loop3A_270 : i32 to index
        %parallel_loop3A_479 = arith.index_cast %parallel_loop3A_285 : i32 to index
        %parallel_loop3A_480 = tpu.vector_load %arg8[%parallel_loop3A_476, %parallel_loop3A_477, %parallel_loop3A_478, %parallel_loop3A_479] {strides = array<i32>} : memref<2x32x2x512xf32, #tpu.memory_space<vmem>>, vector<16xf32>,
        tpu.vector_store %arg8[%parallel_loop3A_476, %parallel_loop3A_477, %parallel_loop3A_478, %parallel_loop3A_479], %parallel_loop3A_473 {strides = array<i32>} : memref<2x32x2x512xf32, #tpu.memory_space<vmem>>, vector<16xf32>,
        %parallel_loop3A_481 = arith.constant 6336 : i32
        %parallel_loop3A_482 = tpu.memref_slice %arg6[%parallel_loop3A_481] : memref<11264xf32, #tpu.memory_space<vmem>> -> memref<352xf32, #tpu.memory_space<vmem>>
        %parallel_loop3A_483 = tpu.vector_load_idx %parallel_loop3A_482[%parallel_loop3A_300] : memref<352xf32, #tpu.memory_space<vmem>>[vector<16xi32>], vector<16xf32>,
        %parallel_loop3A_484 = arith.constant 0 : i32
        %parallel_loop3A_485 = arith.constant 18 : i32
        %parallel_loop3A_486 = arith.index_cast %parallel_loop3A_484 : i32 to index
        %parallel_loop3A_487 = arith.index_cast %parallel_loop3A_485 : i32 to index
        %parallel_loop3A_488 = arith.index_cast %parallel_loop3A_270 : i32 to index
        %parallel_loop3A_489 = arith.index_cast %parallel_loop3A_285 : i32 to index
        %parallel_loop3A_490 = tpu.vector_load %arg8[%parallel_loop3A_486, %parallel_loop3A_487, %parallel_loop3A_488, %parallel_loop3A_489] {strides = array<i32>} : memref<2x32x2x512xf32, #tpu.memory_space<vmem>>, vector<16xf32>,
        tpu.vector_store %arg8[%parallel_loop3A_486, %parallel_loop3A_487, %parallel_loop3A_488, %parallel_loop3A_489], %parallel_loop3A_483 {strides = array<i32>} : memref<2x32x2x512xf32, #tpu.memory_space<vmem>>, vector<16xf32>,
        %parallel_loop3A_491 = arith.constant 6688 : i32
        %parallel_loop3A_492 = tpu.memref_slice %arg6[%parallel_loop3A_491] : memref<11264xf32, #tpu.memory_space<vmem>> -> memref<352xf32, #tpu.memory_space<vmem>>
        %parallel_loop3A_493 = tpu.vector_load_idx %parallel_loop3A_492[%parallel_loop3A_300] : memref<352xf32, #tpu.memory_space<vmem>>[vector<16xi32>], vector<16xf32>,
        %parallel_loop3A_494 = arith.constant 0 : i32
        %parallel_loop3A_495 = arith.constant 19 : i32
        %parallel_loop3A_496 = arith.index_cast %parallel_loop3A_494 : i32 to index
        %parallel_loop3A_497 = arith.index_cast %parallel_loop3A_495 : i32 to index
        %parallel_loop3A_498 = arith.index_cast %parallel_loop3A_270 : i32 to index
        %parallel_loop3A_499 = arith.index_cast %parallel_loop3A_285 : i32 to index
        %parallel_loop3A_500 = tpu.vector_load %arg8[%parallel_loop3A_496, %parallel_loop3A_497, %parallel_loop3A_498, %parallel_loop3A_499] {strides = array<i32>} : memref<2x32x2x512xf32, #tpu.memory_space<vmem>>, vector<16xf32>,
        tpu.vector_store %arg8[%parallel_loop3A_496, %parallel_loop3A_497, %parallel_loop3A_498, %parallel_loop3A_499], %parallel_loop3A_493 {strides = array<i32>} : memref<2x32x2x512xf32, #tpu.memory_space<vmem>>, vector<16xf32>,
        %parallel_loop3A_501 = arith.constant 7040 : i32
        %parallel_loop3A_502 = tpu.memref_slice %arg6[%parallel_loop3A_501] : memref<11264xf32, #tpu.memory_space<vmem>> -> memref<352xf32, #tpu.memory_space<vmem>>
        %parallel_loop3A_503 = tpu.vector_load_idx %parallel_loop3A_502[%parallel_loop3A_300] : memref<352xf32, #tpu.memory_space<vmem>>[vector<16xi32>], vector<16xf32>,
        %parallel_loop3A_504 = arith.constant 0 : i32
        %parallel_loop3A_505 = arith.constant 20 : i32
        %parallel_loop3A_506 = arith.index_cast %parallel_loop3A_504 : i32 to index
        %parallel_loop3A_507 = arith.index_cast %parallel_loop3A_505 : i32 to index
        %parallel_loop3A_508 = arith.index_cast %parallel_loop3A_270 : i32 to index
        %parallel_loop3A_509 = arith.index_cast %parallel_loop3A_285 : i32 to index
        %parallel_loop3A_510 = tpu.vector_load %arg8[%parallel_loop3A_506, %parallel_loop3A_507, %parallel_loop3A_508, %parallel_loop3A_509] {strides = array<i32>} : memref<2x32x2x512xf32, #tpu.memory_space<vmem>>, vector<16xf32>,
        tpu.vector_store %arg8[%parallel_loop3A_506, %parallel_loop3A_507, %parallel_loop3A_508, %parallel_loop3A_509], %parallel_loop3A_503 {strides = array<i32>} : memref<2x32x2x512xf32, #tpu.memory_space<vmem>>, vector<16xf32>,
        %parallel_loop3A_511 = arith.constant 7392 : i32
        %parallel_loop3A_512 = tpu.memref_slice %arg6[%parallel_loop3A_511] : memref<11264xf32, #tpu.memory_space<vmem>> -> memref<352xf32, #tpu.memory_space<vmem>>
        %parallel_loop3A_513 = tpu.vector_load_idx %parallel_loop3A_512[%parallel_loop3A_300] : memref<352xf32, #tpu.memory_space<vmem>>[vector<16xi32>], vector<16xf32>,
        %parallel_loop3A_514 = arith.constant 0 : i32
        %parallel_loop3A_515 = arith.constant 21 : i32
        %parallel_loop3A_516 = arith.index_cast %parallel_loop3A_514 : i32 to index
        %parallel_loop3A_517 = arith.index_cast %parallel_loop3A_515 : i32 to index
        %parallel_loop3A_518 = arith.index_cast %parallel_loop3A_270 : i32 to index
        %parallel_loop3A_519 = arith.index_cast %parallel_loop3A_285 : i32 to index
        %parallel_loop3A_520 = tpu.vector_load %arg8[%parallel_loop3A_516, %parallel_loop3A_517, %parallel_loop3A_518, %parallel_loop3A_519] {strides = array<i32>} : memref<2x32x2x512xf32, #tpu.memory_space<vmem>>, vector<16xf32>,
        tpu.vector_store %arg8[%parallel_loop3A_516, %parallel_loop3A_517, %parallel_loop3A_518, %parallel_loop3A_519], %parallel_loop3A_513 {strides = array<i32>} : memref<2x32x2x512xf32, #tpu.memory_space<vmem>>, vector<16xf32>,
        %parallel_loop3A_521 = arith.constant 7744 : i32
        %parallel_loop3A_522 = tpu.memref_slice %arg6[%parallel_loop3A_521] : memref<11264xf32, #tpu.memory_space<vmem>> -> memref<352xf32, #tpu.memory_space<vmem>>
        %parallel_loop3A_523 = tpu.vector_load_idx %parallel_loop3A_522[%parallel_loop3A_300] : memref<352xf32, #tpu.memory_space<vmem>>[vector<16xi32>], vector<16xf32>,
        %parallel_loop3A_524 = arith.constant 0 : i32
        %parallel_loop3A_525 = arith.constant 22 : i32
        %parallel_loop3A_526 = arith.index_cast %parallel_loop3A_524 : i32 to index
        %parallel_loop3A_527 = arith.index_cast %parallel_loop3A_525 : i32 to index
        %parallel_loop3A_528 = arith.index_cast %parallel_loop3A_270 : i32 to index
        %parallel_loop3A_529 = arith.index_cast %parallel_loop3A_285 : i32 to index
        %parallel_loop3A_530 = tpu.vector_load %arg8[%parallel_loop3A_526, %parallel_loop3A_527, %parallel_loop3A_528, %parallel_loop3A_529] {strides = array<i32>} : memref<2x32x2x512xf32, #tpu.memory_space<vmem>>, vector<16xf32>,
        tpu.vector_store %arg8[%parallel_loop3A_526, %parallel_loop3A_527, %parallel_loop3A_528, %parallel_loop3A_529], %parallel_loop3A_523 {strides = array<i32>} : memref<2x32x2x512xf32, #tpu.memory_space<vmem>>, vector<16xf32>,
        %parallel_loop3A_531 = arith.constant 8096 : i32
        %parallel_loop3A_532 = tpu.memref_slice %arg6[%parallel_loop3A_531] : memref<11264xf32, #tpu.memory_space<vmem>> -> memref<352xf32, #tpu.memory_space<vmem>>
        %parallel_loop3A_533 = tpu.vector_load_idx %parallel_loop3A_532[%parallel_loop3A_300] : memref<352xf32, #tpu.memory_space<vmem>>[vector<16xi32>], vector<16xf32>,
        %parallel_loop3A_534 = arith.constant 0 : i32
        %parallel_loop3A_535 = arith.constant 23 : i32
        %parallel_loop3A_536 = arith.index_cast %parallel_loop3A_534 : i32 to index
        %parallel_loop3A_537 = arith.index_cast %parallel_loop3A_535 : i32 to index
        %parallel_loop3A_538 = arith.index_cast %parallel_loop3A_270 : i32 to index
        %parallel_loop3A_539 = arith.index_cast %parallel_loop3A_285 : i32 to index
        %parallel_loop3A_540 = tpu.vector_load %arg8[%parallel_loop3A_536, %parallel_loop3A_537, %parallel_loop3A_538, %parallel_loop3A_539] {strides = array<i32>} : memref<2x32x2x512xf32, #tpu.memory_space<vmem>>, vector<16xf32>,
        tpu.vector_store %arg8[%parallel_loop3A_536, %parallel_loop3A_537, %parallel_loop3A_538, %parallel_loop3A_539], %parallel_loop3A_533 {strides = array<i32>} : memref<2x32x2x512xf32, #tpu.memory_space<vmem>>, vector<16xf32>,
        %parallel_loop3A_541 = arith.constant 8448 : i32
        %parallel_loop3A_542 = tpu.memref_slice %arg6[%parallel_loop3A_541] : memref<11264xf32, #tpu.memory_space<vmem>> -> memref<352xf32, #tpu.memory_space<vmem>>
        %parallel_loop3A_543 = tpu.vector_load_idx %parallel_loop3A_542[%parallel_loop3A_300] : memref<352xf32, #tpu.memory_space<vmem>>[vector<16xi32>], vector<16xf32>,
        %parallel_loop3A_544 = arith.constant 0 : i32
        %parallel_loop3A_545 = arith.constant 24 : i32
        %parallel_loop3A_546 = arith.index_cast %parallel_loop3A_544 : i32 to index
        %parallel_loop3A_547 = arith.index_cast %parallel_loop3A_545 : i32 to index
        %parallel_loop3A_548 = arith.index_cast %parallel_loop3A_270 : i32 to index
        %parallel_loop3A_549 = arith.index_cast %parallel_loop3A_285 : i32 to index
        %parallel_loop3A_550 = tpu.vector_load %arg8[%parallel_loop3A_546, %parallel_loop3A_547, %parallel_loop3A_548, %parallel_loop3A_549] {strides = array<i32>} : memref<2x32x2x512xf32, #tpu.memory_space<vmem>>, vector<16xf32>,
        tpu.vector_store %arg8[%parallel_loop3A_546, %parallel_loop3A_547, %parallel_loop3A_548, %parallel_loop3A_549], %parallel_loop3A_543 {strides = array<i32>} : memref<2x32x2x512xf32, #tpu.memory_space<vmem>>, vector<16xf32>,
        %parallel_loop3A_551 = arith.constant 8800 : i32
        %parallel_loop3A_552 = tpu.memref_slice %arg6[%parallel_loop3A_551] : memref<11264xf32, #tpu.memory_space<vmem>> -> memref<352xf32, #tpu.memory_space<vmem>>
        %parallel_loop3A_553 = tpu.vector_load_idx %parallel_loop3A_552[%parallel_loop3A_300] : memref<352xf32, #tpu.memory_space<vmem>>[vector<16xi32>], vector<16xf32>,
        %parallel_loop3A_554 = arith.constant 0 : i32
        %parallel_loop3A_555 = arith.constant 25 : i32
        %parallel_loop3A_556 = arith.index_cast %parallel_loop3A_554 : i32 to index
        %parallel_loop3A_557 = arith.index_cast %parallel_loop3A_555 : i32 to index
        %parallel_loop3A_558 = arith.index_cast %parallel_loop3A_270 : i32 to index
        %parallel_loop3A_559 = arith.index_cast %parallel_loop3A_285 : i32 to index
        %parallel_loop3A_560 = tpu.vector_load %arg8[%parallel_loop3A_556, %parallel_loop3A_557, %parallel_loop3A_558, %parallel_loop3A_559] {strides = array<i32>} : memref<2x32x2x512xf32, #tpu.memory_space<vmem>>, vector<16xf32>,
        tpu.vector_store %arg8[%parallel_loop3A_556, %parallel_loop3A_557, %parallel_loop3A_558, %parallel_loop3A_559], %parallel_loop3A_553 {strides = array<i32>} : memref<2x32x2x512xf32, #tpu.memory_space<vmem>>, vector<16xf32>,
        %parallel_loop3A_561 = arith.constant 9152 : i32
        %parallel_loop3A_562 = tpu.memref_slice %arg6[%parallel_loop3A_561] : memref<11264xf32, #tpu.memory_space<vmem>> -> memref<352xf32, #tpu.memory_space<vmem>>
        %parallel_loop3A_563 = tpu.vector_load_idx %parallel_loop3A_562[%parallel_loop3A_300] : memref<352xf32, #tpu.memory_space<vmem>>[vector<16xi32>], vector<16xf32>,
        %parallel_loop3A_564 = arith.constant 0 : i32
        %parallel_loop3A_565 = arith.constant 26 : i32
        %parallel_loop3A_566 = arith.index_cast %parallel_loop3A_564 : i32 to index
        %parallel_loop3A_567 = arith.index_cast %parallel_loop3A_565 : i32 to index
        %parallel_loop3A_568 = arith.index_cast %parallel_loop3A_270 : i32 to index
        %parallel_loop3A_569 = arith.index_cast %parallel_loop3A_285 : i32 to index
        %parallel_loop3A_570 = tpu.vector_load %arg8[%parallel_loop3A_566, %parallel_loop3A_567, %parallel_loop3A_568, %parallel_loop3A_569] {strides = array<i32>} : memref<2x32x2x512xf32, #tpu.memory_space<vmem>>, vector<16xf32>,
        tpu.vector_store %arg8[%parallel_loop3A_566, %parallel_loop3A_567, %parallel_loop3A_568, %parallel_loop3A_569], %parallel_loop3A_563 {strides = array<i32>} : memref<2x32x2x512xf32, #tpu.memory_space<vmem>>, vector<16xf32>,
        %parallel_loop3A_571 = arith.constant 9504 : i32
        %parallel_loop3A_572 = tpu.memref_slice %arg6[%parallel_loop3A_571] : memref<11264xf32, #tpu.memory_space<vmem>> -> memref<352xf32, #tpu.memory_space<vmem>>
        %parallel_loop3A_573 = tpu.vector_load_idx %parallel_loop3A_572[%parallel_loop3A_300] : memref<352xf32, #tpu.memory_space<vmem>>[vector<16xi32>], vector<16xf32>,
        %parallel_loop3A_574 = arith.constant 0 : i32
        %parallel_loop3A_575 = arith.constant 27 : i32
        %parallel_loop3A_576 = arith.index_cast %parallel_loop3A_574 : i32 to index
        %parallel_loop3A_577 = arith.index_cast %parallel_loop3A_575 : i32 to index
        %parallel_loop3A_578 = arith.index_cast %parallel_loop3A_270 : i32 to index
        %parallel_loop3A_579 = arith.index_cast %parallel_loop3A_285 : i32 to index
        %parallel_loop3A_580 = tpu.vector_load %arg8[%parallel_loop3A_576, %parallel_loop3A_577, %parallel_loop3A_578, %parallel_loop3A_579] {strides = array<i32>} : memref<2x32x2x512xf32, #tpu.memory_space<vmem>>, vector<16xf32>,
        tpu.vector_store %arg8[%parallel_loop3A_576, %parallel_loop3A_577, %parallel_loop3A_578, %parallel_loop3A_579], %parallel_loop3A_573 {strides = array<i32>} : memref<2x32x2x512xf32, #tpu.memory_space<vmem>>, vector<16xf32>,
        %parallel_loop3A_581 = arith.constant 9856 : i32
        %parallel_loop3A_582 = tpu.memref_slice %arg6[%parallel_loop3A_581] : memref<11264xf32, #tpu.memory_space<vmem>> -> memref<352xf32, #tpu.memory_space<vmem>>
        %parallel_loop3A_583 = tpu.vector_load_idx %parallel_loop3A_582[%parallel_loop3A_300] : memref<352xf32, #tpu.memory_space<vmem>>[vector<16xi32>], vector<16xf32>,
        %parallel_loop3A_584 = arith.constant 0 : i32
        %parallel_loop3A_585 = arith.constant 28 : i32
        %parallel_loop3A_586 = arith.index_cast %parallel_loop3A_584 : i32 to index
        %parallel_loop3A_587 = arith.index_cast %parallel_loop3A_585 : i32 to index
        %parallel_loop3A_588 = arith.index_cast %parallel_loop3A_270 : i32 to index
        %parallel_loop3A_589 = arith.index_cast %parallel_loop3A_285 : i32 to index
        %parallel_loop3A_590 = tpu.vector_load %arg8[%parallel_loop3A_586, %parallel_loop3A_587, %parallel_loop3A_588, %parallel_loop3A_589] {strides = array<i32>} : memref<2x32x2x512xf32, #tpu.memory_space<vmem>>, vector<16xf32>,
        tpu.vector_store %arg8[%parallel_loop3A_586, %parallel_loop3A_587, %parallel_loop3A_588, %parallel_loop3A_589], %parallel_loop3A_583 {strides = array<i32>} : memref<2x32x2x512xf32, #tpu.memory_space<vmem>>, vector<16xf32>,
        %parallel_loop3A_591 = arith.constant 10208 : i32
        %parallel_loop3A_592 = tpu.memref_slice %arg6[%parallel_loop3A_591] : memref<11264xf32, #tpu.memory_space<vmem>> -> memref<352xf32, #tpu.memory_space<vmem>>
        %parallel_loop3A_593 = tpu.vector_load_idx %parallel_loop3A_592[%parallel_loop3A_300] : memref<352xf32, #tpu.memory_space<vmem>>[vector<16xi32>], vector<16xf32>,
        %parallel_loop3A_594 = arith.constant 0 : i32
        %parallel_loop3A_595 = arith.constant 29 : i32
        %parallel_loop3A_596 = arith.index_cast %parallel_loop3A_594 : i32 to index
        %parallel_loop3A_597 = arith.index_cast %parallel_loop3A_595 : i32 to index
        %parallel_loop3A_598 = arith.index_cast %parallel_loop3A_270 : i32 to index
        %parallel_loop3A_599 = arith.index_cast %parallel_loop3A_285 : i32 to index
        %parallel_loop3A_600 = tpu.vector_load %arg8[%parallel_loop3A_596, %parallel_loop3A_597, %parallel_loop3A_598, %parallel_loop3A_599] {strides = array<i32>} : memref<2x32x2x512xf32, #tpu.memory_space<vmem>>, vector<16xf32>,
        tpu.vector_store %arg8[%parallel_loop3A_596, %parallel_loop3A_597, %parallel_loop3A_598, %parallel_loop3A_599], %parallel_loop3A_593 {strides = array<i32>} : memref<2x32x2x512xf32, #tpu.memory_space<vmem>>, vector<16xf32>,
        %parallel_loop3A_601 = arith.constant 10560 : i32
        %parallel_loop3A_602 = tpu.memref_slice %arg6[%parallel_loop3A_601] : memref<11264xf32, #tpu.memory_space<vmem>> -> memref<352xf32, #tpu.memory_space<vmem>>
        %parallel_loop3A_603 = tpu.vector_load_idx %parallel_loop3A_602[%parallel_loop3A_300] : memref<352xf32, #tpu.memory_space<vmem>>[vector<16xi32>], vector<16xf32>,
        %parallel_loop3A_604 = arith.constant 0 : i32
        %parallel_loop3A_605 = arith.constant 30 : i32
        %parallel_loop3A_606 = arith.index_cast %parallel_loop3A_604 : i32 to index
        %parallel_loop3A_607 = arith.index_cast %parallel_loop3A_605 : i32 to index
        %parallel_loop3A_608 = arith.index_cast %parallel_loop3A_270 : i32 to index
        %parallel_loop3A_609 = arith.index_cast %parallel_loop3A_285 : i32 to index
        %parallel_loop3A_610 = tpu.vector_load %arg8[%parallel_loop3A_606, %parallel_loop3A_607, %parallel_loop3A_608, %parallel_loop3A_609] {strides = array<i32>} : memref<2x32x2x512xf32, #tpu.memory_space<vmem>>, vector<16xf32>,
        tpu.vector_store %arg8[%parallel_loop3A_606, %parallel_loop3A_607, %parallel_loop3A_608, %parallel_loop3A_609], %parallel_loop3A_603 {strides = array<i32>} : memref<2x32x2x512xf32, #tpu.memory_space<vmem>>, vector<16xf32>,
        %parallel_loop3A_611 = arith.constant 10912 : i32
        %parallel_loop3A_612 = tpu.memref_slice %arg6[%parallel_loop3A_611] : memref<11264xf32, #tpu.memory_space<vmem>> -> memref<352xf32, #tpu.memory_space<vmem>>
        %parallel_loop3A_613 = tpu.vector_load_idx %parallel_loop3A_612[%parallel_loop3A_300] : memref<352xf32, #tpu.memory_space<vmem>>[vector<16xi32>], vector<16xf32>,
        %parallel_loop3A_614 = arith.constant 0 : i32
        %parallel_loop3A_615 = arith.constant 31 : i32
        %parallel_loop3A_616 = arith.index_cast %parallel_loop3A_614 : i32 to index
        %parallel_loop3A_617 = arith.index_cast %parallel_loop3A_615 : i32 to index
        %parallel_loop3A_618 = arith.index_cast %parallel_loop3A_270 : i32 to index
        %parallel_loop3A_619 = arith.index_cast %parallel_loop3A_285 : i32 to index
        %parallel_loop3A_620 = tpu.vector_load %arg8[%parallel_loop3A_616, %parallel_loop3A_617, %parallel_loop3A_618, %parallel_loop3A_619] {strides = array<i32>} : memref<2x32x2x512xf32, #tpu.memory_space<vmem>>, vector<16xf32>,
        tpu.vector_store %arg8[%parallel_loop3A_616, %parallel_loop3A_617, %parallel_loop3A_618, %parallel_loop3A_619], %parallel_loop3A_613 {strides = array<i32>} : memref<2x32x2x512xf32, #tpu.memory_space<vmem>>, vector<16xf32>,
      } {sc.loop_unroll_factor = 4 : i64, sc.parallel_access}
      %mul3A_148 = arith.constant 2 : i32
      %mul3A_149 = arith.muli %add3A_121, %mul3A_148 : i32
      %add3A_150 = arith.addi %sub3A_24, %mul3A_149 : i32
      %dma_start3A_151 = arith.constant 0 : i32
      %dma_start3A_152 = arith.constant 0 : i32
      %dma_start3A_153 = arith.constant 0 : i32
      %dma_start3A_154 = arith.constant 0 : i32
      %dma_start3A_155 = arith.constant 0 : i32
      %dma_start3A_156 = tpu.memref_slice %arg8[%dma_start3A_151, %dma_start3A_153, %dma_start3A_154, %dma_start3A_155] : memref<2x32x2x512xf32, #tpu.memory_space<vmem>> -> memref<1x32x2x512xf32, #tpu.memory_space<vmem>>
      %dma_start3A_157 = tpu.memref_squeeze %dma_start3A_156 : memref<1x32x2x512xf32, #tpu.memory_space<vmem>> -> memref<32x2x512xf32, #tpu.memory_space<vmem>>
      %dma_start3A_158 = arith.constant 0 : i32
      %dma_start3A_159 = arith.constant 0 : i32
      %dma_start3A_160 = tpu.memref_slice %arg4[%select_n3A, %dma_start3A_158, %add3A_150, %dma_start3A_159] : memref<4x32x512x512xf32, #tpu.memory_space<hbm>> -> memref<1x32x2x512xf32, #tpu.memory_space<hbm>>
      %dma_start3A_161 = tpu.memref_squeeze %dma_start3A_160 : memref<1x32x2x512xf32, #tpu.memory_space<hbm>> -> memref<32x2x512xf32, #tpu.memory_space<hbm>>
      %dma_start3A_162 = tpu.memref_slice %arg10[%dma_start3A_152] : memref<2x!tpu.dma_semaphore, #tpu.memory_space<semaphore_mem>> -> memref<1x!tpu.dma_semaphore, #tpu.memory_space<semaphore_mem>>
      %dma_start3A_163 = tpu.memref_squeeze %dma_start3A_162 : memref<1x!tpu.dma_semaphore, #tpu.memory_space<semaphore_mem>> -> memref<!tpu.dma_semaphore, #tpu.memory_space<semaphore_mem>>
      %dma_start3A_164 = arith.constant 0 : i32
      %dma_start3A_165 = arith.constant 0 : i32
      %dma_start3A_166 = tpu.memref_slice %arg4[%select_n3A, %dma_start3A_164, %add3A_150, %dma_start3A_165] : memref<4x32x512x512xf32, #tpu.memory_space<hbm>> -> memref<1x32x2x512xf32, #tpu.memory_space<hbm>>
      %dma_start3A_167 = tpu.memref_squeeze %dma_start3A_166 : memref<1x32x2x512xf32, #tpu.memory_space<hbm>> -> memref<32x2x512xf32, #tpu.memory_space<hbm>>
      %dma_start3A_168 = arith.constant 0 : i32
      %dma_start3A_169 = arith.constant 0 : i32
      %dma_start3A_170 = arith.constant 0 : i32
      %dma_start3A_171 = tpu.memref_slice %arg8[%dma_start3A_151, %dma_start3A_168, %dma_start3A_169, %dma_start3A_170] : memref<2x32x2x512xf32, #tpu.memory_space<vmem>> -> memref<1x32x2x512xf32, #tpu.memory_space<vmem>>
      %dma_start3A_172 = tpu.memref_squeeze %dma_start3A_171 : memref<1x32x2x512xf32, #tpu.memory_space<vmem>> -> memref<32x2x512xf32, #tpu.memory_space<vmem>>
      tpu.enqueue_dma source(%dma_start3A_172 : memref<32x2x512xf32, #tpu.memory_space<vmem>>) target(%dma_start3A_167 : memref<32x2x512xf32, #tpu.memory_space<hbm>>) target_semaphore(%dma_start3A_163 : memref<!tpu.dma_semaphore, #tpu.memory_space<semaphore_mem>>)
      %add3A_173 = arith.constant 2 : i32
      %add3A_174 = arith.addi %add3A_121, %add3A_173 : i32
      %lt3A = arith.constant 32 : i32
      %lt3A_175 = arith.cmpi slt, %add3A_174, %lt3A : i32
      %convert_element_type3A_176 = arith.extui %lt3A_175 : i1 to i32
      %cond3A_177 = arith.constant 0 : i32
      %cond3A_178 = arith.cmpi ne, %convert_element_type3A_176, %cond3A_177 : i32
      scf.if %cond3A_178 {
        %add3A_244 = arith.constant 2 : i32
        %add3A_245 = arith.addi %add3A_121, %add3A_244 : i32
        %mul3A_246 = arith.constant 2 : i32
        %mul3A_247 = arith.muli %add3A_245, %mul3A_246 : i32
        %add3A_248 = arith.addi %sub3A_24, %mul3A_247 : i32
        %dma_start3A_249 = arith.constant 0 : i32
        %dma_start3A_250 = arith.constant 0 : i32
        %dma_start3A_251 = arith.constant 0 : i32
        %dma_start3A_252 = arith.constant 0 : i32
        %dma_start3A_253 = tpu.memref_slice %arg7[%dma_start3A_249, %dma_start3A_251, %dma_start3A_252] : memref<2x2x512xi32, #tpu.memory_space<vmem>> -> memref<1x2x512xi32, #tpu.memory_space<vmem>>
        %dma_start3A_254 = tpu.memref_squeeze %dma_start3A_253 : memref<1x2x512xi32, #tpu.memory_space<vmem>> -> memref<2x512xi32, #tpu.memory_space<vmem>>
        %dma_start3A_255 = arith.constant 0 : i32
        %dma_start3A_256 = tpu.memref_slice %arg2[%select_n3A, %add3A_248, %dma_start3A_255] : memref<4x512x512xi32, #tpu.memory_space<hbm>> -> memref<1x2x512xi32, #tpu.memory_space<hbm>>
        %dma_start3A_257 = tpu.memref_squeeze %dma_start3A_256 : memref<1x2x512xi32, #tpu.memory_space<hbm>> -> memref<2x512xi32, #tpu.memory_space<hbm>>
        %dma_start3A_258 = tpu.memref_slice %arg9[%dma_start3A_250] : memref<2x!tpu.dma_semaphore, #tpu.memory_space<semaphore_mem>> -> memref<1x!tpu.dma_semaphore, #tpu.memory_space<semaphore_mem>>
        %dma_start3A_259 = tpu.memref_squeeze %dma_start3A_258 : memref<1x!tpu.dma_semaphore, #tpu.memory_space<semaphore_mem>> -> memref<!tpu.dma_semaphore, #tpu.memory_space<semaphore_mem>>
        %dma_start3A_260 = arith.constant 0 : i32
        %dma_start3A_261 = arith.constant 0 : i32
        %dma_start3A_262 = tpu.memref_slice %arg7[%dma_start3A_249, %dma_start3A_260, %dma_start3A_261] : memref<2x2x512xi32, #tpu.memory_space<vmem>> -> memref<1x2x512xi32, #tpu.memory_space<vmem>>
        %dma_start3A_263 = tpu.memref_squeeze %dma_start3A_262 : memref<1x2x512xi32, #tpu.memory_space<vmem>> -> memref<2x512xi32, #tpu.memory_space<vmem>>
        %dma_start3A_264 = arith.constant 0 : i32
        %dma_start3A_265 = tpu.memref_slice %arg2[%select_n3A, %add3A_248, %dma_start3A_264] : memref<4x512x512xi32, #tpu.memory_space<hbm>> -> memref<1x2x512xi32, #tpu.memory_space<hbm>>
        %dma_start3A_266 = tpu.memref_squeeze %dma_start3A_265 : memref<1x2x512xi32, #tpu.memory_space<hbm>> -> memref<2x512xi32, #tpu.memory_space<hbm>>
        tpu.enqueue_dma source(%dma_start3A_266 : memref<2x512xi32, #tpu.memory_space<hbm>>) target(%dma_start3A_263 : memref<2x512xi32, #tpu.memory_space<vmem>>) target_semaphore(%dma_start3A_259 : memref<!tpu.dma_semaphore, #tpu.memory_space<semaphore_mem>>)
      } else {
      }
      %mul3A_179 = arith.constant 2 : i32
      %mul3A_180 = arith.muli %scan3A_117, %mul3A_179 : i32
      %add3A_181 = arith.constant 1 : i32
      %add3A_182 = arith.addi %mul3A_180, %add3A_181 : i32
      %dma_wait3A_183 = arith.constant 0 : i32
      %dma_wait3A_184 = arith.constant 1 : i32
      %dma_wait3A_185 = arith.constant 1 : i32
      %dma_wait3A_186 = arith.constant 0 : i32
      %dma_wait3A_187 = arith.constant 0 : i32
      %dma_wait3A_188 = tpu.memref_slice %arg7[%dma_wait3A_184, %dma_wait3A_186, %dma_wait3A_187] : memref<2x2x512xi32, #tpu.memory_space<vmem>> -> memref<1x2x512xi32, #tpu.memory_space<vmem>>
      %dma_wait3A_189 = tpu.memref_squeeze %dma_wait3A_188 : memref<1x2x512xi32, #tpu.memory_space<vmem>> -> memref<2x512xi32, #tpu.memory_space<vmem>>
      %dma_wait3A_190 = arith.constant 0 : i32
      %dma_wait3A_191 = arith.constant 0 : i32
      %dma_wait3A_192 = tpu.memref_slice %arg2[%dma_wait3A_183, %dma_wait3A_190, %dma_wait3A_191] : memref<4x512x512xi32, #tpu.memory_space<hbm>> -> memref<1x2x512xi32, #tpu.memory_space<hbm>>
      %dma_wait3A_193 = tpu.memref_squeeze %dma_wait3A_192 : memref<1x2x512xi32, #tpu.memory_space<hbm>> -> memref<2x512xi32, #tpu.memory_space<hbm>>
      %dma_wait3A_194 = tpu.memref_slice %arg9[%dma_wait3A_185] : memref<2x!tpu.dma_semaphore, #tpu.memory_space<semaphore_mem>> -> memref<1x!tpu.dma_semaphore, #tpu.memory_space<semaphore_mem>>
      %dma_wait3A_195 = tpu.memref_squeeze %dma_wait3A_194 : memref<1x!tpu.dma_semaphore, #tpu.memory_space<semaphore_mem>> -> memref<!tpu.dma_semaphore, #tpu.memory_space<semaphore_mem>>
      %dma_wait3A_196 = arith.constant 0 : i32
      %dma_wait3A_197 = arith.constant 0 : i32
      %dma_wait3A_198 = tpu.memref_slice %arg7[%dma_wait3A_184, %dma_wait3A_196, %dma_wait3A_197] : memref<2x2x512xi32, #tpu.memory_space<vmem>> -> memref<1x2x512xi32, #tpu.memory_space<vmem>>
      %dma_wait3A_199 = tpu.memref_squeeze %dma_wait3A_198 : memref<1x2x512xi32, #tpu.memory_space<vmem>> -> memref<2x512xi32, #tpu.memory_space<vmem>>
      %dma_wait3A_200 = arith.constant 0 : i32
      %dma_wait3A_201 = arith.constant 0 : i32
      %dma_wait3A_202 = tpu.memref_slice %arg2[%dma_wait3A_183, %dma_wait3A_200, %dma_wait3A_201] : memref<4x512x512xi32, #tpu.memory_space<hbm>> -> memref<1x2x512xi32, #tpu.memory_space<hbm>>
      %dma_wait3A_203 = tpu.memref_squeeze %dma_wait3A_202 : memref<1x2x512xi32, #tpu.memory_space<hbm>> -> memref<2x512xi32, #tpu.memory_space<hbm>>
      tpu.wait_dma2 semaphore(%dma_wait3A_195 : memref<!tpu.dma_semaphore, #tpu.memory_space<semaphore_mem>>) src(%dma_wait3A_203 : memref<2x512xi32, #tpu.memory_space<hbm>>) dst(%dma_wait3A_199 : memref<2x512xi32, #tpu.memory_space<vmem>>)
      %gt3A_204 = arith.constant 0 : i32
      %gt3A_205 = arith.cmpi sgt, %scan3A_117, %gt3A_204 : i32
      %convert_element_type3A_206 = arith.extui %gt3A_205 : i1 to i32
      %cond3A_207 = arith.constant 0 : i32
      %cond3A_208 = arith.cmpi ne, %convert_element_type3A_206, %cond3A_207 : i32
      scf.if %cond3A_208 {
        %dma_wait3A_244 = arith.constant 1 : i32
        %dma_wait3A_245 = arith.constant 0 : i32
        %dma_wait3A_246 = arith.constant 1 : i32
        %dma_wait3A_247 = arith.constant 0 : i32
        %dma_wait3A_248 = arith.constant 0 : i32
        %dma_wait3A_249 = arith.constant 0 : i32
        %dma_wait3A_250 = tpu.memref_slice %arg8[%dma_wait3A_244, %dma_wait3A_247, %dma_wait3A_248, %dma_wait3A_249] : memref<2x32x2x512xf32, #tpu.memory_space<vmem>> -> memref<1x32x2x512xf32, #tpu.memory_space<vmem>>
        %dma_wait3A_251 = tpu.memref_squeeze %dma_wait3A_250 : memref<1x32x2x512xf32, #tpu.memory_space<vmem>> -> memref<32x2x512xf32, #tpu.memory_space<vmem>>
        %dma_wait3A_252 = arith.constant 0 : i32
        %dma_wait3A_253 = arith.constant 0 : i32
        %dma_wait3A_254 = arith.constant 0 : i32
        %dma_wait3A_255 = tpu.memref_slice %arg4[%dma_wait3A_245, %dma_wait3A_252, %dma_wait3A_253, %dma_wait3A_254] : memref<4x32x512x512xf32, #tpu.memory_space<hbm>> -> memref<1x32x2x512xf32, #tpu.memory_space<hbm>>
        %dma_wait3A_256 = tpu.memref_squeeze %dma_wait3A_255 : memref<1x32x2x512xf32, #tpu.memory_space<hbm>> -> memref<32x2x512xf32, #tpu.memory_space<hbm>>
        %dma_wait3A_257 = tpu.memref_slice %arg10[%dma_wait3A_246] : memref<2x!tpu.dma_semaphore, #tpu.memory_space<semaphore_mem>> -> memref<1x!tpu.dma_semaphore, #tpu.memory_space<semaphore_mem>>
        %dma_wait3A_258 = tpu.memref_squeeze %dma_wait3A_257 : memref<1x!tpu.dma_semaphore, #tpu.memory_space<semaphore_mem>> -> memref<!tpu.dma_semaphore, #tpu.memory_space<semaphore_mem>>
        %dma_wait3A_259 = arith.constant 0 : i32
        %dma_wait3A_260 = arith.constant 0 : i32
        %dma_wait3A_261 = arith.constant 0 : i32
        %dma_wait3A_262 = tpu.memref_slice %arg4[%dma_wait3A_245, %dma_wait3A_259, %dma_wait3A_260, %dma_wait3A_261] : memref<4x32x512x512xf32, #tpu.memory_space<hbm>> -> memref<1x32x2x512xf32, #tpu.memory_space<hbm>>
        %dma_wait3A_263 = tpu.memref_squeeze %dma_wait3A_262 : memref<1x32x2x512xf32, #tpu.memory_space<hbm>> -> memref<32x2x512xf32, #tpu.memory_space<hbm>>
        %dma_wait3A_264 = arith.constant 0 : i32
        %dma_wait3A_265 = arith.constant 0 : i32
        %dma_wait3A_266 = arith.constant 0 : i32
        %dma_wait3A_267 = tpu.memref_slice %arg8[%dma_wait3A_244, %dma_wait3A_264, %dma_wait3A_265, %dma_wait3A_266] : memref<2x32x2x512xf32, #tpu.memory_space<vmem>> -> memref<1x32x2x512xf32, #tpu.memory_space<vmem>>
        %dma_wait3A_268 = tpu.memref_squeeze %dma_wait3A_267 : memref<1x32x2x512xf32, #tpu.memory_space<vmem>> -> memref<32x2x512xf32, #tpu.memory_space<vmem>>
        tpu.wait_dma2 semaphore(%dma_wait3A_258 : memref<!tpu.dma_semaphore, #tpu.memory_space<semaphore_mem>>) src(%dma_wait3A_268 : memref<32x2x512xf32, #tpu.memory_space<vmem>>) dst(%dma_wait3A_263 : memref<32x2x512xf32, #tpu.memory_space<hbm>>)
      } else {
      }
      %parallel_loop3A_209 = arith.constant 0 : i32
      %parallel_loop3A_210 = arith.constant 64 : i32
      %parallel_loop3A_211 = arith.constant 1 : i32
      scf.for %parallel_loop3A_244 = %parallel_loop3A_209 to %parallel_loop3A_210 step %parallel_loop3A_211  : i32 {
        %parallel_loop3A_245 = arith.constant 16 : i32
        %parallel_loop3A_246 = arith.muli %parallel_loop3A_244, %parallel_loop3A_245 : i32
        %parallel_loop3A_247 = arith.constant 512 : i32
        %parallel_loop3A_248 = arith.divsi %parallel_loop3A_246, %parallel_loop3A_247 : i32
        %parallel_loop3A_249 = arith.constant 0 : i32
        %parallel_loop3A_250 = arith.cmpi sgt, %parallel_loop3A_246, %parallel_loop3A_249 : i32
        %parallel_loop3A_251 = arith.extui %parallel_loop3A_250 : i1 to i32
        %parallel_loop3A_252 = arith.constant 0 : i32
        %parallel_loop3A_253 = arith.cmpi slt, %parallel_loop3A_246, %parallel_loop3A_252 : i32
        %parallel_loop3A_254 = arith.extui %parallel_loop3A_253 : i1 to i32
        %parallel_loop3A_255 = arith.subi %parallel_loop3A_251, %parallel_loop3A_254 : i32
        %parallel_loop3A_256 = arith.constant 0 : i32
        %parallel_loop3A_257 = arith.cmpi sgt, %parallel_loop3A_247, %parallel_loop3A_256 : i32
        %parallel_loop3A_258 = arith.extui %parallel_loop3A_257 : i1 to i32
        %parallel_loop3A_259 = arith.constant 0 : i32
        %parallel_loop3A_260 = arith.cmpi slt, %parallel_loop3A_247, %parallel_loop3A_259 : i32
        %parallel_loop3A_261 = arith.extui %parallel_loop3A_260 : i1 to i32
        %parallel_loop3A_262 = arith.subi %parallel_loop3A_258, %parallel_loop3A_261 : i32
        %parallel_loop3A_263 = arith.cmpi ne, %parallel_loop3A_255, %parallel_loop3A_262 : i32
        %parallel_loop3A_264 = arith.remsi %parallel_loop3A_246, %parallel_loop3A_247 : i32
        %parallel_loop3A_265 = arith.constant 0 : i32
        %parallel_loop3A_266 = arith.cmpi ne, %parallel_loop3A_264, %parallel_loop3A_265 : i32
        %parallel_loop3A_267 = arith.andi %parallel_loop3A_263, %parallel_loop3A_266 : i1
        %parallel_loop3A_268 = arith.constant 1 : i32
        %parallel_loop3A_269 = arith.subi %parallel_loop3A_248, %parallel_loop3A_268 : i32
        %parallel_loop3A_270 = arith.select %parallel_loop3A_267, %parallel_loop3A_269, %parallel_loop3A_248 : i32
        %parallel_loop3A_271 = arith.constant 0 : i32
        %parallel_loop3A_272 = arith.cmpi eq, %parallel_loop3A_247, %parallel_loop3A_271 : i32
        %parallel_loop3A_273 = arith.constant 1 : i32
        %parallel_loop3A_274 = arith.select %parallel_loop3A_272, %parallel_loop3A_273, %parallel_loop3A_247 : i32
        %parallel_loop3A_275 = arith.remsi %parallel_loop3A_246, %parallel_loop3A_274 : i32
        %parallel_loop3A_276 = arith.constant 0 : i32
        %parallel_loop3A_277 = arith.cmpi ne, %parallel_loop3A_275, %parallel_loop3A_276 : i32
        %parallel_loop3A_278 = arith.constant 0 : i32
        %parallel_loop3A_279 = arith.cmpi slt, %parallel_loop3A_275, %parallel_loop3A_278 : i32
        %parallel_loop3A_280 = arith.constant 0 : i32
        %parallel_loop3A_281 = arith.cmpi slt, %parallel_loop3A_274, %parallel_loop3A_280 : i32
        %parallel_loop3A_282 = arith.xori %parallel_loop3A_279, %parallel_loop3A_281 : i1
        %parallel_loop3A_283 = arith.andi %parallel_loop3A_282, %parallel_loop3A_277 : i1
        %parallel_loop3A_284 = arith.addi %parallel_loop3A_275, %parallel_loop3A_274 : i32
        %parallel_loop3A_285 = arith.select %parallel_loop3A_283, %parallel_loop3A_284, %parallel_loop3A_275 : i32
        %parallel_loop3A_286 = arith.constant 1 : i32
        %parallel_loop3A_287 = arith.index_cast %parallel_loop3A_286 : i32 to index
        %parallel_loop3A_288 = arith.index_cast %parallel_loop3A_270 : i32 to index
        %parallel_loop3A_289 = arith.index_cast %parallel_loop3A_285 : i32 to index
        %parallel_loop3A_290 = tpu.vector_load %arg7[%parallel_loop3A_287, %parallel_loop3A_288, %parallel_loop3A_289] {strides = array<i32>} : memref<2x2x512xi32, #tpu.memory_space<vmem>>, vector<16xi32>,
        %parallel_loop3A_291 = arith.constant 0 : i32
        %parallel_loop3A_292 = vector.broadcast %parallel_loop3A_291 : i32 to vector<16xi32>
        %parallel_loop3A_293 = arith.maxsi %parallel_loop3A_290, %parallel_loop3A_292 : vector<16xi32>
        %parallel_loop3A_294 = arith.constant 21 : i32
        %parallel_loop3A_295 = vector.broadcast %parallel_loop3A_294 : i32 to vector<16xi32>
        %parallel_loop3A_296 = arith.minsi %parallel_loop3A_293, %parallel_loop3A_295 : vector<16xi32>
        %parallel_loop3A_297 = arith.constant 16 : i32
        %parallel_loop3A_298 = vector.broadcast %parallel_loop3A_297 : i32 to vector<16xi32>
        %parallel_loop3A_299 = arith.muli %parallel_loop3A_296, %parallel_loop3A_298 : vector<16xi32>
        %parallel_loop3A_300 = arith.addi %parallel_loop3A_299, %iota3A : vector<16xi32>
        %parallel_loop3A_301 = arith.constant 0 : i32
        %parallel_loop3A_302 = tpu.memref_slice %arg6[%parallel_loop3A_301] : memref<11264xf32, #tpu.memory_space<vmem>> -> memref<352xf32, #tpu.memory_space<vmem>>
        %parallel_loop3A_303 = tpu.vector_load_idx %parallel_loop3A_302[%parallel_loop3A_300] : memref<352xf32, #tpu.memory_space<vmem>>[vector<16xi32>], vector<16xf32>,
        %parallel_loop3A_304 = arith.constant 1 : i32
        %parallel_loop3A_305 = arith.constant 0 : i32
        %parallel_loop3A_306 = arith.index_cast %parallel_loop3A_304 : i32 to index
        %parallel_loop3A_307 = arith.index_cast %parallel_loop3A_305 : i32 to index
        %parallel_loop3A_308 = arith.index_cast %parallel_loop3A_270 : i32 to index
        %parallel_loop3A_309 = arith.index_cast %parallel_loop3A_285 : i32 to index
        %parallel_loop3A_310 = tpu.vector_load %arg8[%parallel_loop3A_306, %parallel_loop3A_307, %parallel_loop3A_308, %parallel_loop3A_309] {strides = array<i32>} : memref<2x32x2x512xf32, #tpu.memory_space<vmem>>, vector<16xf32>,
        tpu.vector_store %arg8[%parallel_loop3A_306, %parallel_loop3A_307, %parallel_loop3A_308, %parallel_loop3A_309], %parallel_loop3A_303 {strides = array<i32>} : memref<2x32x2x512xf32, #tpu.memory_space<vmem>>, vector<16xf32>,
        %parallel_loop3A_311 = arith.constant 352 : i32
        %parallel_loop3A_312 = tpu.memref_slice %arg6[%parallel_loop3A_311] : memref<11264xf32, #tpu.memory_space<vmem>> -> memref<352xf32, #tpu.memory_space<vmem>>
        %parallel_loop3A_313 = tpu.vector_load_idx %parallel_loop3A_312[%parallel_loop3A_300] : memref<352xf32, #tpu.memory_space<vmem>>[vector<16xi32>], vector<16xf32>,
        %parallel_loop3A_314 = arith.constant 1 : i32
        %parallel_loop3A_315 = arith.constant 1 : i32
        %parallel_loop3A_316 = arith.index_cast %parallel_loop3A_314 : i32 to index
        %parallel_loop3A_317 = arith.index_cast %parallel_loop3A_315 : i32 to index
        %parallel_loop3A_318 = arith.index_cast %parallel_loop3A_270 : i32 to index
        %parallel_loop3A_319 = arith.index_cast %parallel_loop3A_285 : i32 to index
        %parallel_loop3A_320 = tpu.vector_load %arg8[%parallel_loop3A_316, %parallel_loop3A_317, %parallel_loop3A_318, %parallel_loop3A_319] {strides = array<i32>} : memref<2x32x2x512xf32, #tpu.memory_space<vmem>>, vector<16xf32>,
        tpu.vector_store %arg8[%parallel_loop3A_316, %parallel_loop3A_317, %parallel_loop3A_318, %parallel_loop3A_319], %parallel_loop3A_313 {strides = array<i32>} : memref<2x32x2x512xf32, #tpu.memory_space<vmem>>, vector<16xf32>,
        %parallel_loop3A_321 = arith.constant 704 : i32
        %parallel_loop3A_322 = tpu.memref_slice %arg6[%parallel_loop3A_321] : memref<11264xf32, #tpu.memory_space<vmem>> -> memref<352xf32, #tpu.memory_space<vmem>>
        %parallel_loop3A_323 = tpu.vector_load_idx %parallel_loop3A_322[%parallel_loop3A_300] : memref<352xf32, #tpu.memory_space<vmem>>[vector<16xi32>], vector<16xf32>,
        %parallel_loop3A_324 = arith.constant 1 : i32
        %parallel_loop3A_325 = arith.constant 2 : i32
        %parallel_loop3A_326 = arith.index_cast %parallel_loop3A_324 : i32 to index
        %parallel_loop3A_327 = arith.index_cast %parallel_loop3A_325 : i32 to index
        %parallel_loop3A_328 = arith.index_cast %parallel_loop3A_270 : i32 to index
        %parallel_loop3A_329 = arith.index_cast %parallel_loop3A_285 : i32 to index
        %parallel_loop3A_330 = tpu.vector_load %arg8[%parallel_loop3A_326, %parallel_loop3A_327, %parallel_loop3A_328, %parallel_loop3A_329] {strides = array<i32>} : memref<2x32x2x512xf32, #tpu.memory_space<vmem>>, vector<16xf32>,
        tpu.vector_store %arg8[%parallel_loop3A_326, %parallel_loop3A_327, %parallel_loop3A_328, %parallel_loop3A_329], %parallel_loop3A_323 {strides = array<i32>} : memref<2x32x2x512xf32, #tpu.memory_space<vmem>>, vector<16xf32>,
        %parallel_loop3A_331 = arith.constant 1056 : i32
        %parallel_loop3A_332 = tpu.memref_slice %arg6[%parallel_loop3A_331] : memref<11264xf32, #tpu.memory_space<vmem>> -> memref<352xf32, #tpu.memory_space<vmem>>
        %parallel_loop3A_333 = tpu.vector_load_idx %parallel_loop3A_332[%parallel_loop3A_300] : memref<352xf32, #tpu.memory_space<vmem>>[vector<16xi32>], vector<16xf32>,
        %parallel_loop3A_334 = arith.constant 1 : i32
        %parallel_loop3A_335 = arith.constant 3 : i32
        %parallel_loop3A_336 = arith.index_cast %parallel_loop3A_334 : i32 to index
        %parallel_loop3A_337 = arith.index_cast %parallel_loop3A_335 : i32 to index
        %parallel_loop3A_338 = arith.index_cast %parallel_loop3A_270 : i32 to index
        %parallel_loop3A_339 = arith.index_cast %parallel_loop3A_285 : i32 to index
        %parallel_loop3A_340 = tpu.vector_load %arg8[%parallel_loop3A_336, %parallel_loop3A_337, %parallel_loop3A_338, %parallel_loop3A_339] {strides = array<i32>} : memref<2x32x2x512xf32, #tpu.memory_space<vmem>>, vector<16xf32>,
        tpu.vector_store %arg8[%parallel_loop3A_336, %parallel_loop3A_337, %parallel_loop3A_338, %parallel_loop3A_339], %parallel_loop3A_333 {strides = array<i32>} : memref<2x32x2x512xf32, #tpu.memory_space<vmem>>, vector<16xf32>,
        %parallel_loop3A_341 = arith.constant 1408 : i32
        %parallel_loop3A_342 = tpu.memref_slice %arg6[%parallel_loop3A_341] : memref<11264xf32, #tpu.memory_space<vmem>> -> memref<352xf32, #tpu.memory_space<vmem>>
        %parallel_loop3A_343 = tpu.vector_load_idx %parallel_loop3A_342[%parallel_loop3A_300] : memref<352xf32, #tpu.memory_space<vmem>>[vector<16xi32>], vector<16xf32>,
        %parallel_loop3A_344 = arith.constant 1 : i32
        %parallel_loop3A_345 = arith.constant 4 : i32
        %parallel_loop3A_346 = arith.index_cast %parallel_loop3A_344 : i32 to index
        %parallel_loop3A_347 = arith.index_cast %parallel_loop3A_345 : i32 to index
        %parallel_loop3A_348 = arith.index_cast %parallel_loop3A_270 : i32 to index
        %parallel_loop3A_349 = arith.index_cast %parallel_loop3A_285 : i32 to index
        %parallel_loop3A_350 = tpu.vector_load %arg8[%parallel_loop3A_346, %parallel_loop3A_347, %parallel_loop3A_348, %parallel_loop3A_349] {strides = array<i32>} : memref<2x32x2x512xf32, #tpu.memory_space<vmem>>, vector<16xf32>,
        tpu.vector_store %arg8[%parallel_loop3A_346, %parallel_loop3A_347, %parallel_loop3A_348, %parallel_loop3A_349], %parallel_loop3A_343 {strides = array<i32>} : memref<2x32x2x512xf32, #tpu.memory_space<vmem>>, vector<16xf32>,
        %parallel_loop3A_351 = arith.constant 1760 : i32
        %parallel_loop3A_352 = tpu.memref_slice %arg6[%parallel_loop3A_351] : memref<11264xf32, #tpu.memory_space<vmem>> -> memref<352xf32, #tpu.memory_space<vmem>>
        %parallel_loop3A_353 = tpu.vector_load_idx %parallel_loop3A_352[%parallel_loop3A_300] : memref<352xf32, #tpu.memory_space<vmem>>[vector<16xi32>], vector<16xf32>,
        %parallel_loop3A_354 = arith.constant 1 : i32
        %parallel_loop3A_355 = arith.constant 5 : i32
        %parallel_loop3A_356 = arith.index_cast %parallel_loop3A_354 : i32 to index
        %parallel_loop3A_357 = arith.index_cast %parallel_loop3A_355 : i32 to index
        %parallel_loop3A_358 = arith.index_cast %parallel_loop3A_270 : i32 to index
        %parallel_loop3A_359 = arith.index_cast %parallel_loop3A_285 : i32 to index
        %parallel_loop3A_360 = tpu.vector_load %arg8[%parallel_loop3A_356, %parallel_loop3A_357, %parallel_loop3A_358, %parallel_loop3A_359] {strides = array<i32>} : memref<2x32x2x512xf32, #tpu.memory_space<vmem>>, vector<16xf32>,
        tpu.vector_store %arg8[%parallel_loop3A_356, %parallel_loop3A_357, %parallel_loop3A_358, %parallel_loop3A_359], %parallel_loop3A_353 {strides = array<i32>} : memref<2x32x2x512xf32, #tpu.memory_space<vmem>>, vector<16xf32>,
        %parallel_loop3A_361 = arith.constant 2112 : i32
        %parallel_loop3A_362 = tpu.memref_slice %arg6[%parallel_loop3A_361] : memref<11264xf32, #tpu.memory_space<vmem>> -> memref<352xf32, #tpu.memory_space<vmem>>
        %parallel_loop3A_363 = tpu.vector_load_idx %parallel_loop3A_362[%parallel_loop3A_300] : memref<352xf32, #tpu.memory_space<vmem>>[vector<16xi32>], vector<16xf32>,
        %parallel_loop3A_364 = arith.constant 1 : i32
        %parallel_loop3A_365 = arith.constant 6 : i32
        %parallel_loop3A_366 = arith.index_cast %parallel_loop3A_364 : i32 to index
        %parallel_loop3A_367 = arith.index_cast %parallel_loop3A_365 : i32 to index
        %parallel_loop3A_368 = arith.index_cast %parallel_loop3A_270 : i32 to index
        %parallel_loop3A_369 = arith.index_cast %parallel_loop3A_285 : i32 to index
        %parallel_loop3A_370 = tpu.vector_load %arg8[%parallel_loop3A_366, %parallel_loop3A_367, %parallel_loop3A_368, %parallel_loop3A_369] {strides = array<i32>} : memref<2x32x2x512xf32, #tpu.memory_space<vmem>>, vector<16xf32>,
        tpu.vector_store %arg8[%parallel_loop3A_366, %parallel_loop3A_367, %parallel_loop3A_368, %parallel_loop3A_369], %parallel_loop3A_363 {strides = array<i32>} : memref<2x32x2x512xf32, #tpu.memory_space<vmem>>, vector<16xf32>,
        %parallel_loop3A_371 = arith.constant 2464 : i32
        %parallel_loop3A_372 = tpu.memref_slice %arg6[%parallel_loop3A_371] : memref<11264xf32, #tpu.memory_space<vmem>> -> memref<352xf32, #tpu.memory_space<vmem>>
        %parallel_loop3A_373 = tpu.vector_load_idx %parallel_loop3A_372[%parallel_loop3A_300] : memref<352xf32, #tpu.memory_space<vmem>>[vector<16xi32>], vector<16xf32>,
        %parallel_loop3A_374 = arith.constant 1 : i32
        %parallel_loop3A_375 = arith.constant 7 : i32
        %parallel_loop3A_376 = arith.index_cast %parallel_loop3A_374 : i32 to index
        %parallel_loop3A_377 = arith.index_cast %parallel_loop3A_375 : i32 to index
        %parallel_loop3A_378 = arith.index_cast %parallel_loop3A_270 : i32 to index
        %parallel_loop3A_379 = arith.index_cast %parallel_loop3A_285 : i32 to index
        %parallel_loop3A_380 = tpu.vector_load %arg8[%parallel_loop3A_376, %parallel_loop3A_377, %parallel_loop3A_378, %parallel_loop3A_379] {strides = array<i32>} : memref<2x32x2x512xf32, #tpu.memory_space<vmem>>, vector<16xf32>,
        tpu.vector_store %arg8[%parallel_loop3A_376, %parallel_loop3A_377, %parallel_loop3A_378, %parallel_loop3A_379], %parallel_loop3A_373 {strides = array<i32>} : memref<2x32x2x512xf32, #tpu.memory_space<vmem>>, vector<16xf32>,
        %parallel_loop3A_381 = arith.constant 2816 : i32
        %parallel_loop3A_382 = tpu.memref_slice %arg6[%parallel_loop3A_381] : memref<11264xf32, #tpu.memory_space<vmem>> -> memref<352xf32, #tpu.memory_space<vmem>>
        %parallel_loop3A_383 = tpu.vector_load_idx %parallel_loop3A_382[%parallel_loop3A_300] : memref<352xf32, #tpu.memory_space<vmem>>[vector<16xi32>], vector<16xf32>,
        %parallel_loop3A_384 = arith.constant 1 : i32
        %parallel_loop3A_385 = arith.constant 8 : i32
        %parallel_loop3A_386 = arith.index_cast %parallel_loop3A_384 : i32 to index
        %parallel_loop3A_387 = arith.index_cast %parallel_loop3A_385 : i32 to index
        %parallel_loop3A_388 = arith.index_cast %parallel_loop3A_270 : i32 to index
        %parallel_loop3A_389 = arith.index_cast %parallel_loop3A_285 : i32 to index
        %parallel_loop3A_390 = tpu.vector_load %arg8[%parallel_loop3A_386, %parallel_loop3A_387, %parallel_loop3A_388, %parallel_loop3A_389] {strides = array<i32>} : memref<2x32x2x512xf32, #tpu.memory_space<vmem>>, vector<16xf32>,
        tpu.vector_store %arg8[%parallel_loop3A_386, %parallel_loop3A_387, %parallel_loop3A_388, %parallel_loop3A_389], %parallel_loop3A_383 {strides = array<i32>} : memref<2x32x2x512xf32, #tpu.memory_space<vmem>>, vector<16xf32>,
        %parallel_loop3A_391 = arith.constant 3168 : i32
        %parallel_loop3A_392 = tpu.memref_slice %arg6[%parallel_loop3A_391] : memref<11264xf32, #tpu.memory_space<vmem>> -> memref<352xf32, #tpu.memory_space<vmem>>
        %parallel_loop3A_393 = tpu.vector_load_idx %parallel_loop3A_392[%parallel_loop3A_300] : memref<352xf32, #tpu.memory_space<vmem>>[vector<16xi32>], vector<16xf32>,
        %parallel_loop3A_394 = arith.constant 1 : i32
        %parallel_loop3A_395 = arith.constant 9 : i32
        %parallel_loop3A_396 = arith.index_cast %parallel_loop3A_394 : i32 to index
        %parallel_loop3A_397 = arith.index_cast %parallel_loop3A_395 : i32 to index
        %parallel_loop3A_398 = arith.index_cast %parallel_loop3A_270 : i32 to index
        %parallel_loop3A_399 = arith.index_cast %parallel_loop3A_285 : i32 to index
        %parallel_loop3A_400 = tpu.vector_load %arg8[%parallel_loop3A_396, %parallel_loop3A_397, %parallel_loop3A_398, %parallel_loop3A_399] {strides = array<i32>} : memref<2x32x2x512xf32, #tpu.memory_space<vmem>>, vector<16xf32>,
        tpu.vector_store %arg8[%parallel_loop3A_396, %parallel_loop3A_397, %parallel_loop3A_398, %parallel_loop3A_399], %parallel_loop3A_393 {strides = array<i32>} : memref<2x32x2x512xf32, #tpu.memory_space<vmem>>, vector<16xf32>,
        %parallel_loop3A_401 = arith.constant 3520 : i32
        %parallel_loop3A_402 = tpu.memref_slice %arg6[%parallel_loop3A_401] : memref<11264xf32, #tpu.memory_space<vmem>> -> memref<352xf32, #tpu.memory_space<vmem>>
        %parallel_loop3A_403 = tpu.vector_load_idx %parallel_loop3A_402[%parallel_loop3A_300] : memref<352xf32, #tpu.memory_space<vmem>>[vector<16xi32>], vector<16xf32>,
        %parallel_loop3A_404 = arith.constant 1 : i32
        %parallel_loop3A_405 = arith.constant 10 : i32
        %parallel_loop3A_406 = arith.index_cast %parallel_loop3A_404 : i32 to index
        %parallel_loop3A_407 = arith.index_cast %parallel_loop3A_405 : i32 to index
        %parallel_loop3A_408 = arith.index_cast %parallel_loop3A_270 : i32 to index
        %parallel_loop3A_409 = arith.index_cast %parallel_loop3A_285 : i32 to index
        %parallel_loop3A_410 = tpu.vector_load %arg8[%parallel_loop3A_406, %parallel_loop3A_407, %parallel_loop3A_408, %parallel_loop3A_409] {strides = array<i32>} : memref<2x32x2x512xf32, #tpu.memory_space<vmem>>, vector<16xf32>,
        tpu.vector_store %arg8[%parallel_loop3A_406, %parallel_loop3A_407, %parallel_loop3A_408, %parallel_loop3A_409], %parallel_loop3A_403 {strides = array<i32>} : memref<2x32x2x512xf32, #tpu.memory_space<vmem>>, vector<16xf32>,
        %parallel_loop3A_411 = arith.constant 3872 : i32
        %parallel_loop3A_412 = tpu.memref_slice %arg6[%parallel_loop3A_411] : memref<11264xf32, #tpu.memory_space<vmem>> -> memref<352xf32, #tpu.memory_space<vmem>>
        %parallel_loop3A_413 = tpu.vector_load_idx %parallel_loop3A_412[%parallel_loop3A_300] : memref<352xf32, #tpu.memory_space<vmem>>[vector<16xi32>], vector<16xf32>,
        %parallel_loop3A_414 = arith.constant 1 : i32
        %parallel_loop3A_415 = arith.constant 11 : i32
        %parallel_loop3A_416 = arith.index_cast %parallel_loop3A_414 : i32 to index
        %parallel_loop3A_417 = arith.index_cast %parallel_loop3A_415 : i32 to index
        %parallel_loop3A_418 = arith.index_cast %parallel_loop3A_270 : i32 to index
        %parallel_loop3A_419 = arith.index_cast %parallel_loop3A_285 : i32 to index
        %parallel_loop3A_420 = tpu.vector_load %arg8[%parallel_loop3A_416, %parallel_loop3A_417, %parallel_loop3A_418, %parallel_loop3A_419] {strides = array<i32>} : memref<2x32x2x512xf32, #tpu.memory_space<vmem>>, vector<16xf32>,
        tpu.vector_store %arg8[%parallel_loop3A_416, %parallel_loop3A_417, %parallel_loop3A_418, %parallel_loop3A_419], %parallel_loop3A_413 {strides = array<i32>} : memref<2x32x2x512xf32, #tpu.memory_space<vmem>>, vector<16xf32>,
        %parallel_loop3A_421 = arith.constant 4224 : i32
        %parallel_loop3A_422 = tpu.memref_slice %arg6[%parallel_loop3A_421] : memref<11264xf32, #tpu.memory_space<vmem>> -> memref<352xf32, #tpu.memory_space<vmem>>
        %parallel_loop3A_423 = tpu.vector_load_idx %parallel_loop3A_422[%parallel_loop3A_300] : memref<352xf32, #tpu.memory_space<vmem>>[vector<16xi32>], vector<16xf32>,
        %parallel_loop3A_424 = arith.constant 1 : i32
        %parallel_loop3A_425 = arith.constant 12 : i32
        %parallel_loop3A_426 = arith.index_cast %parallel_loop3A_424 : i32 to index
        %parallel_loop3A_427 = arith.index_cast %parallel_loop3A_425 : i32 to index
        %parallel_loop3A_428 = arith.index_cast %parallel_loop3A_270 : i32 to index
        %parallel_loop3A_429 = arith.index_cast %parallel_loop3A_285 : i32 to index
        %parallel_loop3A_430 = tpu.vector_load %arg8[%parallel_loop3A_426, %parallel_loop3A_427, %parallel_loop3A_428, %parallel_loop3A_429] {strides = array<i32>} : memref<2x32x2x512xf32, #tpu.memory_space<vmem>>, vector<16xf32>,
        tpu.vector_store %arg8[%parallel_loop3A_426, %parallel_loop3A_427, %parallel_loop3A_428, %parallel_loop3A_429], %parallel_loop3A_423 {strides = array<i32>} : memref<2x32x2x512xf32, #tpu.memory_space<vmem>>, vector<16xf32>,
        %parallel_loop3A_431 = arith.constant 4576 : i32
        %parallel_loop3A_432 = tpu.memref_slice %arg6[%parallel_loop3A_431] : memref<11264xf32, #tpu.memory_space<vmem>> -> memref<352xf32, #tpu.memory_space<vmem>>
        %parallel_loop3A_433 = tpu.vector_load_idx %parallel_loop3A_432[%parallel_loop3A_300] : memref<352xf32, #tpu.memory_space<vmem>>[vector<16xi32>], vector<16xf32>,
        %parallel_loop3A_434 = arith.constant 1 : i32
        %parallel_loop3A_435 = arith.constant 13 : i32
        %parallel_loop3A_436 = arith.index_cast %parallel_loop3A_434 : i32 to index
        %parallel_loop3A_437 = arith.index_cast %parallel_loop3A_435 : i32 to index
        %parallel_loop3A_438 = arith.index_cast %parallel_loop3A_270 : i32 to index
        %parallel_loop3A_439 = arith.index_cast %parallel_loop3A_285 : i32 to index
        %parallel_loop3A_440 = tpu.vector_load %arg8[%parallel_loop3A_436, %parallel_loop3A_437, %parallel_loop3A_438, %parallel_loop3A_439] {strides = array<i32>} : memref<2x32x2x512xf32, #tpu.memory_space<vmem>>, vector<16xf32>,
        tpu.vector_store %arg8[%parallel_loop3A_436, %parallel_loop3A_437, %parallel_loop3A_438, %parallel_loop3A_439], %parallel_loop3A_433 {strides = array<i32>} : memref<2x32x2x512xf32, #tpu.memory_space<vmem>>, vector<16xf32>,
        %parallel_loop3A_441 = arith.constant 4928 : i32
        %parallel_loop3A_442 = tpu.memref_slice %arg6[%parallel_loop3A_441] : memref<11264xf32, #tpu.memory_space<vmem>> -> memref<352xf32, #tpu.memory_space<vmem>>
        %parallel_loop3A_443 = tpu.vector_load_idx %parallel_loop3A_442[%parallel_loop3A_300] : memref<352xf32, #tpu.memory_space<vmem>>[vector<16xi32>], vector<16xf32>,
        %parallel_loop3A_444 = arith.constant 1 : i32
        %parallel_loop3A_445 = arith.constant 14 : i32
        %parallel_loop3A_446 = arith.index_cast %parallel_loop3A_444 : i32 to index
        %parallel_loop3A_447 = arith.index_cast %parallel_loop3A_445 : i32 to index
        %parallel_loop3A_448 = arith.index_cast %parallel_loop3A_270 : i32 to index
        %parallel_loop3A_449 = arith.index_cast %parallel_loop3A_285 : i32 to index
        %parallel_loop3A_450 = tpu.vector_load %arg8[%parallel_loop3A_446, %parallel_loop3A_447, %parallel_loop3A_448, %parallel_loop3A_449] {strides = array<i32>} : memref<2x32x2x512xf32, #tpu.memory_space<vmem>>, vector<16xf32>,
        tpu.vector_store %arg8[%parallel_loop3A_446, %parallel_loop3A_447, %parallel_loop3A_448, %parallel_loop3A_449], %parallel_loop3A_443 {strides = array<i32>} : memref<2x32x2x512xf32, #tpu.memory_space<vmem>>, vector<16xf32>,
        %parallel_loop3A_451 = arith.constant 5280 : i32
        %parallel_loop3A_452 = tpu.memref_slice %arg6[%parallel_loop3A_451] : memref<11264xf32, #tpu.memory_space<vmem>> -> memref<352xf32, #tpu.memory_space<vmem>>
        %parallel_loop3A_453 = tpu.vector_load_idx %parallel_loop3A_452[%parallel_loop3A_300] : memref<352xf32, #tpu.memory_space<vmem>>[vector<16xi32>], vector<16xf32>,
        %parallel_loop3A_454 = arith.constant 1 : i32
        %parallel_loop3A_455 = arith.constant 15 : i32
        %parallel_loop3A_456 = arith.index_cast %parallel_loop3A_454 : i32 to index
        %parallel_loop3A_457 = arith.index_cast %parallel_loop3A_455 : i32 to index
        %parallel_loop3A_458 = arith.index_cast %parallel_loop3A_270 : i32 to index
        %parallel_loop3A_459 = arith.index_cast %parallel_loop3A_285 : i32 to index
        %parallel_loop3A_460 = tpu.vector_load %arg8[%parallel_loop3A_456, %parallel_loop3A_457, %parallel_loop3A_458, %parallel_loop3A_459] {strides = array<i32>} : memref<2x32x2x512xf32, #tpu.memory_space<vmem>>, vector<16xf32>,
        tpu.vector_store %arg8[%parallel_loop3A_456, %parallel_loop3A_457, %parallel_loop3A_458, %parallel_loop3A_459], %parallel_loop3A_453 {strides = array<i32>} : memref<2x32x2x512xf32, #tpu.memory_space<vmem>>, vector<16xf32>,
        %parallel_loop3A_461 = arith.constant 5632 : i32
        %parallel_loop3A_462 = tpu.memref_slice %arg6[%parallel_loop3A_461] : memref<11264xf32, #tpu.memory_space<vmem>> -> memref<352xf32, #tpu.memory_space<vmem>>
        %parallel_loop3A_463 = tpu.vector_load_idx %parallel_loop3A_462[%parallel_loop3A_300] : memref<352xf32, #tpu.memory_space<vmem>>[vector<16xi32>], vector<16xf32>,
        %parallel_loop3A_464 = arith.constant 1 : i32
        %parallel_loop3A_465 = arith.constant 16 : i32
        %parallel_loop3A_466 = arith.index_cast %parallel_loop3A_464 : i32 to index
        %parallel_loop3A_467 = arith.index_cast %parallel_loop3A_465 : i32 to index
        %parallel_loop3A_468 = arith.index_cast %parallel_loop3A_270 : i32 to index
        %parallel_loop3A_469 = arith.index_cast %parallel_loop3A_285 : i32 to index
        %parallel_loop3A_470 = tpu.vector_load %arg8[%parallel_loop3A_466, %parallel_loop3A_467, %parallel_loop3A_468, %parallel_loop3A_469] {strides = array<i32>} : memref<2x32x2x512xf32, #tpu.memory_space<vmem>>, vector<16xf32>,
        tpu.vector_store %arg8[%parallel_loop3A_466, %parallel_loop3A_467, %parallel_loop3A_468, %parallel_loop3A_469], %parallel_loop3A_463 {strides = array<i32>} : memref<2x32x2x512xf32, #tpu.memory_space<vmem>>, vector<16xf32>,
        %parallel_loop3A_471 = arith.constant 5984 : i32
        %parallel_loop3A_472 = tpu.memref_slice %arg6[%parallel_loop3A_471] : memref<11264xf32, #tpu.memory_space<vmem>> -> memref<352xf32, #tpu.memory_space<vmem>>
        %parallel_loop3A_473 = tpu.vector_load_idx %parallel_loop3A_472[%parallel_loop3A_300] : memref<352xf32, #tpu.memory_space<vmem>>[vector<16xi32>], vector<16xf32>,
        %parallel_loop3A_474 = arith.constant 1 : i32
        %parallel_loop3A_475 = arith.constant 17 : i32
        %parallel_loop3A_476 = arith.index_cast %parallel_loop3A_474 : i32 to index
        %parallel_loop3A_477 = arith.index_cast %parallel_loop3A_475 : i32 to index
        %parallel_loop3A_478 = arith.index_cast %parallel_loop3A_270 : i32 to index
        %parallel_loop3A_479 = arith.index_cast %parallel_loop3A_285 : i32 to index
        %parallel_loop3A_480 = tpu.vector_load %arg8[%parallel_loop3A_476, %parallel_loop3A_477, %parallel_loop3A_478, %parallel_loop3A_479] {strides = array<i32>} : memref<2x32x2x512xf32, #tpu.memory_space<vmem>>, vector<16xf32>,
        tpu.vector_store %arg8[%parallel_loop3A_476, %parallel_loop3A_477, %parallel_loop3A_478, %parallel_loop3A_479], %parallel_loop3A_473 {strides = array<i32>} : memref<2x32x2x512xf32, #tpu.memory_space<vmem>>, vector<16xf32>,
        %parallel_loop3A_481 = arith.constant 6336 : i32
        %parallel_loop3A_482 = tpu.memref_slice %arg6[%parallel_loop3A_481] : memref<11264xf32, #tpu.memory_space<vmem>> -> memref<352xf32, #tpu.memory_space<vmem>>
        %parallel_loop3A_483 = tpu.vector_load_idx %parallel_loop3A_482[%parallel_loop3A_300] : memref<352xf32, #tpu.memory_space<vmem>>[vector<16xi32>], vector<16xf32>,
        %parallel_loop3A_484 = arith.constant 1 : i32
        %parallel_loop3A_485 = arith.constant 18 : i32
        %parallel_loop3A_486 = arith.index_cast %parallel_loop3A_484 : i32 to index
        %parallel_loop3A_487 = arith.index_cast %parallel_loop3A_485 : i32 to index
        %parallel_loop3A_488 = arith.index_cast %parallel_loop3A_270 : i32 to index
        %parallel_loop3A_489 = arith.index_cast %parallel_loop3A_285 : i32 to index
        %parallel_loop3A_490 = tpu.vector_load %arg8[%parallel_loop3A_486, %parallel_loop3A_487, %parallel_loop3A_488, %parallel_loop3A_489] {strides = array<i32>} : memref<2x32x2x512xf32, #tpu.memory_space<vmem>>, vector<16xf32>,
        tpu.vector_store %arg8[%parallel_loop3A_486, %parallel_loop3A_487, %parallel_loop3A_488, %parallel_loop3A_489], %parallel_loop3A_483 {strides = array<i32>} : memref<2x32x2x512xf32, #tpu.memory_space<vmem>>, vector<16xf32>,
        %parallel_loop3A_491 = arith.constant 6688 : i32
        %parallel_loop3A_492 = tpu.memref_slice %arg6[%parallel_loop3A_491] : memref<11264xf32, #tpu.memory_space<vmem>> -> memref<352xf32, #tpu.memory_space<vmem>>
        %parallel_loop3A_493 = tpu.vector_load_idx %parallel_loop3A_492[%parallel_loop3A_300] : memref<352xf32, #tpu.memory_space<vmem>>[vector<16xi32>], vector<16xf32>,
        %parallel_loop3A_494 = arith.constant 1 : i32
        %parallel_loop3A_495 = arith.constant 19 : i32
        %parallel_loop3A_496 = arith.index_cast %parallel_loop3A_494 : i32 to index
        %parallel_loop3A_497 = arith.index_cast %parallel_loop3A_495 : i32 to index
        %parallel_loop3A_498 = arith.index_cast %parallel_loop3A_270 : i32 to index
        %parallel_loop3A_499 = arith.index_cast %parallel_loop3A_285 : i32 to index
        %parallel_loop3A_500 = tpu.vector_load %arg8[%parallel_loop3A_496, %parallel_loop3A_497, %parallel_loop3A_498, %parallel_loop3A_499] {strides = array<i32>} : memref<2x32x2x512xf32, #tpu.memory_space<vmem>>, vector<16xf32>,
        tpu.vector_store %arg8[%parallel_loop3A_496, %parallel_loop3A_497, %parallel_loop3A_498, %parallel_loop3A_499], %parallel_loop3A_493 {strides = array<i32>} : memref<2x32x2x512xf32, #tpu.memory_space<vmem>>, vector<16xf32>,
        %parallel_loop3A_501 = arith.constant 7040 : i32
        %parallel_loop3A_502 = tpu.memref_slice %arg6[%parallel_loop3A_501] : memref<11264xf32, #tpu.memory_space<vmem>> -> memref<352xf32, #tpu.memory_space<vmem>>
        %parallel_loop3A_503 = tpu.vector_load_idx %parallel_loop3A_502[%parallel_loop3A_300] : memref<352xf32, #tpu.memory_space<vmem>>[vector<16xi32>], vector<16xf32>,
        %parallel_loop3A_504 = arith.constant 1 : i32
        %parallel_loop3A_505 = arith.constant 20 : i32
        %parallel_loop3A_506 = arith.index_cast %parallel_loop3A_504 : i32 to index
        %parallel_loop3A_507 = arith.index_cast %parallel_loop3A_505 : i32 to index
        %parallel_loop3A_508 = arith.index_cast %parallel_loop3A_270 : i32 to index
        %parallel_loop3A_509 = arith.index_cast %parallel_loop3A_285 : i32 to index
        %parallel_loop3A_510 = tpu.vector_load %arg8[%parallel_loop3A_506, %parallel_loop3A_507, %parallel_loop3A_508, %parallel_loop3A_509] {strides = array<i32>} : memref<2x32x2x512xf32, #tpu.memory_space<vmem>>, vector<16xf32>,
        tpu.vector_store %arg8[%parallel_loop3A_506, %parallel_loop3A_507, %parallel_loop3A_508, %parallel_loop3A_509], %parallel_loop3A_503 {strides = array<i32>} : memref<2x32x2x512xf32, #tpu.memory_space<vmem>>, vector<16xf32>,
        %parallel_loop3A_511 = arith.constant 7392 : i32
        %parallel_loop3A_512 = tpu.memref_slice %arg6[%parallel_loop3A_511] : memref<11264xf32, #tpu.memory_space<vmem>> -> memref<352xf32, #tpu.memory_space<vmem>>
        %parallel_loop3A_513 = tpu.vector_load_idx %parallel_loop3A_512[%parallel_loop3A_300] : memref<352xf32, #tpu.memory_space<vmem>>[vector<16xi32>], vector<16xf32>,
        %parallel_loop3A_514 = arith.constant 1 : i32
        %parallel_loop3A_515 = arith.constant 21 : i32
        %parallel_loop3A_516 = arith.index_cast %parallel_loop3A_514 : i32 to index
        %parallel_loop3A_517 = arith.index_cast %parallel_loop3A_515 : i32 to index
        %parallel_loop3A_518 = arith.index_cast %parallel_loop3A_270 : i32 to index
        %parallel_loop3A_519 = arith.index_cast %parallel_loop3A_285 : i32 to index
        %parallel_loop3A_520 = tpu.vector_load %arg8[%parallel_loop3A_516, %parallel_loop3A_517, %parallel_loop3A_518, %parallel_loop3A_519] {strides = array<i32>} : memref<2x32x2x512xf32, #tpu.memory_space<vmem>>, vector<16xf32>,
        tpu.vector_store %arg8[%parallel_loop3A_516, %parallel_loop3A_517, %parallel_loop3A_518, %parallel_loop3A_519], %parallel_loop3A_513 {strides = array<i32>} : memref<2x32x2x512xf32, #tpu.memory_space<vmem>>, vector<16xf32>,
        %parallel_loop3A_521 = arith.constant 7744 : i32
        %parallel_loop3A_522 = tpu.memref_slice %arg6[%parallel_loop3A_521] : memref<11264xf32, #tpu.memory_space<vmem>> -> memref<352xf32, #tpu.memory_space<vmem>>
        %parallel_loop3A_523 = tpu.vector_load_idx %parallel_loop3A_522[%parallel_loop3A_300] : memref<352xf32, #tpu.memory_space<vmem>>[vector<16xi32>], vector<16xf32>,
        %parallel_loop3A_524 = arith.constant 1 : i32
        %parallel_loop3A_525 = arith.constant 22 : i32
        %parallel_loop3A_526 = arith.index_cast %parallel_loop3A_524 : i32 to index
        %parallel_loop3A_527 = arith.index_cast %parallel_loop3A_525 : i32 to index
        %parallel_loop3A_528 = arith.index_cast %parallel_loop3A_270 : i32 to index
        %parallel_loop3A_529 = arith.index_cast %parallel_loop3A_285 : i32 to index
        %parallel_loop3A_530 = tpu.vector_load %arg8[%parallel_loop3A_526, %parallel_loop3A_527, %parallel_loop3A_528, %parallel_loop3A_529] {strides = array<i32>} : memref<2x32x2x512xf32, #tpu.memory_space<vmem>>, vector<16xf32>,
        tpu.vector_store %arg8[%parallel_loop3A_526, %parallel_loop3A_527, %parallel_loop3A_528, %parallel_loop3A_529], %parallel_loop3A_523 {strides = array<i32>} : memref<2x32x2x512xf32, #tpu.memory_space<vmem>>, vector<16xf32>,
        %parallel_loop3A_531 = arith.constant 8096 : i32
        %parallel_loop3A_532 = tpu.memref_slice %arg6[%parallel_loop3A_531] : memref<11264xf32, #tpu.memory_space<vmem>> -> memref<352xf32, #tpu.memory_space<vmem>>
        %parallel_loop3A_533 = tpu.vector_load_idx %parallel_loop3A_532[%parallel_loop3A_300] : memref<352xf32, #tpu.memory_space<vmem>>[vector<16xi32>], vector<16xf32>,
        %parallel_loop3A_534 = arith.constant 1 : i32
        %parallel_loop3A_535 = arith.constant 23 : i32
        %parallel_loop3A_536 = arith.index_cast %parallel_loop3A_534 : i32 to index
        %parallel_loop3A_537 = arith.index_cast %parallel_loop3A_535 : i32 to index
        %parallel_loop3A_538 = arith.index_cast %parallel_loop3A_270 : i32 to index
        %parallel_loop3A_539 = arith.index_cast %parallel_loop3A_285 : i32 to index
        %parallel_loop3A_540 = tpu.vector_load %arg8[%parallel_loop3A_536, %parallel_loop3A_537, %parallel_loop3A_538, %parallel_loop3A_539] {strides = array<i32>} : memref<2x32x2x512xf32, #tpu.memory_space<vmem>>, vector<16xf32>,
        tpu.vector_store %arg8[%parallel_loop3A_536, %parallel_loop3A_537, %parallel_loop3A_538, %parallel_loop3A_539], %parallel_loop3A_533 {strides = array<i32>} : memref<2x32x2x512xf32, #tpu.memory_space<vmem>>, vector<16xf32>,
        %parallel_loop3A_541 = arith.constant 8448 : i32
        %parallel_loop3A_542 = tpu.memref_slice %arg6[%parallel_loop3A_541] : memref<11264xf32, #tpu.memory_space<vmem>> -> memref<352xf32, #tpu.memory_space<vmem>>
        %parallel_loop3A_543 = tpu.vector_load_idx %parallel_loop3A_542[%parallel_loop3A_300] : memref<352xf32, #tpu.memory_space<vmem>>[vector<16xi32>], vector<16xf32>,
        %parallel_loop3A_544 = arith.constant 1 : i32
        %parallel_loop3A_545 = arith.constant 24 : i32
        %parallel_loop3A_546 = arith.index_cast %parallel_loop3A_544 : i32 to index
        %parallel_loop3A_547 = arith.index_cast %parallel_loop3A_545 : i32 to index
        %parallel_loop3A_548 = arith.index_cast %parallel_loop3A_270 : i32 to index
        %parallel_loop3A_549 = arith.index_cast %parallel_loop3A_285 : i32 to index
        %parallel_loop3A_550 = tpu.vector_load %arg8[%parallel_loop3A_546, %parallel_loop3A_547, %parallel_loop3A_548, %parallel_loop3A_549] {strides = array<i32>} : memref<2x32x2x512xf32, #tpu.memory_space<vmem>>, vector<16xf32>,
        tpu.vector_store %arg8[%parallel_loop3A_546, %parallel_loop3A_547, %parallel_loop3A_548, %parallel_loop3A_549], %parallel_loop3A_543 {strides = array<i32>} : memref<2x32x2x512xf32, #tpu.memory_space<vmem>>, vector<16xf32>,
        %parallel_loop3A_551 = arith.constant 8800 : i32
        %parallel_loop3A_552 = tpu.memref_slice %arg6[%parallel_loop3A_551] : memref<11264xf32, #tpu.memory_space<vmem>> -> memref<352xf32, #tpu.memory_space<vmem>>
        %parallel_loop3A_553 = tpu.vector_load_idx %parallel_loop3A_552[%parallel_loop3A_300] : memref<352xf32, #tpu.memory_space<vmem>>[vector<16xi32>], vector<16xf32>,
        %parallel_loop3A_554 = arith.constant 1 : i32
        %parallel_loop3A_555 = arith.constant 25 : i32
        %parallel_loop3A_556 = arith.index_cast %parallel_loop3A_554 : i32 to index
        %parallel_loop3A_557 = arith.index_cast %parallel_loop3A_555 : i32 to index
        %parallel_loop3A_558 = arith.index_cast %parallel_loop3A_270 : i32 to index
        %parallel_loop3A_559 = arith.index_cast %parallel_loop3A_285 : i32 to index
        %parallel_loop3A_560 = tpu.vector_load %arg8[%parallel_loop3A_556, %parallel_loop3A_557, %parallel_loop3A_558, %parallel_loop3A_559] {strides = array<i32>} : memref<2x32x2x512xf32, #tpu.memory_space<vmem>>, vector<16xf32>,
        tpu.vector_store %arg8[%parallel_loop3A_556, %parallel_loop3A_557, %parallel_loop3A_558, %parallel_loop3A_559], %parallel_loop3A_553 {strides = array<i32>} : memref<2x32x2x512xf32, #tpu.memory_space<vmem>>, vector<16xf32>,
        %parallel_loop3A_561 = arith.constant 9152 : i32
        %parallel_loop3A_562 = tpu.memref_slice %arg6[%parallel_loop3A_561] : memref<11264xf32, #tpu.memory_space<vmem>> -> memref<352xf32, #tpu.memory_space<vmem>>
        %parallel_loop3A_563 = tpu.vector_load_idx %parallel_loop3A_562[%parallel_loop3A_300] : memref<352xf32, #tpu.memory_space<vmem>>[vector<16xi32>], vector<16xf32>,
        %parallel_loop3A_564 = arith.constant 1 : i32
        %parallel_loop3A_565 = arith.constant 26 : i32
        %parallel_loop3A_566 = arith.index_cast %parallel_loop3A_564 : i32 to index
        %parallel_loop3A_567 = arith.index_cast %parallel_loop3A_565 : i32 to index
        %parallel_loop3A_568 = arith.index_cast %parallel_loop3A_270 : i32 to index
        %parallel_loop3A_569 = arith.index_cast %parallel_loop3A_285 : i32 to index
        %parallel_loop3A_570 = tpu.vector_load %arg8[%parallel_loop3A_566, %parallel_loop3A_567, %parallel_loop3A_568, %parallel_loop3A_569] {strides = array<i32>} : memref<2x32x2x512xf32, #tpu.memory_space<vmem>>, vector<16xf32>,
        tpu.vector_store %arg8[%parallel_loop3A_566, %parallel_loop3A_567, %parallel_loop3A_568, %parallel_loop3A_569], %parallel_loop3A_563 {strides = array<i32>} : memref<2x32x2x512xf32, #tpu.memory_space<vmem>>, vector<16xf32>,
        %parallel_loop3A_571 = arith.constant 9504 : i32
        %parallel_loop3A_572 = tpu.memref_slice %arg6[%parallel_loop3A_571] : memref<11264xf32, #tpu.memory_space<vmem>> -> memref<352xf32, #tpu.memory_space<vmem>>
        %parallel_loop3A_573 = tpu.vector_load_idx %parallel_loop3A_572[%parallel_loop3A_300] : memref<352xf32, #tpu.memory_space<vmem>>[vector<16xi32>], vector<16xf32>,
        %parallel_loop3A_574 = arith.constant 1 : i32
        %parallel_loop3A_575 = arith.constant 27 : i32
        %parallel_loop3A_576 = arith.index_cast %parallel_loop3A_574 : i32 to index
        %parallel_loop3A_577 = arith.index_cast %parallel_loop3A_575 : i32 to index
        %parallel_loop3A_578 = arith.index_cast %parallel_loop3A_270 : i32 to index
        %parallel_loop3A_579 = arith.index_cast %parallel_loop3A_285 : i32 to index
        %parallel_loop3A_580 = tpu.vector_load %arg8[%parallel_loop3A_576, %parallel_loop3A_577, %parallel_loop3A_578, %parallel_loop3A_579] {strides = array<i32>} : memref<2x32x2x512xf32, #tpu.memory_space<vmem>>, vector<16xf32>,
        tpu.vector_store %arg8[%parallel_loop3A_576, %parallel_loop3A_577, %parallel_loop3A_578, %parallel_loop3A_579], %parallel_loop3A_573 {strides = array<i32>} : memref<2x32x2x512xf32, #tpu.memory_space<vmem>>, vector<16xf32>,
        %parallel_loop3A_581 = arith.constant 9856 : i32
        %parallel_loop3A_582 = tpu.memref_slice %arg6[%parallel_loop3A_581] : memref<11264xf32, #tpu.memory_space<vmem>> -> memref<352xf32, #tpu.memory_space<vmem>>
        %parallel_loop3A_583 = tpu.vector_load_idx %parallel_loop3A_582[%parallel_loop3A_300] : memref<352xf32, #tpu.memory_space<vmem>>[vector<16xi32>], vector<16xf32>,
        %parallel_loop3A_584 = arith.constant 1 : i32
        %parallel_loop3A_585 = arith.constant 28 : i32
        %parallel_loop3A_586 = arith.index_cast %parallel_loop3A_584 : i32 to index
        %parallel_loop3A_587 = arith.index_cast %parallel_loop3A_585 : i32 to index
        %parallel_loop3A_588 = arith.index_cast %parallel_loop3A_270 : i32 to index
        %parallel_loop3A_589 = arith.index_cast %parallel_loop3A_285 : i32 to index
        %parallel_loop3A_590 = tpu.vector_load %arg8[%parallel_loop3A_586, %parallel_loop3A_587, %parallel_loop3A_588, %parallel_loop3A_589] {strides = array<i32>} : memref<2x32x2x512xf32, #tpu.memory_space<vmem>>, vector<16xf32>,
        tpu.vector_store %arg8[%parallel_loop3A_586, %parallel_loop3A_587, %parallel_loop3A_588, %parallel_loop3A_589], %parallel_loop3A_583 {strides = array<i32>} : memref<2x32x2x512xf32, #tpu.memory_space<vmem>>, vector<16xf32>,
        %parallel_loop3A_591 = arith.constant 10208 : i32
        %parallel_loop3A_592 = tpu.memref_slice %arg6[%parallel_loop3A_591] : memref<11264xf32, #tpu.memory_space<vmem>> -> memref<352xf32, #tpu.memory_space<vmem>>
        %parallel_loop3A_593 = tpu.vector_load_idx %parallel_loop3A_592[%parallel_loop3A_300] : memref<352xf32, #tpu.memory_space<vmem>>[vector<16xi32>], vector<16xf32>,
        %parallel_loop3A_594 = arith.constant 1 : i32
        %parallel_loop3A_595 = arith.constant 29 : i32
        %parallel_loop3A_596 = arith.index_cast %parallel_loop3A_594 : i32 to index
        %parallel_loop3A_597 = arith.index_cast %parallel_loop3A_595 : i32 to index
        %parallel_loop3A_598 = arith.index_cast %parallel_loop3A_270 : i32 to index
        %parallel_loop3A_599 = arith.index_cast %parallel_loop3A_285 : i32 to index
        %parallel_loop3A_600 = tpu.vector_load %arg8[%parallel_loop3A_596, %parallel_loop3A_597, %parallel_loop3A_598, %parallel_loop3A_599] {strides = array<i32>} : memref<2x32x2x512xf32, #tpu.memory_space<vmem>>, vector<16xf32>,
        tpu.vector_store %arg8[%parallel_loop3A_596, %parallel_loop3A_597, %parallel_loop3A_598, %parallel_loop3A_599], %parallel_loop3A_593 {strides = array<i32>} : memref<2x32x2x512xf32, #tpu.memory_space<vmem>>, vector<16xf32>,
        %parallel_loop3A_601 = arith.constant 10560 : i32
        %parallel_loop3A_602 = tpu.memref_slice %arg6[%parallel_loop3A_601] : memref<11264xf32, #tpu.memory_space<vmem>> -> memref<352xf32, #tpu.memory_space<vmem>>
        %parallel_loop3A_603 = tpu.vector_load_idx %parallel_loop3A_602[%parallel_loop3A_300] : memref<352xf32, #tpu.memory_space<vmem>>[vector<16xi32>], vector<16xf32>,
        %parallel_loop3A_604 = arith.constant 1 : i32
        %parallel_loop3A_605 = arith.constant 30 : i32
        %parallel_loop3A_606 = arith.index_cast %parallel_loop3A_604 : i32 to index
        %parallel_loop3A_607 = arith.index_cast %parallel_loop3A_605 : i32 to index
        %parallel_loop3A_608 = arith.index_cast %parallel_loop3A_270 : i32 to index
        %parallel_loop3A_609 = arith.index_cast %parallel_loop3A_285 : i32 to index
        %parallel_loop3A_610 = tpu.vector_load %arg8[%parallel_loop3A_606, %parallel_loop3A_607, %parallel_loop3A_608, %parallel_loop3A_609] {strides = array<i32>} : memref<2x32x2x512xf32, #tpu.memory_space<vmem>>, vector<16xf32>,
        tpu.vector_store %arg8[%parallel_loop3A_606, %parallel_loop3A_607, %parallel_loop3A_608, %parallel_loop3A_609], %parallel_loop3A_603 {strides = array<i32>} : memref<2x32x2x512xf32, #tpu.memory_space<vmem>>, vector<16xf32>,
        %parallel_loop3A_611 = arith.constant 10912 : i32
        %parallel_loop3A_612 = tpu.memref_slice %arg6[%parallel_loop3A_611] : memref<11264xf32, #tpu.memory_space<vmem>> -> memref<352xf32, #tpu.memory_space<vmem>>
        %parallel_loop3A_613 = tpu.vector_load_idx %parallel_loop3A_612[%parallel_loop3A_300] : memref<352xf32, #tpu.memory_space<vmem>>[vector<16xi32>], vector<16xf32>,
        %parallel_loop3A_614 = arith.constant 1 : i32
        %parallel_loop3A_615 = arith.constant 31 : i32
        %parallel_loop3A_616 = arith.index_cast %parallel_loop3A_614 : i32 to index
        %parallel_loop3A_617 = arith.index_cast %parallel_loop3A_615 : i32 to index
        %parallel_loop3A_618 = arith.index_cast %parallel_loop3A_270 : i32 to index
        %parallel_loop3A_619 = arith.index_cast %parallel_loop3A_285 : i32 to index
        %parallel_loop3A_620 = tpu.vector_load %arg8[%parallel_loop3A_616, %parallel_loop3A_617, %parallel_loop3A_618, %parallel_loop3A_619] {strides = array<i32>} : memref<2x32x2x512xf32, #tpu.memory_space<vmem>>, vector<16xf32>,
        tpu.vector_store %arg8[%parallel_loop3A_616, %parallel_loop3A_617, %parallel_loop3A_618, %parallel_loop3A_619], %parallel_loop3A_613 {strides = array<i32>} : memref<2x32x2x512xf32, #tpu.memory_space<vmem>>, vector<16xf32>,
      } {sc.loop_unroll_factor = 4 : i64, sc.parallel_access}
      %mul3A_212 = arith.constant 2 : i32
      %mul3A_213 = arith.muli %add3A_182, %mul3A_212 : i32
      %add3A_214 = arith.addi %sub3A_24, %mul3A_213 : i32
      %dma_start3A_215 = arith.constant 1 : i32
      %dma_start3A_216 = arith.constant 1 : i32
      %dma_start3A_217 = arith.constant 0 : i32
      %dma_start3A_218 = arith.constant 0 : i32
      %dma_start3A_219 = arith.constant 0 : i32
      %dma_start3A_220 = tpu.memref_slice %arg8[%dma_start3A_215, %dma_start3A_217, %dma_start3A_218, %dma_start3A_219] : memref<2x32x2x512xf32, #tpu.memory_space<vmem>> -> memref<1x32x2x512xf32, #tpu.memory_space<vmem>>
      %dma_start3A_221 = tpu.memref_squeeze %dma_start3A_220 : memref<1x32x2x512xf32, #tpu.memory_space<vmem>> -> memref<32x2x512xf32, #tpu.memory_space<vmem>>
      %dma_start3A_222 = arith.constant 0 : i32
      %dma_start3A_223 = arith.constant 0 : i32
      %dma_start3A_224 = tpu.memref_slice %arg4[%select_n3A, %dma_start3A_222, %add3A_214, %dma_start3A_223] : memref<4x32x512x512xf32, #tpu.memory_space<hbm>> -> memref<1x32x2x512xf32, #tpu.memory_space<hbm>>
      %dma_start3A_225 = tpu.memref_squeeze %dma_start3A_224 : memref<1x32x2x512xf32, #tpu.memory_space<hbm>> -> memref<32x2x512xf32, #tpu.memory_space<hbm>>
      %dma_start3A_226 = tpu.memref_slice %arg10[%dma_start3A_216] : memref<2x!tpu.dma_semaphore, #tpu.memory_space<semaphore_mem>> -> memref<1x!tpu.dma_semaphore, #tpu.memory_space<semaphore_mem>>
      %dma_start3A_227 = tpu.memref_squeeze %dma_start3A_226 : memref<1x!tpu.dma_semaphore, #tpu.memory_space<semaphore_mem>> -> memref<!tpu.dma_semaphore, #tpu.memory_space<semaphore_mem>>
      %dma_start3A_228 = arith.constant 0 : i32
      %dma_start3A_229 = arith.constant 0 : i32
      %dma_start3A_230 = tpu.memref_slice %arg4[%select_n3A, %dma_start3A_228, %add3A_214, %dma_start3A_229] : memref<4x32x512x512xf32, #tpu.memory_space<hbm>> -> memref<1x32x2x512xf32, #tpu.memory_space<hbm>>
      %dma_start3A_231 = tpu.memref_squeeze %dma_start3A_230 : memref<1x32x2x512xf32, #tpu.memory_space<hbm>> -> memref<32x2x512xf32, #tpu.memory_space<hbm>>
      %dma_start3A_232 = arith.constant 0 : i32
      %dma_start3A_233 = arith.constant 0 : i32
      %dma_start3A_234 = arith.constant 0 : i32
      %dma_start3A_235 = tpu.memref_slice %arg8[%dma_start3A_215, %dma_start3A_232, %dma_start3A_233, %dma_start3A_234] : memref<2x32x2x512xf32, #tpu.memory_space<vmem>> -> memref<1x32x2x512xf32, #tpu.memory_space<vmem>>
      %dma_start3A_236 = tpu.memref_squeeze %dma_start3A_235 : memref<1x32x2x512xf32, #tpu.memory_space<vmem>> -> memref<32x2x512xf32, #tpu.memory_space<vmem>>
      tpu.enqueue_dma source(%dma_start3A_236 : memref<32x2x512xf32, #tpu.memory_space<vmem>>) target(%dma_start3A_231 : memref<32x2x512xf32, #tpu.memory_space<hbm>>) target_semaphore(%dma_start3A_227 : memref<!tpu.dma_semaphore, #tpu.memory_space<semaphore_mem>>)
      %add3A_237 = arith.constant 2 : i32
      %add3A_238 = arith.addi %add3A_182, %add3A_237 : i32
      %lt3A_239 = arith.constant 32 : i32
      %lt3A_240 = arith.cmpi slt, %add3A_238, %lt3A_239 : i32
      %convert_element_type3A_241 = arith.extui %lt3A_240 : i1 to i32
      %cond3A_242 = arith.constant 0 : i32
      %cond3A_243 = arith.cmpi ne, %convert_element_type3A_241, %cond3A_242 : i32
      scf.if %cond3A_243 {
        %add3A_244 = arith.constant 2 : i32
        %add3A_245 = arith.addi %add3A_182, %add3A_244 : i32
        %mul3A_246 = arith.constant 2 : i32
        %mul3A_247 = arith.muli %add3A_245, %mul3A_246 : i32
        %add3A_248 = arith.addi %sub3A_24, %mul3A_247 : i32
        %dma_start3A_249 = arith.constant 1 : i32
        %dma_start3A_250 = arith.constant 1 : i32
        %dma_start3A_251 = arith.constant 0 : i32
        %dma_start3A_252 = arith.constant 0 : i32
        %dma_start3A_253 = tpu.memref_slice %arg7[%dma_start3A_249, %dma_start3A_251, %dma_start3A_252] : memref<2x2x512xi32, #tpu.memory_space<vmem>> -> memref<1x2x512xi32, #tpu.memory_space<vmem>>
        %dma_start3A_254 = tpu.memref_squeeze %dma_start3A_253 : memref<1x2x512xi32, #tpu.memory_space<vmem>> -> memref<2x512xi32, #tpu.memory_space<vmem>>
        %dma_start3A_255 = arith.constant 0 : i32
        %dma_start3A_256 = tpu.memref_slice %arg2[%select_n3A, %add3A_248, %dma_start3A_255] : memref<4x512x512xi32, #tpu.memory_space<hbm>> -> memref<1x2x512xi32, #tpu.memory_space<hbm>>
        %dma_start3A_257 = tpu.memref_squeeze %dma_start3A_256 : memref<1x2x512xi32, #tpu.memory_space<hbm>> -> memref<2x512xi32, #tpu.memory_space<hbm>>
        %dma_start3A_258 = tpu.memref_slice %arg9[%dma_start3A_250] : memref<2x!tpu.dma_semaphore, #tpu.memory_space<semaphore_mem>> -> memref<1x!tpu.dma_semaphore, #tpu.memory_space<semaphore_mem>>
        %dma_start3A_259 = tpu.memref_squeeze %dma_start3A_258 : memref<1x!tpu.dma_semaphore, #tpu.memory_space<semaphore_mem>> -> memref<!tpu.dma_semaphore, #tpu.memory_space<semaphore_mem>>
        %dma_start3A_260 = arith.constant 0 : i32
        %dma_start3A_261 = arith.constant 0 : i32
        %dma_start3A_262 = tpu.memref_slice %arg7[%dma_start3A_249, %dma_start3A_260, %dma_start3A_261] : memref<2x2x512xi32, #tpu.memory_space<vmem>> -> memref<1x2x512xi32, #tpu.memory_space<vmem>>
        %dma_start3A_263 = tpu.memref_squeeze %dma_start3A_262 : memref<1x2x512xi32, #tpu.memory_space<vmem>> -> memref<2x512xi32, #tpu.memory_space<vmem>>
        %dma_start3A_264 = arith.constant 0 : i32
        %dma_start3A_265 = tpu.memref_slice %arg2[%select_n3A, %add3A_248, %dma_start3A_264] : memref<4x512x512xi32, #tpu.memory_space<hbm>> -> memref<1x2x512xi32, #tpu.memory_space<hbm>>
        %dma_start3A_266 = tpu.memref_squeeze %dma_start3A_265 : memref<1x2x512xi32, #tpu.memory_space<hbm>> -> memref<2x512xi32, #tpu.memory_space<hbm>>
        tpu.enqueue_dma source(%dma_start3A_266 : memref<2x512xi32, #tpu.memory_space<hbm>>) target(%dma_start3A_263 : memref<2x512xi32, #tpu.memory_space<vmem>>) target_semaphore(%dma_start3A_259 : memref<!tpu.dma_semaphore, #tpu.memory_space<semaphore_mem>>)
      } else {
      }
    }
    %scan3A_67 = arith.constant 16 : i32
    %dma_wait3A = arith.constant 0 : i32
    %dma_wait3A_68 = arith.constant 0 : i32
    %dma_wait3A_69 = arith.constant 0 : i32
    %dma_wait3A_70 = arith.constant 0 : i32
    %dma_wait3A_71 = arith.constant 0 : i32
    %dma_wait3A_72 = arith.constant 0 : i32
    %dma_wait3A_73 = tpu.memref_slice %arg8[%dma_wait3A, %dma_wait3A_70, %dma_wait3A_71, %dma_wait3A_72] : memref<2x32x2x512xf32, #tpu.memory_space<vmem>> -> memref<1x32x2x512xf32, #tpu.memory_space<vmem>>
    %dma_wait3A_74 = tpu.memref_squeeze %dma_wait3A_73 : memref<1x32x2x512xf32, #tpu.memory_space<vmem>> -> memref<32x2x512xf32, #tpu.memory_space<vmem>>
    %dma_wait3A_75 = arith.constant 0 : i32
    %dma_wait3A_76 = arith.constant 0 : i32
    %dma_wait3A_77 = arith.constant 0 : i32
    %dma_wait3A_78 = tpu.memref_slice %arg4[%dma_wait3A_68, %dma_wait3A_75, %dma_wait3A_76, %dma_wait3A_77] : memref<4x32x512x512xf32, #tpu.memory_space<hbm>> -> memref<1x32x2x512xf32, #tpu.memory_space<hbm>>
    %dma_wait3A_79 = tpu.memref_squeeze %dma_wait3A_78 : memref<1x32x2x512xf32, #tpu.memory_space<hbm>> -> memref<32x2x512xf32, #tpu.memory_space<hbm>>
    %dma_wait3A_80 = tpu.memref_slice %arg10[%dma_wait3A_69] : memref<2x!tpu.dma_semaphore, #tpu.memory_space<semaphore_mem>> -> memref<1x!tpu.dma_semaphore, #tpu.memory_space<semaphore_mem>>
    %dma_wait3A_81 = tpu.memref_squeeze %dma_wait3A_80 : memref<1x!tpu.dma_semaphore, #tpu.memory_space<semaphore_mem>> -> memref<!tpu.dma_semaphore, #tpu.memory_space<semaphore_mem>>
    %dma_wait3A_82 = arith.constant 0 : i32
    %dma_wait3A_83 = arith.constant 0 : i32
    %dma_wait3A_84 = arith.constant 0 : i32
    %dma_wait3A_85 = tpu.memref_slice %arg4[%dma_wait3A_68, %dma_wait3A_82, %dma_wait3A_83, %dma_wait3A_84] : memref<4x32x512x512xf32, #tpu.memory_space<hbm>> -> memref<1x32x2x512xf32, #tpu.memory_space<hbm>>
    %dma_wait3A_86 = tpu.memref_squeeze %dma_wait3A_85 : memref<1x32x2x512xf32, #tpu.memory_space<hbm>> -> memref<32x2x512xf32, #tpu.memory_space<hbm>>
    %dma_wait3A_87 = arith.constant 0 : i32
    %dma_wait3A_88 = arith.constant 0 : i32
    %dma_wait3A_89 = arith.constant 0 : i32
    %dma_wait3A_90 = tpu.memref_slice %arg8[%dma_wait3A, %dma_wait3A_87, %dma_wait3A_88, %dma_wait3A_89] : memref<2x32x2x512xf32, #tpu.memory_space<vmem>> -> memref<1x32x2x512xf32, #tpu.memory_space<vmem>>
    %dma_wait3A_91 = tpu.memref_squeeze %dma_wait3A_90 : memref<1x32x2x512xf32, #tpu.memory_space<vmem>> -> memref<32x2x512xf32, #tpu.memory_space<vmem>>
    tpu.wait_dma2 semaphore(%dma_wait3A_81 : memref<!tpu.dma_semaphore, #tpu.memory_space<semaphore_mem>>) src(%dma_wait3A_91 : memref<32x2x512xf32, #tpu.memory_space<vmem>>) dst(%dma_wait3A_86 : memref<32x2x512xf32, #tpu.memory_space<hbm>>)
    %dma_wait3A_92 = arith.constant 1 : i32
    %dma_wait3A_93 = arith.constant 0 : i32
    %dma_wait3A_94 = arith.constant 1 : i32
    %dma_wait3A_95 = arith.constant 0 : i32
    %dma_wait3A_96 = arith.constant 0 : i32
    %dma_wait3A_97 = arith.constant 0 : i32
    %dma_wait3A_98 = tpu.memref_slice %arg8[%dma_wait3A_92, %dma_wait3A_95, %dma_wait3A_96, %dma_wait3A_97] : memref<2x32x2x512xf32, #tpu.memory_space<vmem>> -> memref<1x32x2x512xf32, #tpu.memory_space<vmem>>
    %dma_wait3A_99 = tpu.memref_squeeze %dma_wait3A_98 : memref<1x32x2x512xf32, #tpu.memory_space<vmem>> -> memref<32x2x512xf32, #tpu.memory_space<vmem>>
    %dma_wait3A_100 = arith.constant 0 : i32
    %dma_wait3A_101 = arith.constant 0 : i32
    %dma_wait3A_102 = arith.constant 0 : i32
    %dma_wait3A_103 = tpu.memref_slice %arg4[%dma_wait3A_93, %dma_wait3A_100, %dma_wait3A_101, %dma_wait3A_102] : memref<4x32x512x512xf32, #tpu.memory_space<hbm>> -> memref<1x32x2x512xf32, #tpu.memory_space<hbm>>
    %dma_wait3A_104 = tpu.memref_squeeze %dma_wait3A_103 : memref<1x32x2x512xf32, #tpu.memory_space<hbm>> -> memref<32x2x512xf32, #tpu.memory_space<hbm>>
    %dma_wait3A_105 = tpu.memref_slice %arg10[%dma_wait3A_94] : memref<2x!tpu.dma_semaphore, #tpu.memory_space<semaphore_mem>> -> memref<1x!tpu.dma_semaphore, #tpu.memory_space<semaphore_mem>>
    %dma_wait3A_106 = tpu.memref_squeeze %dma_wait3A_105 : memref<1x!tpu.dma_semaphore, #tpu.memory_space<semaphore_mem>> -> memref<!tpu.dma_semaphore, #tpu.memory_space<semaphore_mem>>
    %dma_wait3A_107 = arith.constant 0 : i32
    %dma_wait3A_108 = arith.constant 0 : i32
    %dma_wait3A_109 = arith.constant 0 : i32
    %dma_wait3A_110 = tpu.memref_slice %arg4[%dma_wait3A_93, %dma_wait3A_107, %dma_wait3A_108, %dma_wait3A_109] : memref<4x32x512x512xf32, #tpu.memory_space<hbm>> -> memref<1x32x2x512xf32, #tpu.memory_space<hbm>>
    %dma_wait3A_111 = tpu.memref_squeeze %dma_wait3A_110 : memref<1x32x2x512xf32, #tpu.memory_space<hbm>> -> memref<32x2x512xf32, #tpu.memory_space<hbm>>
    %dma_wait3A_112 = arith.constant 0 : i32
    %dma_wait3A_113 = arith.constant 0 : i32
    %dma_wait3A_114 = arith.constant 0 : i32
    %dma_wait3A_115 = tpu.memref_slice %arg8[%dma_wait3A_92, %dma_wait3A_112, %dma_wait3A_113, %dma_wait3A_114] : memref<2x32x2x512xf32, #tpu.memory_space<vmem>> -> memref<1x32x2x512xf32, #tpu.memory_space<vmem>>
    %dma_wait3A_116 = tpu.memref_squeeze %dma_wait3A_115 : memref<1x32x2x512xf32, #tpu.memory_space<vmem>> -> memref<32x2x512xf32, #tpu.memory_space<vmem>>
    tpu.wait_dma2 semaphore(%dma_wait3A_106 : memref<!tpu.dma_semaphore, #tpu.memory_space<semaphore_mem>>) src(%dma_wait3A_116 : memref<32x2x512xf32, #tpu.memory_space<vmem>>) dst(%dma_wait3A_111 : memref<32x2x512xf32, #tpu.memory_space<hbm>>)
    return
  }
}

</mosaic_0001>

<sc_bundles>
// kernel: kernel.3.cloned.1.call-start
scs
__scs_entry_jumppad:
0x0: {  	(pc) =	sbr.rel $0x88, $3  }
0x1: {  	(tag) =	ssettag $0x0;
	lr =	simm.s32 $0x1  }
0x2: {  	[smem:$0x3F9F] =	sst lr;
	_ =	strace $0xD0000000  }
0x3: {  	_ = 	snop  }
0x4: {  	_ = 	snop  }
0x5: {  	_ = 	snop  }
0x6: {  	_ = 	snop  }
0x7: {  	_ = 	snop  }
__scs_overlays_trampoline_lowered:
0x8: {  	[smem:$0x3FAE] =	sst s0  }
0x9: {  	[smem:$0x3FAF] =	sst s1  }
0xa: {  	[smem:$0x3FB0] =	sst s2  }
0xb: {  	[smem:$0x3FB1] =	sst s3  }
0xc: {  	[smem:$0x3FB2] =	sst s4  }
0xd: {  	[smem:$0x3FB3] =	sst s5  }
0xe: {  	[smem:$0x3FB4] =	sst s6  }
0xf: {  	[smem:$0x3FB5] =	sst s7  }
0x10: {  	[smem:$0x3FB6] =	sst s8  }
0x11: {  	[smem:$0x3FB7] =	sst s9;
	s0 =	simm.s32 @!p0 $0x0  }
0x12: {  	s1 =	sld [smem:$0x3F9D];
	s0 =	simm.s32 @p0 $0x1  }
0x13: {  	[smem:$0x3FB8] =	sst s0;
	s0 =	simm.s32 @!p1 $0x0  }
0x14: {  	s2 =	sld [smem:$0x3F9C];
	s0 =	simm.s32 @p1 $0x1  }
0x15: {  	[smem:$0x3FB9] =	sst s0;
	s0 =	simm.s32 @!p2 $0x0  }
0x16: {  	s3 =	sld [smem:$0x3FDB];
	s0 =	simm.s32 @p2 $0x1  }
0x17: {  	s4 =	simm.s32 $0x1BF5;
	[smem:$0x3FBB] =	sst s0  }
0x18: {  	s0 =	sld [smem:$0x3F9E];
	_ =	swait.ge [sflag:s4], $0x0  }
0x19: {  	s7 =	sld [smem:$0x3F9F]  }
0x1a: {  	s8 =	sadd.s32 $0xFFFFE003, lr  }
0x1b: {  	s9 =	sadd.s32 $0xFFFFFEF7, lr;
	s5 =	simm.s32 $0xFFFFFFFF;
	p2 =	slt.u32 s8, $0xFFFFF086  }
0x1c: {  	p1 =	slt.u32 s9, $0xF7A;
	s5 =	simm.s32 @!p2 $0x0  }
0x1d: {  	s5 =	simm.s32 @p1 $0x1;
	p0 =	seq.s32 s7, s2  }
0x1e: {  	s7 =	smul.u32 @!p0 $0xF7A, s2;
	p2 =	seq.s32 @!p0 s5, $0x0  }
0x1f: {  	s9 =	smul.u32 $0xF7A, s1;
	s8 =	simm.s32 @!p0 $0x1BF5;
	p2 =	por !p2, p0  }
0x20: {  	[sflag:s8] =	ssyncset.s32 @!p0 $0xFFFFF086;
	s6 =	sadd.s32 @!p0 s3, s7;
	s7 =	simm.s32 @!p0 $0x108  }
0x21: {  	s3 =	sadd.s32 s3, s9;
	s6 =	sadd.s32 @!p0 $0x88, s6;
	s7 =	simm.s32 @p2 $0x1082  }
0x22: {  	[simem:s7], [sflag:s8] =	dma.local @!p0 [hbm:s6], $0xF7A  }
0x23: {  	s9 =	sor.u32 $0xD0000000, s2;
	s6 =	simm.s32 $0x108;
	_ =	swait.ge @!p0 [sflag:s8], $0x0  }
0x24: {  	s3 =	sadd.s32 $0x88, s3;
	s6 =	simm.s32 @!p1 $0x1082;
	[sflag:s4] =	ssyncset.s32 $0xFFFFF086  }
0x25: {  	[simem:s6], [sflag:s4] =	dma.local [hbm:s3], $0xF7A  }
0x26: {  	[smem:$0x3F9F] =	sst s1;
	(tag) =	ssettag s2;
	_ =	strace s9  }
0x27: {  	s1 =	sld [smem:$0x3FAF]  }
0x28: {  	s2 =	sld [smem:$0x3FB0]  }
0x29: {  	s4 =	sld [smem:$0x3FB2]  }
0x2a: {  	p0 =	seq.s32 s5, $0x0;
	s5 =	sld [smem:$0x3FB3]  }
0x2b: {  	s6 =	sld [smem:$0x3FB4]  }
0x2c: {  	s7 =	sld [smem:$0x3FB5]  }
0x2d: {  	s3 =	simm.s32 $0x108;
	s8 =	sld [smem:$0x3FB6]  }
0x2e: {  	s3 =	simm.s32 @!p0 $0x1082;
	s9 =	sld [smem:$0x3FB7]  }
0x2f: {  	lr =	sadd.s32 s0, s3;
	s0 =	sld [smem:$0x3FAE]  }
0x30: {  	s3 =	sld [smem:$0x3FB1]  }
0x31: {  	[smem:$0x3FBA] =	sst s10  }
0x32: {  	s10 =	sld [smem:$0x3FB8];
	_ =	sdelay $0x3  }
0x33: {  	p0 =	seq.s32 s10, $0x1;
	s10 =	sld [smem:$0x3FBA];
	_ =	sdelay $0x3  }
0x34: {  	[smem:$0x3FBA] =	sst s10  }
0x35: {  	s10 =	sld [smem:$0x3FB9];
	_ =	sdelay $0x3  }
0x36: {  	p1 =	seq.s32 s10, $0x1;
	s10 =	sld [smem:$0x3FBA];
	_ =	sdelay $0x3  }
0x37: {  	[smem:$0x3FBA] =	sst s10  }
0x38: {  	s10 =	sld [smem:$0x3FBB]  }
0x39: {  	_ = 	snop;
	(pc) =	sbr.ind lr, $3  }
0x3a: {  	_ = 	snop  }
0x3b: {  	_ = 	snop  }
0x3c: {  	p2 =	seq.s32 s10, $0x1;
	s10 =	sld [smem:$0x3FBA]  }
0x3d: {  	_ =	shalt  }
0x3e: {  	_ =	shalt  }
0x3f: {  	_ =	shalt  }
0x40: {  	_ =	shalt  }
0x41: {  	_ =	shalt  }
0x42: {  	_ =	shalt  }
0x43: {  	_ =	shalt  }
0x44: {  	_ =	shalt  }
0x45: {  	_ =	shalt  }
0x46: {  	_ =	shalt  }
0x47: {  	_ =	shalt  }
0x48: {  	_ =	shalt  }
0x49: {  	_ =	shalt  }
0x4a: {  	_ =	shalt  }
0x4b: {  	_ =	shalt  }
0x4c: {  	_ =	shalt  }
0x4d: {  	_ =	shalt  }
0x4e: {  	_ =	shalt  }
0x4f: {  	_ =	shalt  }
0x50: {  	_ =	shalt  }
0x51: {  	_ =	shalt  }
0x52: {  	_ =	shalt  }
0x53: {  	_ =	shalt  }
0x54: {  	_ =	shalt  }
0x55: {  	_ =	shalt  }
0x56: {  	_ =	shalt  }
0x57: {  	_ =	shalt  }
0x58: {  	_ =	shalt  }
0x59: {  	_ =	shalt  }
0x5a: {  	_ =	shalt  }
0x5b: {  	_ =	shalt  }
0x5c: {  	_ =	shalt  }
0x5d: {  	_ =	shalt  }
0x5e: {  	_ =	shalt  }
0x5f: {  	_ =	shalt  }
0x60: {  	_ =	shalt  }
0x61: {  	_ =	shalt  }
0x62: {  	_ =	shalt  }
0x63: {  	_ =	shalt  }
0x64: {  	_ =	shalt  }
0x65: {  	_ =	shalt  }
0x66: {  	_ =	shalt  }
0x67: {  	_ =	shalt  }
0x68: {  	_ =	shalt  }
0x69: {  	_ =	shalt  }
0x6a: {  	_ =	shalt  }
0x6b: {  	_ =	shalt  }
0x6c: {  	_ =	shalt  }
0x6d: {  	_ =	shalt  }
0x6e: {  	_ =	shalt  }
0x6f: {  	_ =	shalt  }
0x70: {  	_ =	shalt  }
0x71: {  	_ =	shalt  }
0x72: {  	_ =	shalt  }
0x73: {  	_ =	shalt  }
0x74: {  	_ =	shalt  }
0x75: {  	_ =	shalt  }
0x76: {  	_ =	shalt  }
0x77: {  	_ =	shalt  }
0x78: {  	_ =	shalt  }
0x79: {  	_ =	shalt  }
0x7a: {  	_ =	shalt  }
0x7b: {  	_ =	shalt  }
0x7c: {  	_ =	shalt  }
0x7d: {  	_ =	shalt  }
0x7e: {  	_ =	shalt  }
0x7f: {  	_ =	shalt  }
0x80: {  	_ =	shalt  }
0x81: {  	_ =	shalt  }
0x82: {  	_ =	shalt  }
0x83: {  	_ =	shalt  }
0x84: {  	_ =	shalt  }
0x85: {  	_ =	shalt  }
0x86: {  	_ =	shalt  }
0x87: {  	_ =	shalt  }
.Lfunc_end0:
.L_simem_size_0:
called_computation_lowered:
.L_overlay_start_0:
0x88: {  	s2 =	sld [smem:$0x3FD9]  }
0x89: {  	s3 =	sld [smem:$0x3FFE];
	_ =	sdelay $0x1  }
0x8a: {  	s1 =	srdreg.scid  }
0x8b: {  	s0 =	sand.u32 $0x1, s1  }
0x8c: {  	s17 =	sshll.u32 s0, $0xA;
	s2 =	sadd.s32 s3, s2  }
0x8d: {  	s2 =	sadd.s32 s2, s17  }
0x8e: {  	[smem:$0x3FC6] =	sst s2  }
0x8f: {  	_ = 	snop  }
0x90: {  	s2 =	sld [smem:$0x3FC9]  }
0x91: {  	s18 =	sld [smem:$0x3FD0];
	(tm) =	ssettm $0x1  }
0x92: {  	s4 =	sld [smem:$0x3FFB];
	_ =	sdelay $0x3  }
0x93: {  	_ =	strace s4  }
0x94: {  	s4 =	sld [smem:$0x3FFC];
	_ =	sdelay $0x3  }
0x95: {  	_ =	strace s4  }
0x96: {  	s4 =	sld [smem:$0x3FFD];
	_ =	sdelay $0x3  }
0x97: {  	_ =	strace s4  }
0x98: {  	_ =	strace $0x8FFFFFFF  }
0x99: {  	s19 =	sld [smem:$0x3FDB];
	_ =	sdelay $0x1  }
0x9a: {  	s5 =	simm.s32 $_scs_section_size  }
0x9b: {  	s6 =	simm.s32 $_size__tile_overlayer_lowered;
	s7 =	simm.s32 $_tile_overlayer_lowered  }
0x9c: {  	s22 =	simm.s32 $0x1BFF;
	s21 =	sshll.u32 s7, $0x1;
	s4 =	sadd.s32 s5, s19  }
0x9d: {  	s8 =	simm.s32 $0x0;
	s20 =	sshll.u32 s6, $0x1;
	s6 =	sadd.s32 s21, s4  }
0x9e: {  	[timem:s8], [sflag:s22] =	dma.local [hbm:s6], s20  }
0x9f: {  	_ =	swait.ge [sflag:s22], s20  }
0xa0: {  	s5 =	ssub.s32 $0x0, s20;
	[sflag:s22] =	ssyncset.done $0x0  }
0xa1: {  	[sflag:s22] =	ssyncadd.s32 s5;
	_ =	sdelay $0x1  }
0xa2: {  	s23 =	simm.s32 $0x1B8B  }
0xa3: {  	_ =	swait.ge [sflag:s23], $0x1  }
0xa4: {  	[sflag:s23] =	ssyncset.done $0x0  }
0xa5: {  	s25 =	simm.s32 $0x1B8E;
	s24 =	sld [smem:$0x3FFE];
	[sflag:s23] =	ssyncadd.s32 $0xFFFFFFFF  }
0xa6: {  	s26 =	simm.s32 $execute0_lowered;
	[smem:$0x3FD2] =	sst s25  }
0xa7: {  	s6 =	sshll.u32 s26, $0x1;
	_ =	strace $0x80000046;
	[dreg:$0x1] =	wrdreg $0xFFFFFFFF  }
0xa8: {  	s28 =	simm.s32 $_size_execute0_lowered;
	s4 =	sadd.s32 s4, s6;
	[dreg:$0x0] =	wrdreg $0x0  }
0xa9: {  	s6 =	sshll.u32 s28, $0x1;
	[dreg:$0x2] =	wrdreg s4  }
0xaa: {  	[dreg:$0x3] =	wrdreg s6  }
0xab: {  	[dreg:$0x4] =	wrdreg $0xC0  }
0xac: {  	_ =	task [dreg:s8], $0x5FFFF  }
0xad: {  	[dreg:$0x1] =	wrdreg $0xFFFFFFFF  }
0xae: {  	[dreg:$0x0] =	wrdreg $0x60  }
0xaf: {  	[dreg:$0x2] =	wrdreg s2  }
0xb0: {  	[dreg:$0x3] =	wrdreg s24  }
0xb1: {  	[dreg:$0x4] =	wrdreg s18  }
0xb2: {  	[dreg:$0x5] =	wrdreg $0x9  }
0xb3: {  	_ =	task.clear_ibuf [dreg:s8], $0x6FFFF;
	_ =	strace $0x90000046  }
0xb4: {  	s29 =	simm.s32 $0x9;
	_ =	strace $0x80000048  }
0xb5: {  	_ =	swait.ge [sflag:s29], $0x1  }
0xb6: {  	[sflag:s29] =	ssyncadd.s32 $0xFFFFFFFF  }
0xb7: {  	_ =	strace $0x90000048  }
0xb8: {  	_ =	sfence  }
0xb9: {  	s30 =	sld [smem:$0x0];
	_ =	sdelay $0x2  }
0xba: {  	s31 =	sshll.u32 s1, $0xD;
	s1 =	sshrl.u32 s1, $0x2  }
0xbb: {  	s3 =	sand.u32 $0x4000, s31;
	s1 =	sadd.s32 s1, s30  }
0xbc: {  	s0 =	sor.u32 s3, s0;
	s1 =	sshll.u32 s1, $0x11  }
0xbd: {  	s0 =	sor.u32 s1, s0  }
0xbe: {  	s0 =	sadd.s32 $0x8F2B, s0  }
0xbf: {  	[sflag:s0] =	ssyncadd.remote.s32 $0x1  }
0xc0: {  	_ =	sfence.sel $0xFFFF  }
0xc1: {  	[dreg:$0x0] =	wrdreg $0xFFFFFFFF;
	(pc) =	sbr.abs _section_cstart, $3  }
0xc2: {  	[dreg:$0x1] =	wrdreg $0xFFFFFFFF  }
0xc3: {  	_ =	task.clear_ibuf [dreg:s8], $0x2FFFF;
	_ =	strace $0x9FFFFFFF  }
0xc4: {  	(tm) =	ssettm $0x7FFFFFFF  }
0xc5: {  	_ =	shalt  }
tec
execute0_lowered:
.L_overlay_start_1:
0x0: {  	(tag) =	ssettag $0x1  }
0x1: {  	s5 =	rddreg [dreg:$0x0]  }
0x2: {  	s0 =	rddreg [dreg:$0x1]  }
0x3: {  	s1 =	srdreg.scid;
	s4 =	stileid.u32  }
0x4: {  	s12 =	simm.s32 $0x0;
	s13 =	simm.s32 $0x100;
	s14 =	simm.s32 $0x400  }
0x5: {  	s15 =	simm.s32 $0x300;
	s18 =	simm.s32 $0x460;
	s19 =	simm.s32 $0x5C0  }
0x6: {  	s16 =	simm.s32 $0x880;
	s17 =	simm.s32 $0x9E0;
	s29 =	simm.s32 $0xCA0  }
0x7: {  	s1 =	sand.u32 $0x1, s1;
	s2 =	sshll.u32 s4, $0x10;
	s4 =	sshrl.u32 s4, $0x2  }
0x8: {  	[smem:$0x7FF] =	sst s12;
	s0 =	sadd.s32 $0x400, s0;
	s3 =	sshll.u32 s1, $0xF  }
0x9: {  	s24 =	sshll.u32 s4, $0x12;
	_ =	strace $0x80000047;
	[dreg:$0x15] =	wrdreg s0  }
0xa: {  	s2 =	sand.u32 $0x30000, s2;
	s28 =	sshll.u32 s4, $0x17;
	[dreg:$0x14] =	wrdreg s24  }
0xb: {  	s1 =	ssub.s32 $0x2, s1;
	s2 =	sor.u32 s3, s2;
	[dreg:$0x17] =	wrdreg s28  }
0xc: {  	s25 =	sshrl.u32 s1, $0x1;
	s31 =	sor.u32 $0x100, s28;
	[dreg:$0x13] =	wrdreg s2  }
.Ltmp0:
0xd: {  	s2 =	sor.u32 s24, s2;
	s0 =	ssub.s32 s1, s25;
	(pc) =	sbr.rel .LBB2_1-.Ltmp0, $4  }
0xe: {  	[dreg:$0x19] =	wrdreg s31;
	s2 =	sshrl.u32 s2, $0x3;
	s0 =	smax.u32 s0, $0x1  }
0xf: {  	s30 =	simm.s32 $0xE00;
	s26 =	sadd.s32 s5, s2;
	[dreg:$0x1a] =	wrdreg s0  }
0x10: {  	s20 =	simm.s32 $0xF60;
	[dreg:$0x16] =	wrdreg s26;
	s1 =	sadd.s32 $0x20, s26  }
0x11: {  	v0 =	vlaneseq.u32;
	s25 =	simm.s32 $0xB40;
	s2 =	simm.s32 $0x0;
	[dreg:$0x18] =	wrdreg s1  }
.LBB2_18:
0x12: {  	s0 =	simm.s32 $0x3  }
0x13: {  	_ =	swait.ge [sflag:s0], $0x8000  }
0x14: {  	[sflag:s0] =	ssyncset.done $0x0  }
0x15: {  	s1 =	simm.s32 $0x4;
	[sflag:s0] =	ssyncadd.s32 $0xFFFF8000  }
0x16: {  	_ =	swait.ge [sflag:s1], $0x8000  }
0x17: {  	s2 =	rddreg [dreg:$0x1b]  }
0x18: {  	s31 =	rddreg [dreg:$0x1a];
	s2 =	sadd.s32 $0x1, s2  }
0x19: {  	p0 =	sne.s32 s2, s31  }
.Ltmp1:
0x1a: {  	_ = 	snop;
	(pc) =	sbr.rel @!p0 .LBB2_19-.Ltmp1, $3  }
0x1b: {  	_ =	sdelay $0x1  }
0x1c: {  	[sflag:s1] =	ssyncset.done $0x0  }
0x1d: {  	[sflag:s1] =	ssyncadd.s32 $0xFFFF8000  }
.LBB2_1:
0x1e: {  	s0 =	rddreg [dreg:$0x15];
	s6 =	simm.s32 $0xFFFFFFFC  }
0x1f: {  	[tilespmem:s12], [sflag:$0x5] =	stream.linear.gather [hbm4b:s0+s12], $0x300, $0x38;
	[tilespmem:$0x13700] =	vst v63  }
0x20: {  	[dreg:$0x1b] =	wrdreg s2;
	s1 =	simm.s32 $0x5;
	s7 =	smul.u32 $0xBA2F, s6  }
0x21: {  	_ =	swait.ge [sflag:s1], $0x300  }
0x22: {  	[sflag:s1] =	ssyncset.done $0x0;
	s0 =	sadd.s32 $0x3A2EB, s7  }
0x23: {  	s8 =	sadd.s32 $0x2E8BC, s7;
	s5 =	sadd.s32 $0x51749, s7;
	s3 =	sshrl.u32 s0, $0x14  }
0x24: {  	s2 =	sadd.s32 $0x45D1A, s7;
	s4 =	sshrl.u32 s8, $0x14;
	s3 =	smul.u32 $0x16, s3  }
0x25: {  	[sflag:s1] =	ssyncadd.s32 $0xFFFFFD00;
	s5 =	sshrl.u32 s5, $0x14;
	s6 =	smul.u32 $0x16, s4  }
0x26: {  	s0 =	simm.s32 $0x320;
	s2 =	sshrl.u32 s2, $0x14;
	s7 =	smul.u32 $0x16, s5  }
0x27: {  	s1 =	simm.s32 $0x0;
	s8 =	smul.u32 $0x16, s2;
	s3 =	ssub.s32 $0xFFFFFFFC, s3  }
0x28: {  	s22 =	smul.u32 $0xBA2F, s1;
	s6 =	ssub.s32 $0x0, s6;
	s3 =	sshll.u32 s3, $0x5  }
0x29: {  	s7 =	ssub.s32 $0xFFFFFFFC, s7;
	s21 =	ssub.s32 $0xFFFFFFFC, s8;
	s3 =	sadd.s32 s4, s3  }
0x2a: {  	s6 =	sshll.u32 s6, $0x5;
	s9 =	sshll.u32 s7, $0x5;
	s3 =	sadd.s32 $0xA0, s3  }
0x2b: {  	s4 =	sadd.s32 s4, s6;
	s11 =	sadd.s32 s5, s9;
	s10 =	sand.u32 $0xFFFF, s3  }
0x2c: {  	s23 =	sadd.s32 $0x3A2EB, s22;
	s4 =	sand.u32 $0xFFFF, s4;
	s6 =	sadd.s32 $0xE0, s11;
	v1 =	vmov s10  }
0x2d: {  	s26 =	sadd.s32 $0x51749, s22;
	s5 =	sshll.u32 s21, $0x5;
	s6 =	sand.u32 $0xFFFF, s6;
	v2 =	vmov s4  }
0x2e: {  	s28 =	sadd.s32 $0x2E8BC, s22;
	s2 =	sadd.s32 s2, s5;
	s5 =	sshrl.u32 s26, $0x14;
	v3 =	vmov s6  }
0x2f: {  	s2 =	sadd.s32 $0xC0, s2;
	s4 =	sshrl.u32 s23, $0x14;
	s11 =	smul.u32 $0x16, s5  }
0x30: {  	s31 =	sand.u32 $0xFFFF, s2;
	s6 =	sshrl.u32 s28, $0x14;
	s4 =	smul.u32 $0x16, s4  }
0x31: {  	s24 =	sadd.s32 $0x45D1A, s22;
	s3 =	simm.s32 $0x4;
	s9 =	smul.u32 $0x16, s6;
	v4 =	vmov s31;
	v1 =	vld.idx.msk [tilespmem:v1+s12+$0x0], $0xffff  }
0x32: {  	s2 =	simm.s32 $0x360;
	s10 =	ssub.s32 $0x0, s4;
	s4 =	sshrl.u32 s24, $0x14;
	v2 =	vld.idx.msk [tilespmem:v2+s12+$0x0], $0xffff  }
0x33: {  	s9 =	ssub.s32 $0x4, s9;
	s10 =	sshll.u32 s10, $0x5;
	s7 =	smul.u32 $0x16, s4;
	v3 =	vld.idx.msk [tilespmem:v3+s12+$0x0], $0xffff  }
0x34: {  	s8 =	sshll.u32 s9, $0x5;
	s9 =	sadd.s32 s6, s10;
	s10 =	ssub.s32 $0x0, s11  }
.LBB2_2:
0x35: {  	s6 =	sadd.s32 s6, s8;
	s8 =	sadd.s32 $0xA0, s9  }
0x36: {  	s9 =	sshll.u32 s10, $0x5;
	[tilespmem:s0+$0xFFFFFFF0] =	vst v1;
	v1 =	vld.idx.msk [tilespmem:v4+s12+$0x0], $0xffff;
	s10 =	smov.u32 s3;
	s3 =	sadd.s32 $0x4, s3  }
0x37: {  	s6 =	sand.u32 $0xFFFF, s6;
	s8 =	sand.u32 $0xFFFF, s8;
	s5 =	sadd.s32 s5, s9;
	[tilespmem:s0+$0xFFFFFFE0] =	vst v2  }
0x38: {  	s1 =	ssub.s32 s1, s7;
	p0 =	slt.u32 s3, $0x2BC;
	v2 =	vmov s6;
	v4 =	vmov s8;
	s5 =	sadd.s32 $0xE0, s5;
	[tilespmem:s0+$0x10] =	vst v3  }
0x39: {  	s1 =	sshll.u32 s1, $0x5;
	s6 =	smul.u32 $0xBA2F, s10;
	s5 =	sand.u32 $0xFFFF, s5  }
0x3a: {  	s4 =	sadd.s32 s4, s1;
	s1 =	smov.u32 s10;
	v3 =	vmov s5  }
0x3b: {  	s4 =	sadd.s32 $0xC0, s4;
	s5 =	sadd.s32 $0x3A2EB, s6  }
0x3c: {  	s7 =	sadd.s32 $0x45D1A, s6;
	s8 =	sadd.s32 $0x51749, s6;
	s5 =	sshrl.u32 s5, $0x14;
	[tilespmem:s0+$0x0] =	vst v1  }
0x3d: {  	s4 =	sand.u32 $0xFFFF, s4;
	s0 =	sadd.s32 $0x2E8BC, s6;
	s9 =	smul.u32 $0x16, s5;
	v1 =	vld.idx.msk [tilespmem:v4+s12+$0x0], $0xffff  }
.Ltmp2:
0x3e: {  	s5 =	sshrl.u32 s8, $0x14;
	s6 =	sshrl.u32 s0, $0x14;
	v4 =	vmov s4;
	v2 =	vld.idx.msk [tilespmem:v2+s12+$0x0], $0xffff;
	(pc) =	sbr.rel @p0 .LBB2_2-.Ltmp2, $4  }
0x3f: {  	s0 =	smov.u32 s2;
	s2 =	sadd.s32 $0x40, s2;
	s8 =	smul.u32 $0x16, s6;
	v3 =	vld.idx.msk [tilespmem:v3+s12+$0x0], $0xffff  }
0x40: {  	s4 =	sshrl.u32 s7, $0x14;
	s10 =	smul.u32 $0x16, s5;
	s9 =	ssub.s32 s1, s9  }
0x41: {  	s7 =	smul.u32 $0x16, s4;
	s9 =	sshll.u32 s9, $0x5;
	s8 =	ssub.s32 s3, s8  }
0x42: {  	s10 =	ssub.s32 s1, s10;
	s9 =	sadd.s32 s6, s9;
	s8 =	sshll.u32 s8, $0x5  }
0x43: {  	s3 =	sadd.s32 s6, s8  }
0x44: {  	s22 =	sadd.s32 $0xA0, s9;
	s23 =	sshll.u32 s10, $0x5;
	s1 =	ssub.s32 s1, s7  }
0x45: {  	s6 =	sand.u32 $0xFFFF, s22;
	s5 =	sadd.s32 s5, s23;
	s1 =	sshll.u32 s1, $0x5  }
0x46: {  	s3 =	sand.u32 $0xFFFF, s3;
	v5 =	vmov s6;
	s5 =	sadd.s32 $0xE0, s5;
	s1 =	sadd.s32 s4, s1  }
0x47: {  	v6 =	vmov s3;
	s24 =	sand.u32 $0xFFFF, s5;
	s1 =	sadd.s32 $0xC0, s1  }
0x48: {  	v7 =	vmov s24;
	s1 =	sand.u32 $0xFFFF, s1  }
0x49: {  	v8 =	vmov s1  }
0x4a: {  	v4 =	vld.idx.msk [tilespmem:v4+s12+$0x0], $0xffff  }
0x4b: {  	v5 =	vld.idx.msk [tilespmem:v5+s12+$0x0], $0xffff  }
0x4c: {  	[tilespmem:s0+$0xFFFFFFF0] =	vst v1;
	v1 =	vld.idx.msk [tilespmem:v6+s12+$0x0], $0xffff  }
0x4d: {  	[tilespmem:s0+$0xFFFFFFE0] =	vst v2;
	v2 =	vld.idx.msk [tilespmem:v7+s12+$0x0], $0xffff  }
0x4e: {  	[tilespmem:s0+$0x10] =	vst v3;
	v3 =	vld.idx.msk [tilespmem:v8+s12+$0x0], $0xffff  }
0x4f: {  	[tilespmem:s0+$0x0] =	vst v4  }
0x50: {  	[tilespmem:s2+$0xFFFFFFF0] =	vst v5  }
0x51: {  	[tilespmem:s2+$0xFFFFFFE0] =	vst v1  }
0x52: {  	[tilespmem:s2+$0x10] =	vst v2  }
0x53: {  	s26 =	simm.s32 $0x2F00;
	s31 =	simm.s32 $0x3300;
	[tilespmem:s2+$0x0] =	vst v3  }
0x54: {  	s10 =	simm.s32 $0x1900;
	s7 =	simm.s32 $0x1D20;
	s0 =	rddreg [dreg:$0x16]  }
0x55: {  	[tilespmem:s26], [sflag:$0x1] =	stream.strided.gather [hbm4b:s0+s13], $0x400, s14, s13, $0x38;
	[tilespmem:$0x13700] =	vst v63  }
0x56: {  	s8 =	simm.s32 $0x1E80;
	s3 =	simm.s32 $0x0;
	s28 =	rddreg [dreg:$0x18]  }
0x57: {  	[tilespmem:s31], [sflag:$0x2] =	stream.strided.gather [hbm4b:s28+s13], $0x400, s14, s13, $0x38;
	[tilespmem:$0x13700] =	vst v63  }
.LBB2_4:
0x58: {  	[dreg:$0x1c] =	wrdreg s3;
	s0 =	simm.s32 $0x1  }
0x59: {  	_ =	swait.ge [sflag:s0], $0x400  }
0x5a: {  	p0 =	seq.s32 s3, $0x0;
	s6 =	simm.s32 $0x0;
	[sflag:s0] =	ssyncset.done $0x0  }
0x5b: {  	s1 =	sand.u32 $0x300, s6;
	[sflag:s0] =	ssyncadd.s32 $0xFFFFFC00;
	s0 =	simm.s32 @!p0 $0x3  }
0x5c: {  	s2 =	sand.u32 $0x80, s6;
	s31 =	sand.u32 $0x40, s6;
	_ =	swait.ge @!p0 [sflag:s0], $0x8000  }
0x5d: {  	s28 =	sor.u32 s2, s1;
	s26 =	sor.u32 $0x30, s31;
	[sflag:s0] =	ssyncset.done @!p0 $0x0  }
0x5e: {  	s9 =	sor.u32 s26, s28;
	[sflag:s0] =	ssyncadd.s32 @!p0 $0xFFFF8000  }
0x5f: {  	v1 =	vld [tilespmem:s9+$0x2F00]  }
0x60: {  	s1 =	sor.u32 s31, s28  }
0x61: {  	s12 =	sor.u32 $0x10, s31;
	v2 =	vld [tilespmem:s1+$0x2F00]  }
0x62: {  	s2 =	sor.u32 s12, s28  }
0x63: {  	s11 =	sor.u32 $0x20, s31;
	v3 =	vld [tilespmem:s2+$0x2F00]  }
0x64: {  	s13 =	sor.u32 s11, s28;
	vm0 =	vgt.s32 v1, $0x0  }
0x65: {  	v4 =	vld [tilespmem:s13+$0x2F00];
	v1 =	vnsel vm0, $0x0, v1  }
0x66: {  	vm9 =	vgt.s32 v2, $0x0;
	v1 =	vmin.u32 v1, $0x15  }
0x67: {  	v2 =	vnsel vm9, $0x0, v2;
	v1 =	vshll.u32 v1, $0x4  }
0x68: {  	vm10 =	vgt.s32 v3, $0x0;
	v8 =	vor.u32 v0, v1;
	v1 =	vmin.u32 v2, $0x15  }
0x69: {  	v3 =	vnsel vm10, $0x0, v3;
	v1 =	vshll.u32 v1, $0x4  }
0x6a: {  	vm11 =	vgt.s32 v4, $0x0;
	v2 =	vmin.u32 v3, $0x15;
	v3 =	vor.u32 v0, v1  }
0x6b: {  	v4 =	vnsel vm11, $0x0, v4;
	v2 =	vshll.u32 v2, $0x4  }
0x6c: {  	v1 =	vmin.u32 v4, $0x15;
	v2 =	vor.u32 v0, v2  }
0x6d: {  	v1 =	vshll.u32 v1, $0x4  }
0x6e: {  	v1 =	vor.u32 v0, v1;
	v4 =	vld.idx.msk [tilespmem:v8+s15+$0x0], $0xffff  }
0x6f: {  	v5 =	vld.idx.msk [tilespmem:v3+s15+$0x0], $0xffff;
	_ =	sdelay $0x1  }
0x70: {  	v6 =	vld.idx.msk [tilespmem:v2+s15+$0x0], $0xffff;
	_ =	sdelay $0x1  }
0x71: {  	v7 =	vld.idx.msk [tilespmem:v1+s15+$0x0], $0xffff;
	[tilespmem:s9+$0x3700] =	vst v4  }
0x72: {  	v4 =	vld.idx.msk [tilespmem:v8+s18+$0x0], $0xffff;
	[tilespmem:s1+$0x3700] =	vst v5  }
0x73: {  	v5 =	vld.idx.msk [tilespmem:v3+s18+$0x0], $0xffff  }
0x74: {  	[tilespmem:s2+$0x3700] =	vst v6  }
0x75: {  	s14 =	sadd.s32 $0x3B00, s28;
	v6 =	vld.idx.msk [tilespmem:v2+s18+$0x0], $0xffff  }
0x76: {  	s21 =	sor.u32 s26, s14;
	[tilespmem:s13+$0x3700] =	vst v7  }
0x77: {  	s22 =	sor.u32 s31, s14;
	v7 =	vld.idx.msk [tilespmem:v1+s18+$0x0], $0xffff;
	[tilespmem:s21+$0x0] =	vst v4  }
0x78: {  	v4 =	vld.idx.msk [tilespmem:v8+s19+$0x0], $0xffff;
	[tilespmem:s22+$0x0] =	vst v5  }
0x79: {  	s23 =	sor.u32 s12, s14;
	v5 =	vld.idx.msk [tilespmem:v3+s19+$0x0], $0xffff  }
0x7a: {  	[tilespmem:s23+$0x0] =	vst v6  }
0x7b: {  	s24 =	sadd.s32 $0x3F00, s28;
	s0 =	sor.u32 s11, s14;
	v6 =	vld.idx.msk [tilespmem:v2+s19+$0x0], $0xffff  }
0x7c: {  	s3 =	sor.u32 s26, s24;
	[tilespmem:s0+$0x0] =	vst v7  }
0x7d: {  	s4 =	sor.u32 s31, s24;
	s14 =	simm.s32 $0x720;
	v7 =	vld.idx.msk [tilespmem:v1+s19+$0x0], $0xffff;
	[tilespmem:s3+$0x0] =	vst v4  }
0x7e: {  	v4 =	vld.idx.msk [tilespmem:v8+s14+$0x0], $0xffff;
	[tilespmem:s4+$0x0] =	vst v5  }
0x7f: {  	s5 =	sor.u32 s12, s24;
	v5 =	vld.idx.msk [tilespmem:v3+s14+$0x0], $0xffff  }
0x80: {  	[tilespmem:s5+$0x0] =	vst v6  }
0x81: {  	s6 =	sor.u32 s11, s24;
	s9 =	sadd.s32 $0x4300, s28;
	v6 =	vld.idx.msk [tilespmem:v2+s14+$0x0], $0xffff  }
0x82: {  	s13 =	sor.u32 s26, s9;
	[tilespmem:s6+$0x0] =	vst v7  }
0x83: {  	s21 =	sor.u32 s31, s9;
	v7 =	vld.idx.msk [tilespmem:v1+s14+$0x0], $0xffff;
	[tilespmem:s13+$0x0] =	vst v4  }
0x84: {  	v4 =	vld.idx.msk [tilespmem:v8+s16+$0x0], $0xffff;
	[tilespmem:s21+$0x0] =	vst v5  }
0x85: {  	s22 =	sor.u32 s12, s9;
	v5 =	vld.idx.msk [tilespmem:v3+s16+$0x0], $0xffff  }
0x86: {  	[tilespmem:s22+$0x0] =	vst v6  }
0x87: {  	s24 =	sadd.s32 $0x4700, s28;
	s23 =	sor.u32 s11, s9;
	v6 =	vld.idx.msk [tilespmem:v2+s16+$0x0], $0xffff  }
0x88: {  	s3 =	sor.u32 s26, s24;
	[tilespmem:s23+$0x0] =	vst v7  }
0x89: {  	s4 =	sor.u32 s31, s24;
	v7 =	vld.idx.msk [tilespmem:v1+s16+$0x0], $0xffff;
	[tilespmem:s3+$0x0] =	vst v4  }
0x8a: {  	v4 =	vld.idx.msk [tilespmem:v8+s17+$0x0], $0xffff;
	[tilespmem:s4+$0x0] =	vst v5  }
0x8b: {  	s5 =	sor.u32 s12, s24;
	v5 =	vld.idx.msk [tilespmem:v3+s17+$0x0], $0xffff  }
0x8c: {  	[tilespmem:s5+$0x0] =	vst v6  }
0x8d: {  	s9 =	sadd.s32 $0x4B00, s28;
	s6 =	sor.u32 s11, s24;
	v6 =	vld.idx.msk [tilespmem:v2+s17+$0x0], $0xffff  }
0x8e: {  	s13 =	sor.u32 s26, s9;
	[tilespmem:s6+$0x0] =	vst v7  }
0x8f: {  	s21 =	sor.u32 s31, s9;
	v7 =	vld.idx.msk [tilespmem:v1+s17+$0x0], $0xffff;
	[tilespmem:s13+$0x0] =	vst v4  }
0x90: {  	v4 =	vld.idx.msk [tilespmem:v8+s25+$0x0], $0xffff;
	[tilespmem:s21+$0x0] =	vst v5  }
0x91: {  	s22 =	sor.u32 s12, s9;
	v5 =	vld.idx.msk [tilespmem:v3+s25+$0x0], $0xffff  }
0x92: {  	[tilespmem:s22+$0x0] =	vst v6  }
0x93: {  	s24 =	sadd.s32 $0x4F00, s28;
	s23 =	sor.u32 s11, s9;
	v6 =	vld.idx.msk [tilespmem:v2+s25+$0x0], $0xffff  }
0x94: {  	s3 =	sor.u32 s26, s24;
	[tilespmem:s23+$0x0] =	vst v7  }
0x95: {  	s4 =	sor.u32 s31, s24;
	v7 =	vld.idx.msk [tilespmem:v1+s25+$0x0], $0xffff;
	[tilespmem:s3+$0x0] =	vst v4  }
0x96: {  	v4 =	vld.idx.msk [tilespmem:v8+s29+$0x0], $0xffff;
	[tilespmem:s4+$0x0] =	vst v5  }
0x97: {  	s5 =	sor.u32 s12, s24;
	v5 =	vld.idx.msk [tilespmem:v3+s29+$0x0], $0xffff  }
0x98: {  	[tilespmem:s5+$0x0] =	vst v6  }
0x99: {  	s9 =	sadd.s32 $0x5300, s28;
	s6 =	sor.u32 s11, s24;
	v6 =	vld.idx.msk [tilespmem:v2+s29+$0x0], $0xffff  }
0x9a: {  	s13 =	sor.u32 s26, s9;
	[tilespmem:s6+$0x0] =	vst v7  }
0x9b: {  	s21 =	sor.u32 s31, s9;
	v7 =	vld.idx.msk [tilespmem:v1+s29+$0x0], $0xffff;
	[tilespmem:s13+$0x0] =	vst v4  }
0x9c: {  	v4 =	vld.idx.msk [tilespmem:v8+s30+$0x0], $0xffff;
	[tilespmem:s21+$0x0] =	vst v5  }
0x9d: {  	s22 =	sor.u32 s12, s9;
	v5 =	vld.idx.msk [tilespmem:v3+s30+$0x0], $0xffff  }
0x9e: {  	[tilespmem:s22+$0x0] =	vst v6  }
0x9f: {  	s24 =	sadd.s32 $0x5700, s28;
	s23 =	sor.u32 s11, s9;
	v6 =	vld.idx.msk [tilespmem:v2+s30+$0x0], $0xffff  }
0xa0: {  	s3 =	sor.u32 s26, s24;
	[tilespmem:s23+$0x0] =	vst v7  }
0xa1: {  	s4 =	sor.u32 s31, s24;
	v7 =	vld.idx.msk [tilespmem:v1+s30+$0x0], $0xffff;
	[tilespmem:s3+$0x0] =	vst v4  }
0xa2: {  	v4 =	vld.idx.msk [tilespmem:v8+s20+$0x0], $0xffff;
	[tilespmem:s4+$0x0] =	vst v5  }
0xa3: {  	s5 =	sor.u32 s12, s24;
	v5 =	vld.idx.msk [tilespmem:v3+s20+$0x0], $0xffff  }
0xa4: {  	[tilespmem:s5+$0x0] =	vst v6  }
0xa5: {  	s9 =	sadd.s32 $0x5B00, s28;
	s6 =	sor.u32 s11, s24;
	v6 =	vld.idx.msk [tilespmem:v2+s20+$0x0], $0xffff  }
0xa6: {  	s13 =	sor.u32 s26, s9;
	[tilespmem:s6+$0x0] =	vst v7  }
0xa7: {  	s21 =	simm.s32 $0x10C0;
	v7 =	vld.idx.msk [tilespmem:v1+s20+$0x0], $0xffff;
	s20 =	sor.u32 s31, s9;
	[tilespmem:s13+$0x0] =	vst v4  }
0xa8: {  	v4 =	vld.idx.msk [tilespmem:v8+s21+$0x0], $0xffff;
	[tilespmem:s20+$0x0] =	vst v5  }
0xa9: {  	s22 =	sor.u32 s12, s9;
	v5 =	vld.idx.msk [tilespmem:v3+s21+$0x0], $0xffff  }
0xaa: {  	[tilespmem:s22+$0x0] =	vst v6  }
0xab: {  	s24 =	sadd.s32 $0x5F00, s28;
	s23 =	sor.u32 s11, s9;
	v6 =	vld.idx.msk [tilespmem:v2+s21+$0x0], $0xffff  }
0xac: {  	s2 =	sor.u32 s26, s24;
	[tilespmem:s23+$0x0] =	vst v7  }
0xad: {  	s3 =	sor.u32 s31, s24;
	s4 =	simm.s32 $0x1220;
	v7 =	vld.idx.msk [tilespmem:v1+s21+$0x0], $0xffff;
	[tilespmem:s2+$0x0] =	vst v4  }
0xae: {  	v4 =	vld.idx.msk [tilespmem:v8+s4+$0x0], $0xffff;
	[tilespmem:s3+$0x0] =	vst v5  }
0xaf: {  	s5 =	sor.u32 s12, s24;
	v5 =	vld.idx.msk [tilespmem:v3+s4+$0x0], $0xffff  }
0xb0: {  	[tilespmem:s5+$0x0] =	vst v6  }
0xb1: {  	s6 =	sor.u32 s11, s24;
	s9 =	sadd.s32 $0x6300, s28;
	v6 =	vld.idx.msk [tilespmem:v2+s4+$0x0], $0xffff  }
0xb2: {  	s13 =	sor.u32 s26, s9;
	[tilespmem:s6+$0x0] =	vst v7  }
0xb3: {  	s20 =	sor.u32 s31, s9;
	s21 =	simm.s32 $0x1380;
	v7 =	vld.idx.msk [tilespmem:v1+s4+$0x0], $0xffff;
	[tilespmem:s13+$0x0] =	vst v4  }
0xb4: {  	v4 =	vld.idx.msk [tilespmem:v8+s21+$0x0], $0xffff;
	[tilespmem:s20+$0x0] =	vst v5  }
0xb5: {  	s22 =	sor.u32 s12, s9;
	v5 =	vld.idx.msk [tilespmem:v3+s21+$0x0], $0xffff  }
0xb6: {  	[tilespmem:s22+$0x0] =	vst v6  }
0xb7: {  	s24 =	sadd.s32 $0x6700, s28;
	s23 =	sor.u32 s11, s9;
	v6 =	vld.idx.msk [tilespmem:v2+s21+$0x0], $0xffff  }
0xb8: {  	s2 =	sor.u32 s26, s24;
	[tilespmem:s23+$0x0] =	vst v7  }
0xb9: {  	s3 =	sor.u32 s31, s24;
	s4 =	simm.s32 $0x14E0;
	v7 =	vld.idx.msk [tilespmem:v1+s21+$0x0], $0xffff;
	[tilespmem:s2+$0x0] =	vst v4  }
0xba: {  	v4 =	vld.idx.msk [tilespmem:v8+s4+$0x0], $0xffff;
	[tilespmem:s3+$0x0] =	vst v5  }
0xbb: {  	s5 =	sor.u32 s12, s24;
	v5 =	vld.idx.msk [tilespmem:v3+s4+$0x0], $0xffff  }
0xbc: {  	[tilespmem:s5+$0x0] =	vst v6  }
0xbd: {  	s9 =	sadd.s32 $0x6B00, s28;
	s6 =	sor.u32 s11, s24;
	v6 =	vld.idx.msk [tilespmem:v2+s4+$0x0], $0xffff  }
0xbe: {  	s13 =	sor.u32 s26, s9;
	[tilespmem:s6+$0x0] =	vst v7  }
0xbf: {  	s20 =	sor.u32 s31, s9;
	s21 =	simm.s32 $0x1640;
	v7 =	vld.idx.msk [tilespmem:v1+s4+$0x0], $0xffff;
	[tilespmem:s13+$0x0] =	vst v4  }
0xc0: {  	v4 =	vld.idx.msk [tilespmem:v8+s21+$0x0], $0xffff;
	[tilespmem:s20+$0x0] =	vst v5  }
0xc1: {  	s22 =	sor.u32 s12, s9;
	v5 =	vld.idx.msk [tilespmem:v3+s21+$0x0], $0xffff  }
0xc2: {  	[tilespmem:s22+$0x0] =	vst v6  }
0xc3: {  	s24 =	sadd.s32 $0x6F00, s28;
	s23 =	sor.u32 s11, s9;
	v6 =	vld.idx.msk [tilespmem:v2+s21+$0x0], $0xffff  }
0xc4: {  	s2 =	sor.u32 s26, s24;
	[tilespmem:s23+$0x0] =	vst v7  }
0xc5: {  	s3 =	sor.u32 s31, s24;
	s4 =	simm.s32 $0x17A0;
	v7 =	vld.idx.msk [tilespmem:v1+s21+$0x0], $0xffff;
	[tilespmem:s2+$0x0] =	vst v4  }
0xc6: {  	v4 =	vld.idx.msk [tilespmem:v8+s4+$0x0], $0xffff;
	[tilespmem:s3+$0x0] =	vst v5  }
0xc7: {  	s5 =	sor.u32 s12, s24;
	v5 =	vld.idx.msk [tilespmem:v3+s4+$0x0], $0xffff  }
0xc8: {  	[tilespmem:s5+$0x0] =	vst v6  }
0xc9: {  	s9 =	sadd.s32 $0x7300, s28;
	s6 =	sor.u32 s11, s24;
	v6 =	vld.idx.msk [tilespmem:v2+s4+$0x0], $0xffff  }
0xca: {  	s13 =	sor.u32 s26, s9;
	s22 =	simm.s32 $0x80;
	[tilespmem:s6+$0x0] =	vst v7  }
0xcb: {  	s24 =	simm.s32 $0x40;
	s20 =	sor.u32 s31, s9;
	s0 =	sand.u32 $0x300, s22;
	v7 =	vld.idx.msk [tilespmem:v1+s4+$0x0], $0xffff;
	[tilespmem:s13+$0x0] =	vst v4  }
0xcc: {  	s23 =	simm.s32 $0x10;
	s21 =	sor.u32 s12, s9;
	s6 =	simm.s32 $0x40;
	v4 =	vld.idx.msk [tilespmem:v8+s10+$0x0], $0xffff;
	[tilespmem:s20+$0x0] =	vst v5  }
0xcd: {  	s4 =	sand.u32 $0x80, s23;
	s20 =	sand.u32 $0x40, s6;
	[dreg:$0x4] =	wrdreg s24  }
0xce: {  	s5 =	sor.u32 s11, s9;
	s24 =	sor.u32 s4, s0;
	s22 =	sor.u32 $0x10, s20;
	v5 =	vld.idx.msk [tilespmem:v3+s10+$0x0], $0xffff;
	[tilespmem:s21+$0x0] =	vst v6  }
0xcf: {  	s4 =	sadd.s32 $0x7700, s28;
	s21 =	sor.u32 $0x30, s20;
	s1 =	sor.u32 s22, s24;
	v6 =	vld.idx.msk [tilespmem:v2+s10+$0x0], $0xffff  }
0xd0: {  	[tilespmem:s5+$0x0] =	vst v7;
	s6 =	sor.u32 s26, s4;
	s3 =	sor.u32 s21, s24;
	v11 =	vld [tilespmem:s1+$0x2F00]  }
0xd1: {  	s13 =	simm.s32 $0x1A60;
	v7 =	vld [tilespmem:s3+$0x2F00];
	[tilespmem:s6+$0x0] =	vst v4  }
0xd2: {  	v4 =	vld.idx.msk [tilespmem:v8+s13+$0x0], $0xffff  }
0xd3: {  	s23 =	sor.u32 $0x20, s20;
	s2 =	sor.u32 s20, s24;
	v9 =	vld.idx.msk [tilespmem:v1+s10+$0x0], $0xffff  }
0xd4: {  	s0 =	sor.u32 s23, s24;
	s5 =	sor.u32 s31, s4;
	v10 =	vld [tilespmem:s2+$0x2F00]  }
0xd5: {  	s9 =	sor.u32 s12, s4;
	[tilespmem:s5+$0x0] =	vst v5;
	v5 =	vld [tilespmem:s0+$0x2F00];
	s5 =	sadd.s32 $0x7B00, s28  }
0xd6: {  	[tilespmem:s9+$0x0] =	vst v6;
	v6 =	vld.idx.msk [tilespmem:v3+s13+$0x0], $0xffff;
	s9 =	sor.u32 s26, s5;
	vm12 =	vgt.s32 v7, $0x0  }
0xd7: {  	s4 =	sor.u32 s11, s4;
	vm14 =	vgt.s32 v11, $0x0;
	v12 =	vld.idx.msk [tilespmem:v2+s13+$0x0], $0xffff;
	v7 =	vnsel vm12, $0x0, v7;
	[tilespmem:s9+$0x0] =	vst v4;
	s9 =	simm.s32 $0x1BC0  }
0xd8: {  	[tilespmem:s4+$0x0] =	vst v9;
	v11 =	vnsel vm14, $0x0, v11;
	v7 =	vmin.u32 v7, $0x15;
	v9 =	vld.idx.msk [tilespmem:v8+s9+$0x0], $0xffff  }
0xd9: {  	vm13 =	vgt.s32 v10, $0x0;
	v11 =	vmin.u32 v11, $0x15;
	v4 =	vshll.u32 v7, $0x4  }
0xda: {  	s6 =	sor.u32 s31, s5;
	v7 =	vnsel vm13, $0x0, v10;
	v10 =	vld.idx.msk [tilespmem:v1+s13+$0x0], $0xffff;
	vm15 =	vgt.s32 v5, $0x0;
	v4 =	vor.u32 v0, v4  }
0xdb: {  	s4 =	sadd.s32 $0x7F00, s28;
	s13 =	sor.u32 s12, s5;
	v7 =	vmin.u32 v7, $0x15;
	v5 =	vnsel vm15, $0x0, v5;
	[tilespmem:s6+$0x0] =	vst v6;
	v6 =	vshll.u32 v11, $0x4  }
0xdc: {  	v7 =	vshll.u32 v7, $0x4;
	v11 =	vmin.u32 v5, $0x15;
	v13 =	vld.idx.msk [tilespmem:v3+s9+$0x0], $0xffff;
	[tilespmem:s13+$0x0] =	vst v12;
	v6 =	vor.u32 v0, v6;
	s13 =	sor.u32 s26, s4  }
0xdd: {  	v5 =	vor.u32 v0, v7;
	v7 =	vshll.u32 v11, $0x4;
	v11 =	vld.idx.msk [tilespmem:v2+s9+$0x0], $0xffff;
	[tilespmem:s13+$0x0] =	vst v9  }
0xde: {  	s5 =	sor.u32 s11, s5;
	v9 =	vld.idx.msk [tilespmem:v8+s7+$0x0], $0xffff  }
0xdf: {  	v7 =	vor.u32 v0, v7;
	[tilespmem:s5+$0x0] =	vst v10;
	v12 =	vld.idx.msk [tilespmem:v4+s15+$0x0], $0xffff  }
0xe0: {  	v10 =	vld.idx.msk [tilespmem:v1+s9+$0x0], $0xffff  }
0xe1: {  	s9 =	sor.u32 s31, s4;
	v15 =	vld.idx.msk [tilespmem:v6+s15+$0x0], $0xffff  }
0xe2: {  	s13 =	sor.u32 s12, s4;
	s5 =	sadd.s32 $0x8300, s28;
	[tilespmem:s9+$0x0] =	vst v13;
	v14 =	vld.idx.msk [tilespmem:v5+s15+$0x0], $0xffff  }
0xe3: {  	s9 =	sor.u32 s26, s5;
	[tilespmem:s13+$0x0] =	vst v11;
	v11 =	vld.idx.msk [tilespmem:v3+s7+$0x0], $0xffff  }
0xe4: {  	v13 =	vld.idx.msk [tilespmem:v7+s15+$0x0], $0xffff;
	[tilespmem:s9+$0x0] =	vst v9  }
0xe5: {  	s4 =	sor.u32 s11, s4;
	[tilespmem:s3+$0x3700] =	vst v12;
	v9 =	vld.idx.msk [tilespmem:v8+s8+$0x0], $0xffff  }
0xe6: {  	[tilespmem:s4+$0x0] =	vst v10;
	v10 =	vld.idx.msk [tilespmem:v2+s7+$0x0], $0xffff  }
0xe7: {  	v12 =	vld.idx.msk [tilespmem:v4+s18+$0x0], $0xffff;
	[tilespmem:s1+$0x3700] =	vst v15  }
0xe8: {  	s13 =	sor.u32 s31, s5;
	[tilespmem:s2+$0x3700] =	vst v14;
	v15 =	vld.idx.msk [tilespmem:v6+s18+$0x0], $0xffff  }
0xe9: {  	s1 =	sadd.s32 $0x8700, s28;
	[tilespmem:s13+$0x0] =	vst v11;
	v11 =	vld.idx.msk [tilespmem:v1+s7+$0x0], $0xffff  }
0xea: {  	s4 =	sor.u32 s26, s1;
	v14 =	vld.idx.msk [tilespmem:v5+s18+$0x0], $0xffff;
	[tilespmem:s0+$0x3700] =	vst v13  }
0xeb: {  	s6 =	sor.u32 s12, s5;
	s2 =	sadd.s32 $0x3B00, s24;
	v13 =	vld.idx.msk [tilespmem:v7+s18+$0x0], $0xffff;
	[tilespmem:s4+$0x0] =	vst v9  }
0xec: {  	s9 =	simm.s32 $0x1FE0;
	s3 =	sor.u32 s21, s2;
	[tilespmem:s6+$0x0] =	vst v10;
	v10 =	vld.idx.msk [tilespmem:v3+s8+$0x0], $0xffff  }
0xed: {  	s13 =	sor.u32 s22, s2;
	[tilespmem:s3+$0x0] =	vst v12;
	v9 =	vld.idx.msk [tilespmem:v8+s9+$0x0], $0xffff  }
0xee: {  	s5 =	sor.u32 s11, s5;
	v12 =	vld.idx.msk [tilespmem:v4+s19+$0x0], $0xffff;
	[tilespmem:s13+$0x0] =	vst v15  }
0xef: {  	s7 =	sor.u32 s20, s2;
	[tilespmem:s5+$0x0] =	vst v11;
	v11 =	vld.idx.msk [tilespmem:v2+s8+$0x0], $0xffff  }
0xf0: {  	s2 =	sor.u32 s23, s2;
	[tilespmem:s7+$0x0] =	vst v14;
	v15 =	vld.idx.msk [tilespmem:v6+s19+$0x0], $0xffff  }
0xf1: {  	s4 =	sadd.s32 $0x3F00, s24;
	s13 =	sor.u32 s31, s1;
	v14 =	vld.idx.msk [tilespmem:v5+s19+$0x0], $0xffff;
	[tilespmem:s2+$0x0] =	vst v13  }
0xf2: {  	s6 =	sor.u32 s21, s4;
	s2 =	sadd.s32 $0x8B00, s28;
	v13 =	vld.idx.msk [tilespmem:v7+s19+$0x0], $0xffff;
	[tilespmem:s13+$0x0] =	vst v10  }
0xf3: {  	s7 =	sor.u32 s26, s2;
	v10 =	vld.idx.msk [tilespmem:v1+s8+$0x0], $0xffff;
	[tilespmem:s6+$0x0] =	vst v12  }
0xf4: {  	[tilespmem:s7+$0x0] =	vst v9;
	s7 =	sor.u32 s22, s4;
	s6 =	simm.s32 $0x2140;
	v12 =	vld.idx.msk [tilespmem:v4+s14+$0x0], $0xffff  }
0xf5: {  	s5 =	sor.u32 s20, s4;
	v9 =	vld.idx.msk [tilespmem:v8+s6+$0x0], $0xffff;
	[tilespmem:s7+$0x0] =	vst v15  }
0xf6: {  	s13 =	sor.u32 s23, s4;
	[tilespmem:s5+$0x0] =	vst v14;
	v15 =	vld.idx.msk [tilespmem:v6+s14+$0x0], $0xffff  }
0xf7: {  	s5 =	sor.u32 s12, s1;
	v14 =	vld.idx.msk [tilespmem:v5+s14+$0x0], $0xffff;
	[tilespmem:s13+$0x0] =	vst v13  }
0xf8: {  	s4 =	sadd.s32 $0x4300, s24;
	s1 =	sor.u32 s11, s1;
	[tilespmem:s5+$0x0] =	vst v11;
	v11 =	vld.idx.msk [tilespmem:v3+s9+$0x0], $0xffff  }
0xf9: {  	s0 =	sadd.s32 $0x8F00, s28;
	s7 =	sor.u32 s21, s4;
	[tilespmem:s1+$0x0] =	vst v10;
	v13 =	vld.idx.msk [tilespmem:v7+s14+$0x0], $0xffff  }
0xfa: {  	s8 =	sor.u32 s26, s0;
	v10 =	vld.idx.msk [tilespmem:v2+s9+$0x0], $0xffff;
	[tilespmem:s7+$0x0] =	vst v12  }
0xfb: {  	s5 =	sor.u32 s22, s4;
	[tilespmem:s8+$0x0] =	vst v9;
	s7 =	simm.s32 $0x22A0;
	v12 =	vld.idx.msk [tilespmem:v4+s16+$0x0], $0xffff  }
0xfc: {  	s13 =	sor.u32 s20, s4;
	v9 =	vld.idx.msk [tilespmem:v8+s7+$0x0], $0xffff;
	[tilespmem:s5+$0x0] =	vst v15  }
0xfd: {  	s8 =	sor.u32 s23, s4;
	[tilespmem:s13+$0x0] =	vst v14;
	v15 =	vld.idx.msk [tilespmem:v6+s16+$0x0], $0xffff  }
0xfe: {  	s13 =	sor.u32 s31, s2;
	v14 =	vld.idx.msk [tilespmem:v5+s16+$0x0], $0xffff;
	[tilespmem:s8+$0x0] =	vst v13  }
0xff: {  	s4 =	sadd.s32 $0x4700, s24;
	[tilespmem:s13+$0x0] =	vst v11;
	v11 =	vld.idx.msk [tilespmem:v1+s9+$0x0], $0xffff;
	s8 =	sor.u32 s12, s2  }
0x100: {  	s1 =	sadd.s32 $0x9300, s28;
	v13 =	vld.idx.msk [tilespmem:v7+s16+$0x0], $0xffff;
	s16 =	sor.u32 s21, s4;
	[tilespmem:s8+$0x0] =	vst v10  }
0x101: {  	s5 =	sor.u32 s26, s1;
	v10 =	vld.idx.msk [tilespmem:v3+s6+$0x0], $0xffff;
	[tilespmem:s16+$0x0] =	vst v12  }
0x102: {  	s13 =	sor.u32 s22, s4;
	s8 =	simm.s32 $0x2400;
	[tilespmem:s5+$0x0] =	vst v9;
	v12 =	vld.idx.msk [tilespmem:v4+s17+$0x0], $0xffff  }
0x103: {  	s9 =	sor.u32 s20, s4;
	v9 =	vld.idx.msk [tilespmem:v8+s8+$0x0], $0xffff;
	[tilespmem:s13+$0x0] =	vst v15  }
0x104: {  	s2 =	sor.u32 s11, s2;
	[tilespmem:s9+$0x0] =	vst v14;
	v15 =	vld.idx.msk [tilespmem:v6+s17+$0x0], $0xffff  }
0x105: {  	s16 =	sor.u32 s23, s4;
	[tilespmem:s2+$0x0] =	vst v11;
	v11 =	vld.idx.msk [tilespmem:v2+s6+$0x0], $0xffff  }
0x106: {  	s4 =	sadd.s32 $0x4B00, s24;
	s9 =	sor.u32 s31, s0;
	v14 =	vld.idx.msk [tilespmem:v5+s17+$0x0], $0xffff;
	[tilespmem:s16+$0x0] =	vst v13  }
0x107: {  	s3 =	sadd.s32 $0x9700, s28;
	[tilespmem:s9+$0x0] =	vst v10;
	v13 =	vld.idx.msk [tilespmem:v7+s17+$0x0], $0xffff;
	s17 =	sor.u32 s21, s4  }
0x108: {  	s5 =	sor.u32 s26, s3;
	v10 =	vld.idx.msk [tilespmem:v1+s6+$0x0], $0xffff;
	[tilespmem:s17+$0x0] =	vst v12  }
0x109: {  	s16 =	simm.s32 $0x2560;
	[tilespmem:s5+$0x0] =	vst v9;
	s17 =	sor.u32 s22, s4;
	v12 =	vld.idx.msk [tilespmem:v4+s25+$0x0], $0xffff  }
0x10a: {  	s9 =	sor.u32 s12, s0;
	v9 =	vld.idx.msk [tilespmem:v8+s16+$0x0], $0xffff;
	[tilespmem:s17+$0x0] =	vst v15  }
0x10b: {  	s13 =	sor.u32 s20, s4;
	[tilespmem:s9+$0x0] =	vst v11;
	v11 =	vld.idx.msk [tilespmem:v3+s7+$0x0], $0xffff  }
0x10c: {  	s0 =	sor.u32 s11, s0;
	[tilespmem:s13+$0x0] =	vst v14;
	v15 =	vld.idx.msk [tilespmem:v6+s25+$0x0], $0xffff  }
0x10d: {  	s6 =	sor.u32 s23, s4;
	s13 =	sadd.s32 $0x4F00, s24;
	[tilespmem:s0+$0x0] =	vst v10;
	v10 =	vld.idx.msk [tilespmem:v2+s7+$0x0], $0xffff  }
0x10e: {  	s4 =	sadd.s32 $0x9B00, s28;
	v14 =	vld.idx.msk [tilespmem:v5+s25+$0x0], $0xffff;
	[tilespmem:s6+$0x0] =	vst v13;
	s17 =	sor.u32 s21, s13  }
0x10f: {  	v13 =	vld.idx.msk [tilespmem:v7+s25+$0x0], $0xffff;
	s25 =	sor.u32 s26, s4;
	[tilespmem:s17+$0x0] =	vst v12  }
0x110: {  	s9 =	sor.u32 s22, s13;
	[tilespmem:s25+$0x0] =	vst v9;
	s17 =	simm.s32 $0x26C0;
	v12 =	vld.idx.msk [tilespmem:v4+s29+$0x0], $0xffff  }
0x111: {  	s25 =	sor.u32 s31, s1;
	v9 =	vld.idx.msk [tilespmem:v8+s17+$0x0], $0xffff;
	[tilespmem:s9+$0x0] =	vst v15  }
0x112: {  	s5 =	sor.u32 s20, s13;
	[tilespmem:s25+$0x0] =	vst v11;
	v11 =	vld.idx.msk [tilespmem:v1+s7+$0x0], $0xffff  }
0x113: {  	s9 =	sor.u32 s12, s1;
	[tilespmem:s5+$0x0] =	vst v14;
	v15 =	vld.idx.msk [tilespmem:v6+s29+$0x0], $0xffff  }
0x114: {  	s13 =	sor.u32 s23, s13;
	s5 =	sadd.s32 $0x5300, s24;
	[tilespmem:s9+$0x0] =	vst v10;
	v10 =	vld.idx.msk [tilespmem:v3+s8+$0x0], $0xffff  }
0x115: {  	s0 =	sadd.s32 $0x9F00, s28;
	v14 =	vld.idx.msk [tilespmem:v5+s29+$0x0], $0xffff;
	[tilespmem:s13+$0x0] =	vst v13;
	s6 =	sor.u32 s21, s5  }
0x116: {  	s7 =	sor.u32 s26, s0;
	v13 =	vld.idx.msk [tilespmem:v7+s29+$0x0], $0xffff;
	[tilespmem:s6+$0x0] =	vst v12  }
0x117: {  	s25 =	simm.s32 $0x2820;
	s29 =	sor.u32 s22, s5;
	[tilespmem:s7+$0x0] =	vst v9;
	v12 =	vld.idx.msk [tilespmem:v4+s30+$0x0], $0xffff  }
0x118: {  	s7 =	sor.u32 s11, s1;
	v9 =	vld.idx.msk [tilespmem:v8+s25+$0x0], $0xffff;
	[tilespmem:s29+$0x0] =	vst v15  }
0x119: {  	s13 =	sor.u32 s20, s5;
	[tilespmem:s7+$0x0] =	vst v11;
	v11 =	vld.idx.msk [tilespmem:v2+s8+$0x0], $0xffff  }
0x11a: {  	s5 =	sor.u32 s23, s5;
	[tilespmem:s13+$0x0] =	vst v14;
	v15 =	vld.idx.msk [tilespmem:v6+s30+$0x0], $0xffff  }
0x11b: {  	v14 =	vld.idx.msk [tilespmem:v5+s30+$0x0], $0xffff;
	[tilespmem:s5+$0x0] =	vst v13  }
0x11c: {  	s6 =	sadd.s32 $0x5700, s24;
	v13 =	vld.idx.msk [tilespmem:v7+s30+$0x0], $0xffff;
	s30 =	sor.u32 s31, s3  }
0x11d: {  	s13 =	sor.u32 s21, s6;
	[tilespmem:s30+$0x0] =	vst v10  }
0x11e: {  	s1 =	sadd.s32 $0xA300, s28;
	s5 =	sor.u32 s12, s3;
	v10 =	vld.idx.msk [tilespmem:v1+s8+$0x0], $0xffff;
	[tilespmem:s13+$0x0] =	vst v12  }
0x11f: {  	s29 =	sor.u32 s26, s1;
	s7 =	simm.s32 $0xF60;
	[tilespmem:s5+$0x0] =	vst v11;
	v11 =	vld.idx.msk [tilespmem:v3+s16+$0x0], $0xffff  }
0x120: {  	s30 =	sor.u32 s22, s6;
	[tilespmem:s29+$0x0] =	vst v9;
	s29 =	simm.s32 $0x2980;
	v12 =	vld.idx.msk [tilespmem:v4+s7+$0x0], $0xffff  }
0x121: {  	s13 =	sor.u32 s20, s6;
	v9 =	vld.idx.msk [tilespmem:v8+s29+$0x0], $0xffff;
	[tilespmem:s30+$0x0] =	vst v15  }
0x122: {  	[tilespmem:s13+$0x0] =	vst v14;
	s13 =	sor.u32 s23, s6;
	v15 =	vld.idx.msk [tilespmem:v6+s7+$0x0], $0xffff  }
0x123: {  	s3 =	sor.u32 s11, s3;
	s30 =	simm.s32 $0xF60;
	v14 =	vld.idx.msk [tilespmem:v5+s7+$0x0], $0xffff;
	[tilespmem:s13+$0x0] =	vst v13  }
0x124: {  	s6 =	sadd.s32 $0x5B00, s24;
	v13 =	vld.idx.msk [tilespmem:v7+s30+$0x0], $0xffff;
	[tilespmem:s3+$0x0] =	vst v10;
	s3 =	sor.u32 s31, s4  }
0x125: {  	s2 =	sadd.s32 $0xA700, s28;
	s8 =	sor.u32 s21, s6;
	v10 =	vld.idx.msk [tilespmem:v2+s16+$0x0], $0xffff;
	[tilespmem:s3+$0x0] =	vst v11  }
0x126: {  	s7 =	simm.s32 $0x10C0;
	s30 =	sor.u32 s26, s2;
	v11 =	vld.idx.msk [tilespmem:v1+s16+$0x0], $0xffff;
	[tilespmem:s8+$0x0] =	vst v12  }
0x127: {  	[tilespmem:s30+$0x0] =	vst v9;
	s30 =	simm.s32 $0x2AE0;
	s8 =	sor.u32 s22, s6;
	v12 =	vld.idx.msk [tilespmem:v4+s7+$0x0], $0xffff  }
0x128: {  	s5 =	sor.u32 s20, s6;
	v9 =	vld.idx.msk [tilespmem:v8+s30+$0x0], $0xffff;
	[tilespmem:s8+$0x0] =	vst v15  }
0x129: {  	[tilespmem:s5+$0x0] =	vst v14;
	s5 =	sor.u32 s23, s6;
	v15 =	vld.idx.msk [tilespmem:v6+s7+$0x0], $0xffff  }
0x12a: {  	s16 =	sor.u32 s12, s4;
	s8 =	simm.s32 $0x10C0;
	s6 =	sadd.s32 $0x5F00, s24;
	v14 =	vld.idx.msk [tilespmem:v5+s7+$0x0], $0xffff;
	[tilespmem:s5+$0x0] =	vst v13  }
0x12b: {  	s3 =	sadd.s32 $0xAB00, s28;
	[tilespmem:s16+$0x0] =	vst v10;
	v13 =	vld.idx.msk [tilespmem:v7+s8+$0x0], $0xffff;
	s8 =	sor.u32 s21, s6  }
0x12c: {  	s7 =	sor.u32 s26, s3;
	[tilespmem:s8+$0x0] =	vst v12;
	s8 =	simm.s32 $0x1220  }
0x12d: {  	s16 =	simm.s32 $0x2C40;
	[tilespmem:s7+$0x0] =	vst v9;
	s7 =	sor.u32 s22, s6;
	v12 =	vld.idx.msk [tilespmem:v4+s8+$0x0], $0xffff  }
0x12e: {  	s5 =	sor.u32 s20, s6;
	v9 =	vld.idx.msk [tilespmem:v8+s16+$0x0], $0xffff;
	[tilespmem:s7+$0x0] =	vst v15  }
0x12f: {  	v10 =	vld.idx.msk [tilespmem:v3+s17+$0x0], $0xffff;
	s16 =	sor.u32 s23, s6;
	s6 =	sor.u32 s11, s4;
	[tilespmem:s5+$0x0] =	vst v14  }
0x130: {  	s7 =	sadd.s32 $0x6300, s24;
	v15 =	vld.idx.msk [tilespmem:v6+s8+$0x0], $0xffff;
	[tilespmem:s6+$0x0] =	vst v11  }
0x131: {  	s4 =	sadd.s32 $0xAF00, s28;
	v14 =	vld.idx.msk [tilespmem:v5+s8+$0x0], $0xffff;
	[tilespmem:s16+$0x0] =	vst v13;
	s16 =	sor.u32 s21, s7  }
0x132: {  	v11 =	vld.idx.msk [tilespmem:v2+s17+$0x0], $0xffff;
	s6 =	sor.u32 s26, s4;
	s8 =	simm.s32 $0x1220;
	[tilespmem:s16+$0x0] =	vst v12  }
0x133: {  	v13 =	vld.idx.msk [tilespmem:v7+s8+$0x0], $0xffff;
	s16 =	sor.u32 s31, s0;
	[tilespmem:s6+$0x0] =	vst v9  }
0x134: {  	s8 =	simm.s32 $0x1380;
	s6 =	sor.u32 s22, s7;
	v9 =	vld.idx.msk [tilespmem:v1+s17+$0x0], $0xffff;
	[tilespmem:s16+$0x0] =	vst v10  }
0x135: {  	s5 =	sor.u32 s20, s7;
	v12 =	vld.idx.msk [tilespmem:v4+s8+$0x0], $0xffff;
	s16 =	simm.s32 $0x2DA0;
	[tilespmem:s6+$0x0] =	vst v15  }
0x136: {  	s6 =	sor.u32 s12, s0;
	v8 =	vld.idx.msk [tilespmem:v8+s16+$0x0], $0xffff;
	[tilespmem:s5+$0x0] =	vst v14  }
0x137: {  	s16 =	sor.u32 s23, s7;
	v14 =	vld.idx.msk [tilespmem:v6+s8+$0x0], $0xffff;
	[tilespmem:s6+$0x0] =	vst v11  }
0x138: {  	s0 =	sor.u32 s11, s0;
	s7 =	sadd.s32 $0x6700, s24;
	v10 =	vld.idx.msk [tilespmem:v5+s8+$0x0], $0xffff;
	[tilespmem:s16+$0x0] =	vst v13  }
0x139: {  	s17 =	simm.s32 $0x1380;
	s5 =	sadd.s32 $0xB300, s28;
	v11 =	vld.idx.msk [tilespmem:v3+s25+$0x0], $0xffff;
	s16 =	sor.u32 s21, s7;
	[tilespmem:s0+$0x0] =	vst v9  }
0x13a: {  	v13 =	vld.idx.msk [tilespmem:v7+s17+$0x0], $0xffff;
	s17 =	sor.u32 s26, s5;
	[tilespmem:s16+$0x0] =	vst v12  }
0x13b: {  	s8 =	simm.s32 $0x14E0;
	s16 =	sor.u32 s22, s7;
	v9 =	vld.idx.msk [tilespmem:v1+s25+$0x0], $0xffff;
	[tilespmem:s17+$0x0] =	vst v8  }
0x13c: {  	s26 =	sor.u32 s20, s7;
	v12 =	vld.idx.msk [tilespmem:v4+s8+$0x0], $0xffff;
	[tilespmem:s16+$0x0] =	vst v14  }
0x13d: {  	v8 =	vld.idx.msk [tilespmem:v2+s25+$0x0], $0xffff;
	s25 =	sor.u32 s31, s1;
	[tilespmem:s26+$0x0] =	vst v10  }
0x13e: {  	s17 =	sor.u32 s23, s7;
	v14 =	vld.idx.msk [tilespmem:v6+s8+$0x0], $0xffff;
	[tilespmem:s25+$0x0] =	vst v11  }
0x13f: {  	s7 =	sadd.s32 $0x6B00, s24;
	v10 =	vld.idx.msk [tilespmem:v5+s8+$0x0], $0xffff;
	[tilespmem:s17+$0x0] =	vst v13;
	s17 =	sor.u32 s12, s1;
	s1 =	sor.u32 s11, s1  }
0x140: {  	s26 =	simm.s32 $0x14E0;
	s16 =	sor.u32 s21, s7;
	v11 =	vld.idx.msk [tilespmem:v3+s29+$0x0], $0xffff;
	[tilespmem:s1+$0x0] =	vst v9  }
0x141: {  	v13 =	vld.idx.msk [tilespmem:v7+s26+$0x0], $0xffff;
	[tilespmem:s16+$0x0] =	vst v12  }
0x142: {  	s9 =	simm.s32 $0x1640;
	s26 =	sor.u32 s22, s7;
	[tilespmem:s17+$0x0] =	vst v8;
	v9 =	vld.idx.msk [tilespmem:v1+s29+$0x0], $0xffff  }
0x143: {  	s25 =	sor.u32 s20, s7;
	v12 =	vld.idx.msk [tilespmem:v4+s9+$0x0], $0xffff;
	[tilespmem:s26+$0x0] =	vst v14  }
0x144: {  	s6 =	sor.u32 s23, s7;
	s7 =	sor.u32 s31, s2;
	v8 =	vld.idx.msk [tilespmem:v2+s29+$0x0], $0xffff;
	[tilespmem:s25+$0x0] =	vst v10  }
0x145: {  	[tilespmem:s7+$0x0] =	vst v11  }
0x146: {  	s8 =	sadd.s32 $0x6F00, s24;
	s25 =	sor.u32 s11, s2;
	[tilespmem:s6+$0x0] =	vst v13  }
0x147: {  	s16 =	sor.u32 s21, s8;
	v14 =	vld.idx.msk [tilespmem:v6+s9+$0x0], $0xffff;
	[tilespmem:s25+$0x0] =	vst v9  }
0x148: {  	s17 =	sor.u32 s12, s2;
	v10 =	vld.idx.msk [tilespmem:v5+s9+$0x0], $0xffff;
	[tilespmem:s16+$0x0] =	vst v12  }
0x149: {  	v15 =	vld.idx.msk [tilespmem:v3+s30+$0x0], $0xffff;
	[tilespmem:s17+$0x0] =	vst v8  }
0x14a: {  	s13 =	simm.s32 $0x17A0;
	v13 =	vld.idx.msk [tilespmem:v7+s9+$0x0], $0xffff;
	s0 =	rddreg [dreg:$0x1c]  }
0x14b: {  	v16 =	vld.idx.msk [tilespmem:v4+s13+$0x0], $0xffff;
	s0 =	sshll.u32 s0, $0x1  }
0x14c: {  	s26 =	sor.u32 s20, s8;
	v8 =	vld.idx.msk [tilespmem:v2+s30+$0x0], $0xffff;
	[dreg:$0x1d] =	wrdreg s0  }
0x14d: {  	s28 =	sor.u32 s31, s5;
	s29 =	sor.u32 s22, s8;
	[tilespmem:s26+$0x0] =	vst v10;
	v10 =	vld.idx.msk [tilespmem:v1+s30+$0x0], $0xffff  }
0x14e: {  	s7 =	sor.u32 s12, s3;
	s6 =	sor.u32 s23, s8;
	s8 =	sor.u32 s12, s4;
	[tilespmem:s29+$0x0] =	vst v14;
	v12 =	vld.idx.msk [tilespmem:v5+s13+$0x0], $0xffff  }
0x14f: {  	s12 =	sor.u32 s12, s5;
	s30 =	sor.u32 s31, s3;
	s29 =	sadd.s32 $0x7300, s24;
	[tilespmem:s6+$0x0] =	vst v13;
	v11 =	vld.idx.msk [tilespmem:v6+s13+$0x0], $0xffff  }
0x150: {  	s9 =	simm.s32 $0x2C40;
	s25 =	sor.u32 s11, s4;
	v13 =	vld.idx.msk [tilespmem:v7+s13+$0x0], $0xffff;
	[tilespmem:s30+$0x0] =	vst v15;
	s30 =	sor.u32 s21, s29  }
0x151: {  	s17 =	sor.u32 s31, s4;
	s16 =	sor.u32 s11, s5;
	s4 =	simm.s32 $0x100;
	[tilespmem:s30+$0x0] =	vst v16;
	v9 =	vld.idx.msk [tilespmem:v3+s9+$0x0], $0xffff  }
0x152: {  	s26 =	simm.s32 $0x4;
	s3 =	sor.u32 s11, s3;
	s6 =	simm.s32 $0x20;
	[tilespmem:s7+$0x0] =	vst v8;
	v14 =	vld.idx.msk [tilespmem:v4+s10+$0x0], $0xffff  }
0x153: {  	s2 =	sor.u32 s20, s29;
	s0 =	sor.u32 s22, s29;
	s1 =	sor.u32 s23, s29;
	v8 =	vmov v6;
	[tilespmem:s3+$0x0] =	vst v10;
	v10 =	vld.idx.msk [tilespmem:v2+s9+$0x0], $0xffff  }
.LBB2_5:
0x154: {  	[dreg:$0xa] =	wrdreg s6  }
0x155: {  	s7 =	rddreg [dreg:$0x4];
	[tilespmem:s2+$0x0] =	vst v12;
	v12 =	vld.idx.msk [tilespmem:v1+s9+$0x0], $0xffff  }
0x156: {  	s3 =	sand.u32 $0x300, s4;
	s6 =	sand.u32 $0x80, s6;
	s2 =	sadd.s32 $0x40, s7;
	[tilespmem:s0+$0x0] =	vst v11;
	v15 =	vld.idx.msk [tilespmem:v5+s10+$0x0], $0xffff  }
0x157: {  	[dreg:$0x9] =	wrdreg s4;
	s31 =	sor.u32 s6, s3;
	s30 =	sand.u32 $0x40, s2;
	v11 =	vld.idx.msk [tilespmem:v6+s10+$0x0], $0xffff;
	[tilespmem:s1+$0x0] =	vst v13  }
0x158: {  	s9 =	sadd.s32 $0x7700, s24;
	[tilespmem:s17+$0x0] =	vst v9;
	s0 =	sor.u32 $0x30, s30;
	v13 =	vld.idx.msk [tilespmem:v7+s10+$0x0], $0xffff;
	s4 =	sor.u32 s30, s31  }
0x159: {  	s11 =	sor.u32 s21, s9;
	[tilespmem:s8+$0x0] =	vst v10;
	s5 =	sor.u32 s0, s31;
	v10 =	vld [tilespmem:s4+$0x2F00]  }
0x15a: {  	[dreg:$0x4] =	wrdreg s2;
	s2 =	sor.u32 $0x10, s30;
	s10 =	simm.s32 $0x1A60;
	v9 =	vld [tilespmem:s5+$0x2F00];
	[tilespmem:s11+$0x0] =	vst v14  }
0x15b: {  	s7 =	sor.u32 $0x20, s30;
	s1 =	sor.u32 s2, s31;
	v14 =	vld.idx.msk [tilespmem:v4+s10+$0x0], $0xffff  }
0x15c: {  	s13 =	sor.u32 s20, s9;
	s3 =	sor.u32 s7, s31;
	[tilespmem:s25+$0x0] =	vst v12;
	v12 =	vld [tilespmem:s1+$0x2F00]  }
0x15d: {  	s11 =	sor.u32 s22, s9;
	[tilespmem:s13+$0x0] =	vst v15;
	v15 =	vld [tilespmem:s3+$0x2F00]  }
0x15e: {  	s17 =	sadd.s32 $0x7B00, s24;
	[tilespmem:s11+$0x0] =	vst v11;
	v11 =	vld.idx.msk [tilespmem:v5+s10+$0x0], $0xffff  }
0x15f: {  	s6 =	sor.u32 s23, s9;
	s29 =	sor.u32 s22, s17;
	s9 =	sor.u32 s23, s17  }
0x160: {  	s25 =	sor.u32 s20, s17;
	s13 =	sor.u32 s21, s17;
	s17 =	simm.s32 $0x2DA0;
	[tilespmem:s6+$0x0] =	vst v13;
	v13 =	vld.idx.msk [tilespmem:v6+s10+$0x0], $0xffff;
	vm13 =	vgt.s32 v10, $0x0;
	vm0 =	vgt.s32 v9, $0x0  }
0x161: {  	v17 =	vld.idx.msk [tilespmem:v3+s17+$0x0], $0xffff;
	v10 =	vnsel vm13, $0x0, v10;
	v9 =	vnsel vm0, $0x0, v9  }
0x162: {  	v16 =	vld.idx.msk [tilespmem:v7+s10+$0x0], $0xffff;
	[tilespmem:s13+$0x0] =	vst v14;
	vm14 =	vgt.s32 v12, $0x0;
	v10 =	vmin.u32 v10, $0x15;
	v9 =	vmin.u32 v9, $0x15  }
0x163: {  	s13 =	simm.s32 $0x1BC0;
	v12 =	vnsel vm14, $0x0, v12;
	vm15 =	vgt.s32 v15, $0x0;
	v9 =	vshll.u32 v9, $0x4;
	[tilespmem:s25+$0x0] =	vst v11;
	v11 =	vld.idx.msk [tilespmem:v1+s17+$0x0], $0xffff;
	v1 =	vmovc v7  }
0x164: {  	v14 =	vld.idx.msk [tilespmem:v4+s13+$0x0], $0xffff;
	v12 =	vmin.u32 v12, $0x15;
	v15 =	vnsel vm15, $0x0, v15;
	v9 =	vor.u32 v0, v9  }
0x165: {  	v18 =	vld.idx.msk [tilespmem:v2+s17+$0x0], $0xffff;
	v2 =	vmovc v6;
	v10 =	vshll.u32 v10, $0x4;
	v6 =	vshll.u32 v12, $0x4;
	v12 =	vmin.u32 v15, $0x15  }
0x166: {  	v3 =	vmov v5;
	[tilespmem:s29+$0x0] =	vst v13;
	v7 =	vshll.u32 v12, $0x4;
	v12 =	vld.idx.msk [tilespmem:v5+s13+$0x0], $0xffff;
	v5 =	vor.u32 v0, v10  }
0x167: {  	s25 =	sadd.s32 $0x7F00, s24;
	[tilespmem:s9+$0x0] =	vst v16;
	v6 =	vor.u32 v0, v6;
	v10 =	vld.idx.msk [tilespmem:v8+s13+$0x0], $0xffff  }
0x168: {  	s17 =	sor.u32 s21, s25;
	[tilespmem:s28+$0x0] =	vst v17;
	v7 =	vor.u32 v0, v7;
	v15 =	vld.idx.msk [tilespmem:v1+s13+$0x0], $0xffff  }
0x169: {  	v13 =	vld.idx.msk [tilespmem:v9+s15+$0x0], $0xffff;
	[tilespmem:s17+$0x0] =	vst v14;
	s17 =	simm.s32 $0x1D20  }
0x16a: {  	[tilespmem:s12+$0x0] =	vst v18;
	v14 =	vld.idx.msk [tilespmem:v4+s17+$0x0], $0xffff  }
0x16b: {  	s29 =	sor.u32 s20, s25;
	[tilespmem:s16+$0x0] =	vst v11;
	v61 =	vld.idx.msk [tilespmem:v5+s15+$0x0], $0xffff  }
0x16c: {  	s8 =	sor.u32 s22, s25;
	v11 =	vld.idx.msk [tilespmem:v6+s15+$0x0], $0xffff;
	[tilespmem:s29+$0x0] =	vst v12  }
0x16d: {  	s6 =	sor.u32 s23, s25;
	[tilespmem:s8+$0x0] =	vst v10;
	v12 =	vld.idx.msk [tilespmem:v7+s15+$0x0], $0xffff  }
0x16e: {  	s25 =	sadd.s32 $0x8300, s24;
	v10 =	vld.idx.msk [tilespmem:v3+s17+$0x0], $0xffff;
	[tilespmem:s6+$0x0] =	vst v15  }
0x16f: {  	s11 =	sor.u32 s21, s25;
	v15 =	vld.idx.msk [tilespmem:v2+s17+$0x0], $0xffff;
	[tilespmem:s5+$0x3700] =	vst v13  }
0x170: {  	s16 =	simm.s32 $0x1E80;
	v13 =	vld.idx.msk [tilespmem:v9+s18+$0x0], $0xffff;
	[tilespmem:s11+$0x0] =	vst v14  }
0x171: {  	[tilespmem:s4+$0x3700] =	vst v61;
	v14 =	vld.idx.msk [tilespmem:v4+s16+$0x0], $0xffff  }
0x172: {  	[tilespmem:s1+$0x3700] =	vst v11;
	v16 =	vld.idx.msk [tilespmem:v5+s18+$0x0], $0xffff  }
0x173: {  	s12 =	sadd.s32 $0x3B00, s31;
	s29 =	sor.u32 s20, s25;
	v11 =	vld.idx.msk [tilespmem:v6+s18+$0x0], $0xffff;
	[tilespmem:s3+$0x3700] =	vst v12  }
0x174: {  	s15 =	sor.u32 s0, s12;
	[tilespmem:s29+$0x0] =	vst v10;
	v12 =	vld.idx.msk [tilespmem:v7+s18+$0x0], $0xffff;
	s18 =	sadd.s32 $0x8700, s24  }
0x175: {  	v10 =	vld.idx.msk [tilespmem:v1+s17+$0x0], $0xffff;
	s29 =	sor.u32 s21, s18;
	[tilespmem:s15+$0x0] =	vst v13  }
0x176: {  	s13 =	sor.u32 s30, s12;
	s15 =	simm.s32 $0x1FE0;
	v13 =	vld.idx.msk [tilespmem:v9+s19+$0x0], $0xffff;
	[tilespmem:s29+$0x0] =	vst v14  }
0x177: {  	s9 =	sor.u32 s22, s25;
	[tilespmem:s13+$0x0] =	vst v16;
	v14 =	vld.idx.msk [tilespmem:v4+s15+$0x0], $0xffff  }
0x178: {  	s8 =	sor.u32 s23, s25;
	s25 =	sor.u32 s2, s12;
	[tilespmem:s9+$0x0] =	vst v15;
	v15 =	vld.idx.msk [tilespmem:v3+s16+$0x0], $0xffff  }
0x179: {  	s1 =	sor.u32 s7, s12;
	[tilespmem:s25+$0x0] =	vst v11;
	v16 =	vld.idx.msk [tilespmem:v5+s19+$0x0], $0xffff  }
0x17a: {  	s11 =	sor.u32 s20, s18;
	s12 =	sor.u32 s22, s18;
	s9 =	sadd.s32 $0x3F00, s31;
	v11 =	vld.idx.msk [tilespmem:v6+s19+$0x0], $0xffff;
	[tilespmem:s1+$0x0] =	vst v12  }
0x17b: {  	s3 =	sor.u32 s23, s18;
	s18 =	sadd.s32 $0x8B00, s24;
	s17 =	sor.u32 s0, s9;
	v12 =	vld.idx.msk [tilespmem:v7+s19+$0x0], $0xffff;
	[tilespmem:s8+$0x0] =	vst v10  }
0x17c: {  	s29 =	sor.u32 s21, s18;
	v10 =	vld.idx.msk [tilespmem:v2+s16+$0x0], $0xffff;
	[tilespmem:s17+$0x0] =	vst v13  }
0x17d: {  	v13 =	vld.idx.msk [tilespmem:v9+s14+$0x0], $0xffff;
	[tilespmem:s29+$0x0] =	vst v14  }
0x17e: {  	s10 =	sor.u32 s30, s9;
	s17 =	simm.s32 $0x2140;
	[tilespmem:s11+$0x0] =	vst v15;
	v15 =	vld.idx.msk [tilespmem:v1+s16+$0x0], $0xffff  }
0x17f: {  	s19 =	sor.u32 s2, s9;
	[tilespmem:s10+$0x0] =	vst v16;
	v14 =	vld.idx.msk [tilespmem:v4+s17+$0x0], $0xffff  }
0x180: {  	s25 =	sor.u32 s7, s9;
	[tilespmem:s19+$0x0] =	vst v11;
	v16 =	vld.idx.msk [tilespmem:v5+s14+$0x0], $0xffff  }
0x181: {  	s9 =	sadd.s32 $0x4300, s31;
	v11 =	vld.idx.msk [tilespmem:v6+s14+$0x0], $0xffff;
	[tilespmem:s25+$0x0] =	vst v12  }
0x182: {  	s11 =	sor.u32 s0, s9;
	[tilespmem:s12+$0x0] =	vst v10;
	v10 =	vld.idx.msk [tilespmem:v3+s15+$0x0], $0xffff  }
0x183: {  	s6 =	sor.u32 s22, s18;
	v12 =	vld.idx.msk [tilespmem:v7+s14+$0x0], $0xffff;
	s14 =	sadd.s32 $0x8F00, s24;
	[tilespmem:s11+$0x0] =	vst v13  }
0x184: {  	s4 =	sor.u32 s23, s18;
	s29 =	simm.s32 $0x880;
	s25 =	sor.u32 s21, s14;
	[tilespmem:s3+$0x0] =	vst v15;
	v15 =	vld.idx.msk [tilespmem:v2+s15+$0x0], $0xffff  }
0x185: {  	s13 =	sor.u32 s20, s18;
	s18 =	simm.s32 $0x22A0;
	s8 =	sor.u32 s30, s9;
	v13 =	vld.idx.msk [tilespmem:v9+s29+$0x0], $0xffff;
	[tilespmem:s25+$0x0] =	vst v14  }
0x186: {  	s16 =	sor.u32 s2, s9;
	[tilespmem:s8+$0x0] =	vst v16;
	v14 =	vld.idx.msk [tilespmem:v4+s18+$0x0], $0xffff  }
0x187: {  	s19 =	sor.u32 s7, s9;
	[tilespmem:s16+$0x0] =	vst v11;
	v16 =	vld.idx.msk [tilespmem:v5+s29+$0x0], $0xffff  }
0x188: {  	s10 =	sor.u32 s20, s14;
	s5 =	sor.u32 s22, s14;
	s11 =	sadd.s32 $0x4700, s31;
	v11 =	vld.idx.msk [tilespmem:v6+s29+$0x0], $0xffff;
	[tilespmem:s19+$0x0] =	vst v12  }
0x189: {  	s1 =	sor.u32 s23, s14;
	s14 =	sadd.s32 $0x9300, s24;
	s12 =	sor.u32 s0, s11;
	[tilespmem:s13+$0x0] =	vst v10;
	v12 =	vld.idx.msk [tilespmem:v7+s29+$0x0], $0xffff  }
0x18a: {  	s25 =	sor.u32 s21, s14;
	v10 =	vld.idx.msk [tilespmem:v1+s15+$0x0], $0xffff;
	s29 =	simm.s32 $0x9E0;
	[tilespmem:s12+$0x0] =	vst v13  }
0x18b: {  	s9 =	sor.u32 s30, s11;
	v13 =	vld.idx.msk [tilespmem:v9+s29+$0x0], $0xffff;
	[tilespmem:s25+$0x0] =	vst v14;
	s25 =	simm.s32 $0x2400  }
0x18c: {  	[tilespmem:s9+$0x0] =	vst v16;
	v14 =	vld.idx.msk [tilespmem:v4+s25+$0x0], $0xffff  }
0x18d: {  	s16 =	sor.u32 s2, s11;
	[tilespmem:s6+$0x0] =	vst v15;
	v15 =	vld.idx.msk [tilespmem:v3+s17+$0x0], $0xffff  }
0x18e: {  	s19 =	sor.u32 s7, s11;
	[tilespmem:s16+$0x0] =	vst v11;
	v16 =	vld.idx.msk [tilespmem:v5+s29+$0x0], $0xffff  }
0x18f: {  	s9 =	sadd.s32 $0x4B00, s31;
	v11 =	vld.idx.msk [tilespmem:v6+s29+$0x0], $0xffff;
	[tilespmem:s19+$0x0] =	vst v12  }
0x190: {  	s16 =	sadd.s32 $0x9700, s24;
	s13 =	sor.u32 s0, s9;
	v12 =	vld.idx.msk [tilespmem:v7+s29+$0x0], $0xffff;
	[tilespmem:s4+$0x0] =	vst v10  }
0x191: {  	s19 =	sor.u32 s21, s16;
	v10 =	vld.idx.msk [tilespmem:v2+s17+$0x0], $0xffff;
	s29 =	simm.s32 $0xB40;
	[tilespmem:s13+$0x0] =	vst v13  }
0x192: {  	v13 =	vld.idx.msk [tilespmem:v9+s29+$0x0], $0xffff;
	[tilespmem:s19+$0x0] =	vst v14  }
0x193: {  	s28 =	simm.s32 $0x2560;
	s3 =	sor.u32 s23, s14;
	s12 =	sor.u32 s30, s9;
	[tilespmem:s10+$0x0] =	vst v15;
	v15 =	vld.idx.msk [tilespmem:v1+s17+$0x0], $0xffff  }
0x194: {  	s8 =	sor.u32 s20, s14;
	s11 =	sor.u32 s22, s14;
	s14 =	sor.u32 s2, s9;
	[tilespmem:s12+$0x0] =	vst v16;
	v14 =	vld.idx.msk [tilespmem:v4+s28+$0x0], $0xffff  }
0x195: {  	s15 =	sor.u32 s7, s9;
	[tilespmem:s14+$0x0] =	vst v11;
	v16 =	vld.idx.msk [tilespmem:v5+s29+$0x0], $0xffff  }
0x196: {  	s13 =	sadd.s32 $0x4F00, s31;
	v11 =	vld.idx.msk [tilespmem:v6+s29+$0x0], $0xffff;
	[tilespmem:s15+$0x0] =	vst v12  }
0x197: {  	s14 =	sor.u32 s0, s13;
	[tilespmem:s5+$0x0] =	vst v10;
	v10 =	vld.idx.msk [tilespmem:v3+s18+$0x0], $0xffff  }
0x198: {  	s17 =	sadd.s32 $0x9B00, s24;
	v12 =	vld.idx.msk [tilespmem:v7+s29+$0x0], $0xffff;
	[tilespmem:s14+$0x0] =	vst v13  }
0x199: {  	s19 =	simm.s32 $0xCA0;
	s29 =	sor.u32 s21, s17;
	[tilespmem:s1+$0x0] =	vst v15;
	v15 =	vld.idx.msk [tilespmem:v2+s18+$0x0], $0xffff  }
0x19a: {  	s12 =	sor.u32 s30, s13;
	v13 =	vld.idx.msk [tilespmem:v9+s19+$0x0], $0xffff;
	[tilespmem:s29+$0x0] =	vst v14;
	s29 =	simm.s32 $0x26C0  }
0x19b: {  	s9 =	sor.u32 s20, s16;
	s6 =	sor.u32 s22, s16;
	s15 =	sor.u32 s2, s13;
	[tilespmem:s12+$0x0] =	vst v16;
	v14 =	vld.idx.msk [tilespmem:v4+s29+$0x0], $0xffff  }
0x19c: {  	s4 =	sor.u32 s23, s16;
	s16 =	sor.u32 s7, s13;
	s5 =	sor.u32 s20, s17;
	[tilespmem:s15+$0x0] =	vst v11;
	v16 =	vld.idx.msk [tilespmem:v5+s19+$0x0], $0xffff  }
0x19d: {  	s13 =	sor.u32 s22, s17;
	s10 =	sor.u32 s23, s17;
	s17 =	sadd.s32 $0x5300, s31;
	v11 =	vld.idx.msk [tilespmem:v6+s19+$0x0], $0xffff;
	[tilespmem:s16+$0x0] =	vst v12  }
0x19e: {  	s15 =	sadd.s32 $0x9F00, s24;
	[tilespmem:s8+$0x0] =	vst v10;
	v12 =	vld.idx.msk [tilespmem:v7+s19+$0x0], $0xffff;
	s19 =	sor.u32 s0, s17  }
0x19f: {  	s8 =	simm.s32 $0xE00;
	v10 =	vld.idx.msk [tilespmem:v1+s18+$0x0], $0xffff;
	s18 =	sor.u32 s21, s15;
	[tilespmem:s19+$0x0] =	vst v13  }
0x1a0: {  	s14 =	sor.u32 s30, s17;
	s1 =	simm.s32 $0x2820;
	v13 =	vld.idx.msk [tilespmem:v9+s8+$0x0], $0xffff;
	[tilespmem:s18+$0x0] =	vst v14  }
0x1a1: {  	[tilespmem:s14+$0x0] =	vst v16;
	v14 =	vld.idx.msk [tilespmem:v4+s1+$0x0], $0xffff  }
0x1a2: {  	s16 =	sor.u32 s2, s17;
	[tilespmem:s11+$0x0] =	vst v15;
	v15 =	vld.idx.msk [tilespmem:v3+s25+$0x0], $0xffff  }
0x1a3: {  	s17 =	sor.u32 s7, s17;
	s19 =	sor.u32 s22, s15;
	[tilespmem:s16+$0x0] =	vst v11;
	v16 =	vld.idx.msk [tilespmem:v5+s8+$0x0], $0xffff  }
0x1a4: {  	s12 =	sor.u32 s20, s15;
	[dreg:$0x11] =	wrdreg s19;
	s19 =	sadd.s32 $0x5700, s31;
	v11 =	vld.idx.msk [tilespmem:v6+s8+$0x0], $0xffff;
	[tilespmem:s17+$0x0] =	vst v12  }
0x1a5: {  	s15 =	sor.u32 s23, s15;
	s16 =	sadd.s32 $0xA300, s24;
	v12 =	vld.idx.msk [tilespmem:v7+s8+$0x0], $0xffff;
	s8 =	sor.u32 s0, s19;
	[tilespmem:s3+$0x0] =	vst v10  }
0x1a6: {  	[dreg:$0xb] =	wrdreg s15;
	s15 =	sor.u32 s21, s16;
	v10 =	vld.idx.msk [tilespmem:v2+s25+$0x0], $0xffff;
	s3 =	simm.s32 $0xF60;
	[tilespmem:s8+$0x0] =	vst v13  }
0x1a7: {  	s11 =	sor.u32 s22, s16;
	v13 =	vld.idx.msk [tilespmem:v9+s3+$0x0], $0xffff;
	[tilespmem:s15+$0x0] =	vst v14  }
0x1a8: {  	s14 =	sor.u32 s30, s19;
	[dreg:$0xf] =	wrdreg s11;
	s11 =	simm.s32 $0x2980;
	[tilespmem:s9+$0x0] =	vst v15;
	v15 =	vld.idx.msk [tilespmem:v1+s25+$0x0], $0xffff  }
0x1a9: {  	s17 =	sor.u32 s2, s19;
	[tilespmem:s14+$0x0] =	vst v16;
	v14 =	vld.idx.msk [tilespmem:v4+s11+$0x0], $0xffff  }
0x1aa: {  	s19 =	sor.u32 s7, s19;
	[tilespmem:s17+$0x0] =	vst v11;
	v16 =	vld.idx.msk [tilespmem:v5+s3+$0x0], $0xffff  }
0x1ab: {  	s26 =	sadd.s32 $0x4, s26;
	s25 =	sadd.s32 $0x5B00, s31;
	v11 =	vld.idx.msk [tilespmem:v6+s3+$0x0], $0xffff;
	[tilespmem:s19+$0x0] =	vst v12  }
0x1ac: {  	p1 =	slt.u32 s26, $0x3C;
	s8 =	sadd.s32 $0xA700, s24;
	[tilespmem:s6+$0x0] =	vst v10;
	v12 =	vld.idx.msk [tilespmem:v7+s3+$0x0], $0xffff;
	s3 =	sor.u32 s0, s25  }
0x1ad: {  	s15 =	sor.u32 s30, s25;
	s17 =	sor.u32 s2, s25;
	s19 =	sor.u32 s7, s25;
	v10 =	vld.idx.msk [tilespmem:v3+s28+$0x0], $0xffff;
	[tilespmem:s3+$0x0] =	vst v13  }
0x1ae: {  	s25 =	sor.u32 s21, s8;
	s3 =	smov.u32 s26;
	s26 =	simm.s32 $0x10C0;
	[tilespmem:s4+$0x0] =	vst v15;
	v15 =	vld.idx.msk [tilespmem:v2+s28+$0x0], $0xffff  }
0x1af: {  	s6 =	simm.s32 $0x2AE0;
	v13 =	vld.idx.msk [tilespmem:v9+s26+$0x0], $0xffff;
	[tilespmem:s25+$0x0] =	vst v14  }
0x1b0: {  	[tilespmem:s15+$0x0] =	vst v16;
	v14 =	vld.idx.msk [tilespmem:v4+s6+$0x0], $0xffff  }
0x1b1: {  	s18 =	sor.u32 s20, s16;
	s14 =	sor.u32 s20, s8;
	[tilespmem:s17+$0x0] =	vst v11;
	v16 =	vld.idx.msk [tilespmem:v5+s26+$0x0], $0xffff  }
0x1b2: {  	s9 =	sor.u32 s22, s8;
	s8 =	sor.u32 s23, s8;
	s15 =	sadd.s32 $0x5F00, s31;
	v11 =	vld.idx.msk [tilespmem:v6+s26+$0x0], $0xffff;
	[tilespmem:s19+$0x0] =	vst v12  }
0x1b3: {  	[dreg:$0x10] =	wrdreg s8;
	s25 =	sadd.s32 $0xAB00, s24;
	s8 =	sor.u32 s0, s15;
	[tilespmem:s5+$0x0] =	vst v10;
	v12 =	vld.idx.msk [tilespmem:v7+s26+$0x0], $0xffff  }
0x1b4: {  	s16 =	sor.u32 s23, s16;
	v10 =	vld.idx.msk [tilespmem:v1+s28+$0x0], $0xffff;
	s26 =	simm.s32 $0x1220;
	[tilespmem:s8+$0x0] =	vst v13;
	s8 =	sor.u32 s21, s25  }
0x1b5: {  	[dreg:$0xc] =	wrdreg s16;
	s16 =	sor.u32 s30, s15;
	v13 =	vld.idx.msk [tilespmem:v9+s26+$0x0], $0xffff;
	[tilespmem:s8+$0x0] =	vst v14;
	s8 =	simm.s32 $0x2C40  }
0x1b6: {  	[tilespmem:s16+$0x0] =	vst v16;
	v14 =	vld.idx.msk [tilespmem:v4+s8+$0x0], $0xffff  }
0x1b7: {  	s17 =	sor.u32 s2, s15;
	[tilespmem:s13+$0x0] =	vst v15;
	v15 =	vld.idx.msk [tilespmem:v3+s29+$0x0], $0xffff  }
0x1b8: {  	s19 =	sor.u32 s7, s15;
	[tilespmem:s17+$0x0] =	vst v11;
	v16 =	vld.idx.msk [tilespmem:v5+s26+$0x0], $0xffff  }
0x1b9: {  	s15 =	sor.u32 s20, s25;
	s4 =	sor.u32 s22, s25;
	s17 =	sadd.s32 $0x6300, s31;
	v11 =	vld.idx.msk [tilespmem:v6+s26+$0x0], $0xffff;
	[tilespmem:s19+$0x0] =	vst v12  }
0x1ba: {  	s5 =	sor.u32 s23, s25;
	s25 =	sadd.s32 $0xAF00, s24;
	s8 =	sor.u32 s0, s17;
	v12 =	vld.idx.msk [tilespmem:v7+s26+$0x0], $0xffff;
	[tilespmem:s10+$0x0] =	vst v10  }
0x1bb: {  	s16 =	sor.u32 s21, s25;
	v10 =	vld.idx.msk [tilespmem:v2+s29+$0x0], $0xffff;
	s26 =	simm.s32 $0x1380;
	[tilespmem:s8+$0x0] =	vst v13  }
0x1bc: {  	v13 =	vld.idx.msk [tilespmem:v9+s26+$0x0], $0xffff;
	[tilespmem:s16+$0x0] =	vst v14;
	s16 =	simm.s32 $0x2DA0  }
0x1bd: {  	s19 =	sor.u32 s30, s17;
	[tilespmem:s12+$0x0] =	vst v15;
	v14 =	vld.idx.msk [tilespmem:v4+s16+$0x0], $0xffff  }
0x1be: {  	s10 =	sor.u32 s2, s17;
	[tilespmem:s19+$0x0] =	vst v16;
	v4 =	vmov v9;
	v9 =	vld.idx.msk [tilespmem:v1+s29+$0x0], $0xffff  }
0x1bf: {  	s13 =	sor.u32 s7, s17;
	[tilespmem:s10+$0x0] =	vst v11;
	v15 =	vld.idx.msk [tilespmem:v5+s26+$0x0], $0xffff  }
0x1c0: {  	s12 =	sadd.s32 $0x6700, s31;
	v11 =	vld.idx.msk [tilespmem:v6+s26+$0x0], $0xffff;
	[tilespmem:s13+$0x0] =	vst v12;
	s29 =	rddreg [dreg:$0x11]  }
0x1c1: {  	s16 =	sadd.s32 $0xB300, s24;
	v12 =	vld.idx.msk [tilespmem:v7+s26+$0x0], $0xffff;
	s26 =	sor.u32 s0, s12;
	[tilespmem:s29+$0x0] =	vst v10  }
0x1c2: {  	v10 =	vld.idx.msk [tilespmem:v3+s1+$0x0], $0xffff;
	s24 =	sor.u32 s21, s16;
	[tilespmem:s26+$0x0] =	vst v13;
	s26 =	simm.s32 $0x14E0  }
0x1c3: {  	s17 =	sor.u32 s20, s25;
	s29 =	rddreg [dreg:$0xb];
	v13 =	vld.idx.msk [tilespmem:v4+s26+$0x0], $0xffff;
	[tilespmem:s24+$0x0] =	vst v14  }
0x1c4: {  	s8 =	sor.u32 s22, s25;
	s25 =	sor.u32 s23, s25;
	s13 =	sor.u32 s30, s12;
	v14 =	vld.idx.msk [tilespmem:v2+s1+$0x0], $0xffff;
	[tilespmem:s29+$0x0] =	vst v9  }
0x1c5: {  	s19 =	sor.u32 s2, s12;
	s10 =	sor.u32 s7, s12;
	s28 =	sor.u32 s20, s16;
	[tilespmem:s13+$0x0] =	vst v15;
	v9 =	vld.idx.msk [tilespmem:v1+s1+$0x0], $0xffff  }
0x1c6: {  	s12 =	sor.u32 s22, s16;
	s16 =	sor.u32 s23, s16;
	s24 =	smov.u32 s31;
	[tilespmem:s19+$0x0] =	vst v11;
	v15 =	vld.idx.msk [tilespmem:v5+s26+$0x0], $0xffff  }
0x1c7: {  	s21 =	smov.u32 s0;
	s23 =	smov.u32 s7;
	s7 =	sadd.s32 $0x6B00, s24;
	v11 =	vld.idx.msk [tilespmem:v6+s26+$0x0], $0xffff;
	[tilespmem:s10+$0x0] =	vst v12  }
0x1c8: {  	[tilespmem:s18+$0x0] =	vst v10;
	v12 =	vld.idx.msk [tilespmem:v7+s26+$0x0], $0xffff;
	s10 =	sor.u32 s21, s7  }
0x1c9: {  	s20 =	smov.u32 s30;
	s30 =	simm.s32 $0x1640;
	s13 =	rddreg [dreg:$0xf];
	v10 =	vld.idx.msk [tilespmem:v3+s11+$0x0], $0xffff;
	[tilespmem:s10+$0x0] =	vst v13  }
0x1ca: {  	s29 =	rddreg [dreg:$0xc];
	[tilespmem:s13+$0x0] =	vst v14;
	v13 =	vld.idx.msk [tilespmem:v4+s30+$0x0], $0xffff  }
0x1cb: {  	s22 =	smov.u32 s2;
	s1 =	sor.u32 s20, s7;
	v14 =	vld.idx.msk [tilespmem:v2+s11+$0x0], $0xffff;
	[tilespmem:s29+$0x0] =	vst v9  }
0x1cc: {  	s2 =	sor.u32 s22, s7;
	[tilespmem:s1+$0x0] =	vst v15;
	v9 =	vld.idx.msk [tilespmem:v1+s11+$0x0], $0xffff  }
0x1cd: {  	s0 =	sor.u32 s23, s7;
	[tilespmem:s2+$0x0] =	vst v11;
	v15 =	vld.idx.msk [tilespmem:v5+s30+$0x0], $0xffff  }
0x1ce: {  	s26 =	smov.u32 s3;
	s3 =	sadd.s32 $0x6F00, s24;
	v11 =	vld.idx.msk [tilespmem:v6+s30+$0x0], $0xffff;
	[tilespmem:s0+$0x0] =	vst v12  }
0x1cf: {  	s13 =	sor.u32 s21, s3;
	[tilespmem:s14+$0x0] =	vst v10;
	v62 =	vld.idx.msk [tilespmem:v7+s30+$0x0], $0xffff  }
0x1d0: {  	s31 =	simm.s32 $0x17A0;
	v10 =	vld.idx.msk [tilespmem:v3+s6+$0x0], $0xffff;
	[tilespmem:s13+$0x0] =	vst v13  }
0x1d1: {  	s29 =	rddreg [dreg:$0x10];
	[tilespmem:s9+$0x0] =	vst v14;
	v63 =	vld.idx.msk [tilespmem:v4+s31+$0x0], $0xffff  }
0x1d2: {  	s7 =	sor.u32 s20, s3;
	v18 =	vld.idx.msk [tilespmem:v2+s6+$0x0], $0xffff;
	[tilespmem:s29+$0x0] =	vst v9  }
0x1d3: {  	s11 =	sor.u32 s22, s3;
	[tilespmem:s7+$0x0] =	vst v15;
	v15 =	vld.idx.msk [tilespmem:v1+s6+$0x0], $0xffff  }
0x1d4: {  	s19 =	simm.s32 $0x5C0;
	s1 =	sor.u32 s23, s3;
	[tilespmem:s11+$0x0] =	vst v11;
	v12 =	vld.idx.msk [tilespmem:v5+s31+$0x0], $0xffff  }
.Ltmp3:
0x1d5: {  	s18 =	simm.s32 $0x460;
	s7 =	sadd.s32 $0x7300, s24;
	v11 =	vld.idx.msk [tilespmem:v6+s31+$0x0], $0xffff;
	[tilespmem:s1+$0x0] =	vst v62;
	(pc) =	sbr.rel @p1 .LBB2_5-.Ltmp3, $4  }
0x1d6: {  	s9 =	simm.s32 $0x2C40;
	s13 =	rddreg [dreg:$0xa];
	s11 =	sor.u32 s21, s7;
	[tilespmem:s15+$0x0] =	vst v10;
	v13 =	vld.idx.msk [tilespmem:v7+s31+$0x0], $0xffff  }
0x1d7: {  	s10 =	simm.s32 $0x1900;
	s14 =	simm.s32 $0x720;
	s29 =	rddreg [dreg:$0x9];
	v9 =	vld.idx.msk [tilespmem:v3+s9+$0x0], $0xffff;
	[tilespmem:s11+$0x0] =	vst v63  }
0x1d8: {  	s2 =	sor.u32 s20, s7;
	s0 =	sor.u32 s22, s7;
	s15 =	simm.s32 $0x300;
	[tilespmem:s4+$0x0] =	vst v18;
	v14 =	vld.idx.msk [tilespmem:v4+s10+$0x0], $0xffff  }
0x1d9: {  	v8 =	vmov v6;
	s1 =	sor.u32 s23, s7;
	s6 =	sadd.s32 $0x10, s13;
	s4 =	sadd.s32 $0x80, s29;
	v10 =	vld.idx.msk [tilespmem:v2+s9+$0x0], $0xffff;
	[tilespmem:s5+$0x0] =	vst v15  }
0x1da: {  	_ =	sdelay $0x2  }
0x1db: {  	[tilespmem:s2+$0x0] =	vst v12  }
0x1dc: {  	[tilespmem:s0+$0x0] =	vst v11;
	v12 =	vld.idx.msk [tilespmem:v5+s10+$0x0], $0xffff  }
0x1dd: {  	s7 =	sadd.s32 $0x7700, s24;
	v11 =	vld.idx.msk [tilespmem:v6+s10+$0x0], $0xffff;
	[tilespmem:s1+$0x0] =	vst v13  }
0x1de: {  	s11 =	sor.u32 s21, s7;
	v13 =	vld.idx.msk [tilespmem:v7+s10+$0x0], $0xffff  }
0x1df: {  	s29 =	simm.s32 $0x1A60;
	[tilespmem:s11+$0x0] =	vst v14  }
0x1e0: {  	s13 =	sor.u32 s20, s7;
	v46 =	vld.idx.msk [tilespmem:v4+s29+$0x0], $0xffff  }
0x1e1: {  	s26 =	sor.u32 s22, s7;
	[tilespmem:s13+$0x0] =	vst v12  }
0x1e2: {  	s0 =	sor.u32 s23, s7;
	[tilespmem:s26+$0x0] =	vst v11;
	v47 =	vld.idx.msk [tilespmem:v5+s29+$0x0], $0xffff  }
0x1e3: {  	s3 =	sadd.s32 $0x7B00, s24;
	[tilespmem:s0+$0x0] =	vst v13;
	v48 =	vld.idx.msk [tilespmem:v6+s29+$0x0], $0xffff  }
0x1e4: {  	s4 =	sor.u32 s21, s3;
	v49 =	vld.idx.msk [tilespmem:v7+s29+$0x0], $0xffff  }
0x1e5: {  	s7 =	simm.s32 $0x1BC0;
	[tilespmem:s4+$0x0] =	vst v46  }
0x1e6: {  	s5 =	sor.u32 s20, s3;
	v50 =	vld.idx.msk [tilespmem:v4+s7+$0x0], $0xffff  }
0x1e7: {  	s6 =	sor.u32 s22, s3;
	[tilespmem:s5+$0x0] =	vst v47  }
0x1e8: {  	s0 =	sor.u32 s23, s3;
	[tilespmem:s6+$0x0] =	vst v48;
	v51 =	vld.idx.msk [tilespmem:v5+s7+$0x0], $0xffff  }
0x1e9: {  	s10 =	sadd.s32 $0x7F00, s24;
	v8 =	vld.idx.msk [tilespmem:v8+s7+$0x0], $0xffff;
	[tilespmem:s0+$0x0] =	vst v49  }
0x1ea: {  	s11 =	sor.u32 s21, s10;
	v52 =	vld.idx.msk [tilespmem:v7+s7+$0x0], $0xffff  }
0x1eb: {  	s29 =	simm.s32 $0x1D20;
	[tilespmem:s11+$0x0] =	vst v50  }
0x1ec: {  	s13 =	sor.u32 s20, s10;
	v11 =	vld.idx.msk [tilespmem:v4+s29+$0x0], $0xffff  }
0x1ed: {  	s26 =	sor.u32 s22, s10;
	[tilespmem:s13+$0x0] =	vst v51  }
0x1ee: {  	s0 =	sor.u32 s23, s10;
	[tilespmem:s26+$0x0] =	vst v8;
	v53 =	vld.idx.msk [tilespmem:v5+s29+$0x0], $0xffff  }
0x1ef: {  	s3 =	sadd.s32 $0x8300, s24;
	[tilespmem:s0+$0x0] =	vst v52;
	v54 =	vld.idx.msk [tilespmem:v6+s29+$0x0], $0xffff  }
0x1f0: {  	s4 =	sor.u32 s21, s3;
	v13 =	vld.idx.msk [tilespmem:v7+s29+$0x0], $0xffff  }
0x1f1: {  	s7 =	simm.s32 $0x1E80;
	[tilespmem:s4+$0x0] =	vst v11  }
0x1f2: {  	s5 =	sor.u32 s20, s3;
	v55 =	vld.idx.msk [tilespmem:v4+s7+$0x0], $0xffff  }
0x1f3: {  	s6 =	sor.u32 s22, s3;
	[tilespmem:s5+$0x0] =	vst v53  }
0x1f4: {  	s0 =	sor.u32 s23, s3;
	[tilespmem:s6+$0x0] =	vst v54;
	v56 =	vld.idx.msk [tilespmem:v5+s7+$0x0], $0xffff  }
0x1f5: {  	s10 =	sadd.s32 $0x8700, s24;
	[tilespmem:s0+$0x0] =	vst v13;
	v12 =	vld.idx.msk [tilespmem:v6+s7+$0x0], $0xffff  }
0x1f6: {  	s11 =	sor.u32 s21, s10;
	v13 =	vld.idx.msk [tilespmem:v7+s7+$0x0], $0xffff  }
0x1f7: {  	s29 =	simm.s32 $0x1FE0;
	[tilespmem:s11+$0x0] =	vst v55  }
0x1f8: {  	s13 =	sor.u32 s20, s10;
	v8 =	vld.idx.msk [tilespmem:v4+s29+$0x0], $0xffff  }
0x1f9: {  	s26 =	sor.u32 s22, s10;
	[tilespmem:s13+$0x0] =	vst v56  }
0x1fa: {  	s0 =	sor.u32 s23, s10;
	[tilespmem:s26+$0x0] =	vst v12;
	v11 =	vld.idx.msk [tilespmem:v5+s29+$0x0], $0xffff  }
0x1fb: {  	s3 =	sadd.s32 $0x8B00, s24;
	[tilespmem:s0+$0x0] =	vst v13;
	v12 =	vld.idx.msk [tilespmem:v6+s29+$0x0], $0xffff  }
0x1fc: {  	s4 =	sor.u32 s21, s3;
	v13 =	vld.idx.msk [tilespmem:v7+s29+$0x0], $0xffff  }
0x1fd: {  	s7 =	simm.s32 $0x2140;
	[tilespmem:s4+$0x0] =	vst v8  }
0x1fe: {  	s5 =	sor.u32 s20, s3;
	v8 =	vld.idx.msk [tilespmem:v4+s7+$0x0], $0xffff  }
0x1ff: {  	s6 =	sor.u32 s22, s3;
	[tilespmem:s5+$0x0] =	vst v11  }
0x200: {  	s0 =	sor.u32 s23, s3;
	[tilespmem:s6+$0x0] =	vst v12;
	v11 =	vld.idx.msk [tilespmem:v5+s7+$0x0], $0xffff  }
0x201: {  	s10 =	sadd.s32 $0x8F00, s24;
	[tilespmem:s0+$0x0] =	vst v13;
	v12 =	vld.idx.msk [tilespmem:v6+s7+$0x0], $0xffff  }
0x202: {  	s11 =	sor.u32 s21, s10;
	v13 =	vld.idx.msk [tilespmem:v7+s7+$0x0], $0xffff  }
0x203: {  	s29 =	simm.s32 $0x22A0;
	[tilespmem:s11+$0x0] =	vst v8  }
0x204: {  	s13 =	sor.u32 s20, s10;
	v8 =	vld.idx.msk [tilespmem:v4+s29+$0x0], $0xffff  }
0x205: {  	s26 =	sor.u32 s22, s10;
	[tilespmem:s13+$0x0] =	vst v11  }
0x206: {  	s0 =	sor.u32 s23, s10;
	[tilespmem:s26+$0x0] =	vst v12;
	v11 =	vld.idx.msk [tilespmem:v5+s29+$0x0], $0xffff  }
0x207: {  	s3 =	sadd.s32 $0x9300, s24;
	[tilespmem:s0+$0x0] =	vst v13;
	v12 =	vld.idx.msk [tilespmem:v6+s29+$0x0], $0xffff  }
0x208: {  	s4 =	sor.u32 s21, s3;
	v13 =	vld.idx.msk [tilespmem:v7+s29+$0x0], $0xffff  }
0x209: {  	s7 =	simm.s32 $0x2400;
	[tilespmem:s4+$0x0] =	vst v8  }
0x20a: {  	s5 =	sor.u32 s20, s3;
	v8 =	vld.idx.msk [tilespmem:v4+s7+$0x0], $0xffff  }
0x20b: {  	s6 =	sor.u32 s22, s3;
	[tilespmem:s5+$0x0] =	vst v11  }
0x20c: {  	s0 =	sor.u32 s23, s3;
	[tilespmem:s6+$0x0] =	vst v12;
	v11 =	vld.idx.msk [tilespmem:v5+s7+$0x0], $0xffff  }
0x20d: {  	s10 =	sadd.s32 $0x9700, s24;
	[tilespmem:s0+$0x0] =	vst v13;
	v12 =	vld.idx.msk [tilespmem:v6+s7+$0x0], $0xffff  }
0x20e: {  	s11 =	sor.u32 s21, s10;
	v13 =	vld.idx.msk [tilespmem:v7+s7+$0x0], $0xffff  }
0x20f: {  	s29 =	simm.s32 $0x2560;
	[tilespmem:s11+$0x0] =	vst v8  }
0x210: {  	s13 =	sor.u32 s20, s10;
	v8 =	vld.idx.msk [tilespmem:v4+s29+$0x0], $0xffff  }
0x211: {  	s26 =	sor.u32 s22, s10;
	[tilespmem:s13+$0x0] =	vst v11  }
0x212: {  	s0 =	sor.u32 s23, s10;
	[tilespmem:s26+$0x0] =	vst v12;
	v11 =	vld.idx.msk [tilespmem:v5+s29+$0x0], $0xffff  }
0x213: {  	s3 =	sadd.s32 $0x9B00, s24;
	[tilespmem:s0+$0x0] =	vst v13;
	v12 =	vld.idx.msk [tilespmem:v6+s29+$0x0], $0xffff  }
0x214: {  	s4 =	sor.u32 s21, s3;
	v13 =	vld.idx.msk [tilespmem:v7+s29+$0x0], $0xffff  }
0x215: {  	s7 =	simm.s32 $0x26C0;
	[tilespmem:s4+$0x0] =	vst v8  }
0x216: {  	s5 =	sor.u32 s20, s3;
	v8 =	vld.idx.msk [tilespmem:v4+s7+$0x0], $0xffff  }
0x217: {  	s6 =	sor.u32 s22, s3;
	[tilespmem:s5+$0x0] =	vst v11  }
0x218: {  	s0 =	sor.u32 s23, s3;
	[tilespmem:s6+$0x0] =	vst v12;
	v11 =	vld.idx.msk [tilespmem:v5+s7+$0x0], $0xffff  }
0x219: {  	s10 =	sadd.s32 $0x9F00, s24;
	[tilespmem:s0+$0x0] =	vst v13;
	v12 =	vld.idx.msk [tilespmem:v6+s7+$0x0], $0xffff  }
0x21a: {  	s11 =	sor.u32 s21, s10;
	v13 =	vld.idx.msk [tilespmem:v7+s7+$0x0], $0xffff  }
0x21b: {  	s29 =	simm.s32 $0x2820;
	[tilespmem:s11+$0x0] =	vst v8  }
0x21c: {  	s13 =	sor.u32 s20, s10;
	v8 =	vld.idx.msk [tilespmem:v4+s29+$0x0], $0xffff  }
0x21d: {  	s26 =	sor.u32 s22, s10;
	[tilespmem:s13+$0x0] =	vst v11  }
0x21e: {  	s0 =	sor.u32 s23, s10;
	[tilespmem:s26+$0x0] =	vst v12;
	v11 =	vld.idx.msk [tilespmem:v5+s29+$0x0], $0xffff  }
0x21f: {  	s3 =	sadd.s32 $0xA300, s24;
	v12 =	vld.idx.msk [tilespmem:v6+s29+$0x0], $0xffff;
	[tilespmem:s0+$0x0] =	vst v13  }
0x220: {  	s4 =	sor.u32 s21, s3;
	v13 =	vld.idx.msk [tilespmem:v7+s29+$0x0], $0xffff  }
0x221: {  	s7 =	simm.s32 $0x2980;
	[tilespmem:s4+$0x0] =	vst v8  }
0x222: {  	s5 =	sor.u32 s20, s3;
	v8 =	vld.idx.msk [tilespmem:v4+s7+$0x0], $0xffff  }
0x223: {  	s6 =	sor.u32 s22, s3;
	[tilespmem:s5+$0x0] =	vst v11  }
0x224: {  	s0 =	sor.u32 s23, s3;
	[tilespmem:s6+$0x0] =	vst v12;
	v11 =	vld.idx.msk [tilespmem:v5+s7+$0x0], $0xffff  }
0x225: {  	s10 =	sadd.s32 $0xA700, s24;
	v12 =	vld.idx.msk [tilespmem:v6+s7+$0x0], $0xffff;
	[tilespmem:s0+$0x0] =	vst v13  }
0x226: {  	s11 =	sor.u32 s21, s10;
	v13 =	vld.idx.msk [tilespmem:v7+s7+$0x0], $0xffff  }
0x227: {  	s29 =	simm.s32 $0x2AE0;
	[tilespmem:s11+$0x0] =	vst v8  }
0x228: {  	[tilespmem:s17+$0x0] =	vst v9;
	s13 =	sor.u32 s20, s10;
	v8 =	vld.idx.msk [tilespmem:v4+s29+$0x0], $0xffff  }
0x229: {  	v58 =	vld.idx.msk [tilespmem:v1+s9+$0x0], $0xffff;
	s26 =	sor.u32 s22, s10;
	[tilespmem:s13+$0x0] =	vst v11  }
0x22a: {  	s0 =	sor.u32 s23, s10;
	[tilespmem:s26+$0x0] =	vst v12;
	v11 =	vld.idx.msk [tilespmem:v5+s29+$0x0], $0xffff  }
0x22b: {  	s3 =	sadd.s32 $0xAB00, s24;
	[tilespmem:s0+$0x0] =	vst v13;
	v12 =	vld.idx.msk [tilespmem:v6+s29+$0x0], $0xffff  }
0x22c: {  	[tilespmem:s8+$0x0] =	vst v10;
	s4 =	sor.u32 s21, s3;
	s5 =	simm.s32 $0x2DA0;
	v57 =	vld.idx.msk [tilespmem:v7+s29+$0x0], $0xffff  }
0x22d: {  	v3 =	vld.idx.msk [tilespmem:v3+s5+$0x0], $0xffff;
	[tilespmem:s4+$0x0] =	vst v8  }
0x22e: {  	[tilespmem:s25+$0x0] =	vst v58;
	s6 =	sor.u32 s20, s3;
	v8 =	vld.idx.msk [tilespmem:v4+s9+$0x0], $0xffff  }
0x22f: {  	v2 =	vld.idx.msk [tilespmem:v2+s5+$0x0], $0xffff;
	s7 =	sor.u32 s22, s3;
	[tilespmem:s6+$0x0] =	vst v11  }
0x230: {  	s0 =	sor.u32 s23, s3;
	[tilespmem:s7+$0x0] =	vst v12;
	v59 =	vld.idx.msk [tilespmem:v5+s9+$0x0], $0xffff  }
0x231: {  	s8 =	sadd.s32 $0xAF00, s24;
	[tilespmem:s0+$0x0] =	vst v57;
	v60 =	vld.idx.msk [tilespmem:v6+s9+$0x0], $0xffff  }
0x232: {  	[tilespmem:s28+$0x0] =	vst v3;
	v61 =	vld.idx.msk [tilespmem:v7+s9+$0x0], $0xffff;
	s9 =	sor.u32 s21, s8  }
0x233: {  	v1 =	vld.idx.msk [tilespmem:v1+s5+$0x0], $0xffff;
	[tilespmem:s9+$0x0] =	vst v8  }
0x234: {  	s10 =	sor.u32 s20, s8;
	[tilespmem:s12+$0x0] =	vst v2;
	v3 =	vld.idx.msk [tilespmem:v4+s5+$0x0], $0xffff  }
0x235: {  	s11 =	sor.u32 s22, s8;
	[tilespmem:s10+$0x0] =	vst v59  }
0x236: {  	s0 =	sor.u32 s23, s8;
	[tilespmem:s11+$0x0] =	vst v60;
	v62 =	vld.idx.msk [tilespmem:v5+s5+$0x0], $0xffff  }
0x237: {  	s12 =	sadd.s32 $0xB300, s24;
	[tilespmem:s0+$0x0] =	vst v61;
	v63 =	vld.idx.msk [tilespmem:v6+s5+$0x0], $0xffff  }
0x238: {  	s3 =	sor.u32 s21, s12;
	v2 =	vld.idx.msk [tilespmem:v7+s5+$0x0], $0xffff;
	s5 =	rddreg [dreg:$0x1c];
	[tilespmem:s16+$0x0] =	vst v1  }
0x239: {  	s28 =	rddreg [dreg:$0x2];
	[tilespmem:s3+$0x0] =	vst v3  }
0x23a: {  	s24 =	sor.u32 s20, s12;
	s13 =	sshll.u32 s5, $0x9;
	s3 =	rddreg [dreg:$0x13]  }
0x23b: {  	s17 =	sshll.u32 s5, $0xB;
	s4 =	sand.u32 $0x200, s13;
	s25 =	rddreg [dreg:$0x17]  }
0x23c: {  	s26 =	sor.u32 s22, s12;
	s21 =	sand.u32 $0x7000, s17;
	[dreg:$0x1e] =	wrdreg s4  }
0x23d: {  	s29 =	simm.s32 $0x3700;
	s3 =	sor.u32 s3, s21;
	s1 =	sor.u32 s25, s4;
	[tilespmem:s24+$0x0] =	vst v62  }
0x23e: {  	s8 =	simm.s32 $0x1A60;
	s1 =	sor.u32 s3, s1;
	[dreg:$0x1f] =	wrdreg s3  }
0x23f: {  	s0 =	sor.u32 s23, s12;
	s4 =	simm.s32 $0x400;
	s1 =	sshrl.u32 s1, $0x3;
	[tilespmem:s26+$0x0] =	vst v63  }
0x240: {  	s3 =	simm.s32 $0x100;
	[tilespmem:s0+$0x0] =	vst v2;
	s0 =	sadd.s32 s28, s1;
	s1 =	simm.s32 $0x1000  }
0x241: {  	[hbm4b:s0+s3] =	stream.strided.scatter [tilespmem:s29], [sflag:$0x3], $0x400, s4, s3, $0x38;
	[tilespmem:$0x13700] =	vst v63  }
.LBB2_7:
0x242: {  	p1 =	sne.s32 s1, $0x1F000  }
.Ltmp4:
0x243: {  	_ = 	snop;
	(pc) =	sbr.rel @p1 .LBB2_7-.Ltmp4, $4  }
0x244: {  	_ = 	snop  }
0x245: {  	s2 =	sshra.s32 s1, $0x2;
	s1 =	sadd.s32 $0x1000, s1  }
0x246: {  	s0 =	sadd.s32 $0x8000, s0;
	s2 =	sadd.s32 $0x3700, s2  }
0x247: {  	[hbm4b:s0+s3] =	stream.strided.scatter [tilespmem:s2], [sflag:$0x3], $0x400, s4, s3, $0x38;
	[tilespmem:$0x13700] =	vst v63  }
0x248: {  	p1 =	sne.s32 s5, $0xF  }
.Ltmp5:
0x249: {  	_ = 	snop;
	(pc) =	sbr.rel @p1 .LBB2_10-.Ltmp5, $4  }
0x24a: {  	_ = 	snop  }
0x24b: {  	s21 =	simm.s32 $0x880;
	s6 =	simm.s32 $0x9E0;
	s7 =	simm.s32 $0xCA0  }
0x24c: {  	s10 =	simm.s32 $0xE00;
	s9 =	simm.s32 $0xF60;
	s20 =	simm.s32 $0x10C0  }
0x24d: {  	s17 =	simm.s32 $0x1220;
	s16 =	simm.s32 $0x1380;
	s5 =	simm.s32 $0x14E0  }
.Ltmp6:
0x24e: {  	(pc) =	sbr.rel .LBB2_11-.Ltmp6, $4  }
0x24f: {  	s0 =	simm.s32 $0x2  }
0x250: {  	_ =	swait.ge [sflag:s0], $0x400  }
0x251: {  	[sflag:s0] =	ssyncset.done $0x0  }
0x252: {  	[sflag:s0] =	ssyncadd.s32 $0xFFFFFC00  }
.LBB2_10:
0x253: {  	s0 =	rddreg [dreg:$0x1d]  }
0x254: {  	s0 =	sadd.s32 $0x2, s0  }
0x255: {  	s2 =	rddreg [dreg:$0x13];
	s1 =	sshll.u32 s0, $0xA  }
0x256: {  	s1 =	sadd.s32 s2, s1  }
0x257: {  	s25 =	rddreg [dreg:$0x14];
	s0 =	sshll.u32 s0, $0x8;
	s1 =	sand.u32 $0x7F000, s1  }
0x258: {  	s0 =	sand.u32 $0x200, s0;
	s1 =	sadd.s32 s25, s1  }
0x259: {  	s0 =	sor.u32 s0, s1  }
0x25a: {  	s26 =	rddreg [dreg:$0x0];
	s28 =	simm.s32 $0x2F00;
	s0 =	sshrl.u32 s0, $0x3  }
.Ltmp7:
0x25b: {  	s29 =	simm.s32 $0x2;
	s0 =	sadd.s32 s26, s0;
	(pc) =	sbr.rel @p0 .LBB2_12-.Ltmp7, $4  }
0x25c: {  	[tilespmem:s28], [sflag:$0x1] =	stream.strided.gather [hbm4b:s0+s3], $0x400, s4, s3, $0x38;
	[tilespmem:$0x13700] =	vst v63  }
0x25d: {  	_ =	swait.ge [sflag:s29], $0x400  }
0x25e: {  	[sflag:s29] =	ssyncset.done $0x0  }
0x25f: {  	[sflag:s29] =	ssyncadd.s32 $0xFFFFFC00  }
.LBB2_11:
0x260: {  	s0 =	simm.s32 $0x4  }
0x261: {  	_ =	swait.ge [sflag:s0], $0x8000  }
0x262: {  	[sflag:s0] =	ssyncset.done $0x0  }
0x263: {  	[sflag:s0] =	ssyncadd.s32 $0xFFFF8000  }
.LBB2_12:
0x264: {  	s0 =	simm.s32 $0x0  }
0x265: {  	s1 =	sand.u32 $0x300, s0;
	s2 =	sand.u32 $0x80, s0  }
0x266: {  	s13 =	sand.u32 $0x40, s0;
	s26 =	sor.u32 s2, s1  }
0x267: {  	s25 =	sor.u32 $0x30, s13;
	s4 =	sadd.s32 $0x3300, s26  }
0x268: {  	s22 =	sor.u32 s25, s4  }
0x269: {  	s12 =	sor.u32 $0x10, s13;
	s23 =	sor.u32 s13, s4;
	v1 =	vld [tilespmem:s22+$0x0]  }
0x26a: {  	s11 =	sor.u32 $0x20, s13;
	s24 =	sor.u32 s12, s4;
	v2 =	vld [tilespmem:s23+$0x0]  }
0x26b: {  	s0 =	sor.u32 s11, s4;
	v3 =	vld [tilespmem:s24+$0x0]  }
0x26c: {  	v4 =	vld [tilespmem:s0+$0x0];
	_ =	sdelay $0x1  }
0x26d: {  	vm0 =	vgt.s32 v1, $0x0  }
0x26e: {  	v1 =	vnsel vm0, $0x0, v1  }
0x26f: {  	vm9 =	vgt.s32 v2, $0x0;
	vm10 =	vgt.s32 v3, $0x0;
	v1 =	vmin.u32 v1, $0x15  }
0x270: {  	vm11 =	vgt.s32 v4, $0x0;
	v2 =	vnsel vm9, $0x0, v2;
	v1 =	vshll.u32 v1, $0x4  }
0x271: {  	v3 =	vnsel vm10, $0x0, v3;
	v8 =	vor.u32 v0, v1;
	v1 =	vmin.u32 v2, $0x15  }
0x272: {  	v4 =	vnsel vm11, $0x0, v4;
	v2 =	vmin.u32 v3, $0x15;
	v1 =	vshll.u32 v1, $0x4  }
0x273: {  	v2 =	vshll.u32 v2, $0x4;
	v3 =	vor.u32 v0, v1;
	v1 =	vmin.u32 v4, $0x15  }
0x274: {  	v2 =	vor.u32 v0, v2;
	v1 =	vshll.u32 v1, $0x4  }
0x275: {  	v1 =	vor.u32 v0, v1  }
0x276: {  	v4 =	vld.idx.msk [tilespmem:v8+s15+$0x0], $0xffff;
	_ =	sdelay $0x1  }
0x277: {  	v5 =	vld.idx.msk [tilespmem:v3+s15+$0x0], $0xffff  }
0x278: {  	s29 =	sadd.s32 $0xB700, s26;
	v6 =	vld.idx.msk [tilespmem:v2+s15+$0x0], $0xffff  }
0x279: {  	s2 =	sor.u32 s25, s29;
	v7 =	vld.idx.msk [tilespmem:v1+s15+$0x0], $0xffff  }
0x27a: {  	[tilespmem:s2+$0x0] =	vst v4  }
0x27b: {  	s3 =	sor.u32 s13, s29;
	v4 =	vld.idx.msk [tilespmem:v8+s18+$0x0], $0xffff  }
0x27c: {  	s4 =	sor.u32 s12, s29;
	[tilespmem:s3+$0x0] =	vst v5  }
0x27d: {  	s0 =	sor.u32 s11, s29;
	[tilespmem:s4+$0x0] =	vst v6;
	v5 =	vld.idx.msk [tilespmem:v3+s18+$0x0], $0xffff  }
0x27e: {  	s22 =	sadd.s32 $0xBB00, s26;
	v6 =	vld.idx.msk [tilespmem:v2+s18+$0x0], $0xffff;
	[tilespmem:s0+$0x0] =	vst v7  }
0x27f: {  	s23 =	sor.u32 s25, s22;
	v7 =	vld.idx.msk [tilespmem:v1+s18+$0x0], $0xffff  }
0x280: {  	[tilespmem:s23+$0x0] =	vst v4  }
0x281: {  	s24 =	sor.u32 s13, s22;
	v4 =	vld.idx.msk [tilespmem:v8+s19+$0x0], $0xffff  }
0x282: {  	s29 =	sor.u32 s12, s22;
	[tilespmem:s24+$0x0] =	vst v5  }
0x283: {  	s2 =	sor.u32 s11, s22;
	[tilespmem:s29+$0x0] =	vst v6;
	v5 =	vld.idx.msk [tilespmem:v3+s19+$0x0], $0xffff  }
0x284: {  	s3 =	sadd.s32 $0xBF00, s26;
	v6 =	vld.idx.msk [tilespmem:v2+s19+$0x0], $0xffff;
	[tilespmem:s2+$0x0] =	vst v7  }
0x285: {  	s4 =	sor.u32 s25, s3;
	v7 =	vld.idx.msk [tilespmem:v1+s19+$0x0], $0xffff  }
0x286: {  	[tilespmem:s4+$0x0] =	vst v4  }
0x287: {  	s22 =	sor.u32 s13, s3;
	v4 =	vld.idx.msk [tilespmem:v8+s14+$0x0], $0xffff  }
0x288: {  	s23 =	sor.u32 s12, s3;
	[tilespmem:s22+$0x0] =	vst v5  }
0x289: {  	s24 =	sor.u32 s11, s3;
	[tilespmem:s23+$0x0] =	vst v6;
	v5 =	vld.idx.msk [tilespmem:v3+s14+$0x0], $0xffff  }
0x28a: {  	s29 =	sadd.s32 $0xC300, s26;
	v6 =	vld.idx.msk [tilespmem:v2+s14+$0x0], $0xffff;
	[tilespmem:s24+$0x0] =	vst v7  }
0x28b: {  	s3 =	sor.u32 s25, s29;
	v7 =	vld.idx.msk [tilespmem:v1+s14+$0x0], $0xffff  }
0x28c: {  	[tilespmem:s3+$0x0] =	vst v4  }
0x28d: {  	s4 =	sor.u32 s13, s29;
	v4 =	vld.idx.msk [tilespmem:v8+s21+$0x0], $0xffff  }
0x28e: {  	s22 =	sor.u32 s12, s29;
	[tilespmem:s4+$0x0] =	vst v5  }
0x28f: {  	s23 =	sor.u32 s11, s29;
	[tilespmem:s22+$0x0] =	vst v6;
	v5 =	vld.idx.msk [tilespmem:v3+s21+$0x0], $0xffff  }
0x290: {  	s24 =	sadd.s32 $0xC700, s26;
	v6 =	vld.idx.msk [tilespmem:v2+s21+$0x0], $0xffff;
	[tilespmem:s23+$0x0] =	vst v7  }
0x291: {  	s29 =	sor.u32 s25, s24;
	v7 =	vld.idx.msk [tilespmem:v1+s21+$0x0], $0xffff  }
0x292: {  	[tilespmem:s29+$0x0] =	vst v4  }
0x293: {  	s2 =	sor.u32 s13, s24;
	v4 =	vld.idx.msk [tilespmem:v8+s6+$0x0], $0xffff  }
0x294: {  	s3 =	sor.u32 s12, s24;
	[tilespmem:s2+$0x0] =	vst v5  }
0x295: {  	s4 =	sor.u32 s11, s24;
	[tilespmem:s3+$0x0] =	vst v6;
	v5 =	vld.idx.msk [tilespmem:v3+s6+$0x0], $0xffff  }
0x296: {  	s21 =	sadd.s32 $0xCB00, s26;
	v6 =	vld.idx.msk [tilespmem:v2+s6+$0x0], $0xffff;
	[tilespmem:s4+$0x0] =	vst v7  }
0x297: {  	s22 =	sor.u32 s25, s21;
	v7 =	vld.idx.msk [tilespmem:v1+s6+$0x0], $0xffff  }
0x298: {  	s29 =	simm.s32 $0xB40;
	[tilespmem:s22+$0x0] =	vst v4  }
0x299: {  	s23 =	sor.u32 s13, s21;
	v4 =	vld.idx.msk [tilespmem:v8+s29+$0x0], $0xffff  }
0x29a: {  	s24 =	sor.u32 s12, s21;
	[tilespmem:s23+$0x0] =	vst v5  }
0x29b: {  	s3 =	sor.u32 s11, s21;
	[tilespmem:s24+$0x0] =	vst v6;
	v5 =	vld.idx.msk [tilespmem:v3+s29+$0x0], $0xffff  }
0x29c: {  	s4 =	sadd.s32 $0xCF00, s26;
	v6 =	vld.idx.msk [tilespmem:v2+s29+$0x0], $0xffff;
	[tilespmem:s3+$0x0] =	vst v7  }
0x29d: {  	s6 =	sor.u32 s25, s4;
	v7 =	vld.idx.msk [tilespmem:v1+s29+$0x0], $0xffff  }
0x29e: {  	[tilespmem:s6+$0x0] =	vst v4  }
0x29f: {  	s21 =	sor.u32 s13, s4;
	v4 =	vld.idx.msk [tilespmem:v8+s7+$0x0], $0xffff  }
0x2a0: {  	s22 =	sor.u32 s12, s4;
	[tilespmem:s21+$0x0] =	vst v5  }
0x2a1: {  	s23 =	sor.u32 s11, s4;
	[tilespmem:s22+$0x0] =	vst v6;
	v5 =	vld.idx.msk [tilespmem:v3+s7+$0x0], $0xffff  }
0x2a2: {  	s24 =	sadd.s32 $0xD300, s26;
	v6 =	vld.idx.msk [tilespmem:v2+s7+$0x0], $0xffff;
	[tilespmem:s23+$0x0] =	vst v7  }
0x2a3: {  	s3 =	sor.u32 s25, s24;
	v7 =	vld.idx.msk [tilespmem:v1+s7+$0x0], $0xffff  }
0x2a4: {  	[tilespmem:s3+$0x0] =	vst v4  }
0x2a5: {  	s4 =	sor.u32 s13, s24;
	v4 =	vld.idx.msk [tilespmem:v8+s10+$0x0], $0xffff  }
0x2a6: {  	s6 =	sor.u32 s12, s24;
	[tilespmem:s4+$0x0] =	vst v5  }
0x2a7: {  	s7 =	sor.u32 s11, s24;
	[tilespmem:s6+$0x0] =	vst v6;
	v5 =	vld.idx.msk [tilespmem:v3+s10+$0x0], $0xffff  }
0x2a8: {  	s21 =	sadd.s32 $0xD700, s26;
	v6 =	vld.idx.msk [tilespmem:v2+s10+$0x0], $0xffff;
	[tilespmem:s7+$0x0] =	vst v7  }
0x2a9: {  	s22 =	sor.u32 s25, s21;
	v7 =	vld.idx.msk [tilespmem:v1+s10+$0x0], $0xffff  }
0x2aa: {  	[tilespmem:s22+$0x0] =	vst v4  }
0x2ab: {  	s23 =	sor.u32 s13, s21;
	v4 =	vld.idx.msk [tilespmem:v8+s9+$0x0], $0xffff  }
0x2ac: {  	s24 =	sor.u32 s12, s21;
	[tilespmem:s23+$0x0] =	vst v5  }
0x2ad: {  	s3 =	sor.u32 s11, s21;
	[tilespmem:s24+$0x0] =	vst v6;
	v5 =	vld.idx.msk [tilespmem:v3+s9+$0x0], $0xffff  }
0x2ae: {  	s4 =	sadd.s32 $0xDB00, s26;
	v6 =	vld.idx.msk [tilespmem:v2+s9+$0x0], $0xffff;
	[tilespmem:s3+$0x0] =	vst v7  }
0x2af: {  	s6 =	sor.u32 s25, s4;
	v7 =	vld.idx.msk [tilespmem:v1+s9+$0x0], $0xffff  }
0x2b0: {  	[tilespmem:s6+$0x0] =	vst v4  }
0x2b1: {  	s7 =	sor.u32 s13, s4;
	v4 =	vld.idx.msk [tilespmem:v8+s20+$0x0], $0xffff  }
0x2b2: {  	s9 =	sor.u32 s12, s4;
	[tilespmem:s7+$0x0] =	vst v5  }
0x2b3: {  	s10 =	sor.u32 s11, s4;
	[tilespmem:s9+$0x0] =	vst v6;
	v5 =	vld.idx.msk [tilespmem:v3+s20+$0x0], $0xffff  }
0x2b4: {  	s21 =	sadd.s32 $0xDF00, s26;
	v6 =	vld.idx.msk [tilespmem:v2+s20+$0x0], $0xffff;
	[tilespmem:s10+$0x0] =	vst v7  }
0x2b5: {  	s22 =	sor.u32 s25, s21;
	v7 =	vld.idx.msk [tilespmem:v1+s20+$0x0], $0xffff  }
0x2b6: {  	[tilespmem:s22+$0x0] =	vst v4  }
0x2b7: {  	s23 =	sor.u32 s13, s21;
	v4 =	vld.idx.msk [tilespmem:v8+s17+$0x0], $0xffff  }
0x2b8: {  	s24 =	sor.u32 s12, s21;
	[tilespmem:s23+$0x0] =	vst v5  }
0x2b9: {  	s2 =	sor.u32 s11, s21;
	[tilespmem:s24+$0x0] =	vst v6;
	v5 =	vld.idx.msk [tilespmem:v3+s17+$0x0], $0xffff  }
0x2ba: {  	s3 =	sadd.s32 $0xE300, s26;
	v6 =	vld.idx.msk [tilespmem:v2+s17+$0x0], $0xffff;
	[tilespmem:s2+$0x0] =	vst v7  }
0x2bb: {  	s4 =	sor.u32 s25, s3;
	v7 =	vld.idx.msk [tilespmem:v1+s17+$0x0], $0xffff  }
0x2bc: {  	[tilespmem:s4+$0x0] =	vst v4  }
0x2bd: {  	s6 =	sor.u32 s13, s3;
	v4 =	vld.idx.msk [tilespmem:v8+s16+$0x0], $0xffff  }
0x2be: {  	s7 =	sor.u32 s12, s3;
	[tilespmem:s6+$0x0] =	vst v5  }
0x2bf: {  	s9 =	sor.u32 s11, s3;
	[tilespmem:s7+$0x0] =	vst v6;
	v5 =	vld.idx.msk [tilespmem:v3+s16+$0x0], $0xffff  }
0x2c0: {  	s10 =	sadd.s32 $0xE700, s26;
	v6 =	vld.idx.msk [tilespmem:v2+s16+$0x0], $0xffff;
	[tilespmem:s9+$0x0] =	vst v7  }
0x2c1: {  	s17 =	sor.u32 s25, s10;
	v7 =	vld.idx.msk [tilespmem:v1+s16+$0x0], $0xffff  }
0x2c2: {  	[tilespmem:s17+$0x0] =	vst v4  }
0x2c3: {  	s20 =	sor.u32 s13, s10;
	v4 =	vld.idx.msk [tilespmem:v8+s5+$0x0], $0xffff  }
0x2c4: {  	s21 =	sor.u32 s12, s10;
	[tilespmem:s20+$0x0] =	vst v5  }
0x2c5: {  	s22 =	sor.u32 s11, s10;
	[tilespmem:s21+$0x0] =	vst v6;
	v5 =	vld.idx.msk [tilespmem:v3+s5+$0x0], $0xffff  }
0x2c6: {  	s23 =	sadd.s32 $0xEB00, s26;
	v6 =	vld.idx.msk [tilespmem:v2+s5+$0x0], $0xffff;
	[tilespmem:s22+$0x0] =	vst v7  }
0x2c7: {  	s24 =	sor.u32 s25, s23;
	v7 =	vld.idx.msk [tilespmem:v1+s5+$0x0], $0xffff  }
0x2c8: {  	[tilespmem:s24+$0x0] =	vst v4  }
0x2c9: {  	s2 =	sor.u32 s13, s23;
	v4 =	vld.idx.msk [tilespmem:v8+s30+$0x0], $0xffff  }
0x2ca: {  	s3 =	sor.u32 s12, s23;
	[tilespmem:s2+$0x0] =	vst v5  }
0x2cb: {  	s4 =	sor.u32 s11, s23;
	[tilespmem:s3+$0x0] =	vst v6;
	v5 =	vld.idx.msk [tilespmem:v3+s30+$0x0], $0xffff  }
0x2cc: {  	s5 =	sadd.s32 $0xEF00, s26;
	v6 =	vld.idx.msk [tilespmem:v2+s30+$0x0], $0xffff;
	[tilespmem:s4+$0x0] =	vst v7  }
0x2cd: {  	s6 =	sor.u32 s25, s5;
	v7 =	vld.idx.msk [tilespmem:v1+s30+$0x0], $0xffff  }
0x2ce: {  	[tilespmem:s6+$0x0] =	vst v4  }
0x2cf: {  	s7 =	sor.u32 s13, s5;
	v4 =	vld.idx.msk [tilespmem:v8+s31+$0x0], $0xffff  }
0x2d0: {  	s9 =	sor.u32 s12, s5;
	[tilespmem:s7+$0x0] =	vst v5  }
0x2d1: {  	s21 =	simm.s32 $0x80;
	s10 =	sor.u32 s11, s5;
	s3 =	simm.s32 $0x10;
	[tilespmem:s9+$0x0] =	vst v6;
	v5 =	vld.idx.msk [tilespmem:v3+s31+$0x0], $0xffff  }
0x2d2: {  	s16 =	sadd.s32 $0xF300, s26;
	s0 =	sand.u32 $0x300, s21;
	s3 =	sand.u32 $0x80, s3;
	v6 =	vld.idx.msk [tilespmem:v2+s31+$0x0], $0xffff;
	[tilespmem:s10+$0x0] =	vst v7  }
0x2d3: {  	s17 =	sor.u32 s25, s16;
	s4 =	simm.s32 $0x40;
	s23 =	sor.u32 s3, s0;
	v7 =	vld.idx.msk [tilespmem:v1+s31+$0x0], $0xffff  }
0x2d4: {  	s22 =	simm.s32 $0x1900;
	s28 =	sand.u32 $0x40, s4;
	s0 =	sadd.s32 $0x3300, s23;
	[tilespmem:s17+$0x0] =	vst v4  }
0x2d5: {  	s20 =	sor.u32 s13, s16;
	s10 =	sor.u32 s28, s0;
	v4 =	vld.idx.msk [tilespmem:v8+s22+$0x0], $0xffff  }
0x2d6: {  	s24 =	sor.u32 s12, s16;
	s21 =	sor.u32 $0x30, s28;
	v10 =	vld [tilespmem:s10+$0x0];
	[tilespmem:s20+$0x0] =	vst v5  }
0x2d7: {  	s1 =	sor.u32 s11, s16;
	s5 =	sor.u32 s21, s0;
	[tilespmem:s24+$0x0] =	vst v6;
	v5 =	vld.idx.msk [tilespmem:v3+s22+$0x0], $0xffff  }
0x2d8: {  	s2 =	sadd.s32 $0xF700, s26;
	[tilespmem:s1+$0x0] =	vst v7;
	v7 =	vld [tilespmem:s5+$0x0]  }
0x2d9: {  	s7 =	sor.u32 s25, s2;
	v6 =	vld.idx.msk [tilespmem:v2+s22+$0x0], $0xffff  }
0x2da: {  	v9 =	vld.idx.msk [tilespmem:v1+s22+$0x0], $0xffff;
	s22 =	sor.u32 $0x10, s28;
	[tilespmem:s7+$0x0] =	vst v4  }
0x2db: {  	s24 =	sor.u32 $0x20, s28;
	s16 =	sor.u32 s22, s0;
	v4 =	vld.idx.msk [tilespmem:v8+s8+$0x0], $0xffff  }
0x2dc: {  	s17 =	sor.u32 s13, s2;
	s0 =	sor.u32 s24, s0;
	v11 =	vld [tilespmem:s16+$0x0]  }
0x2dd: {  	s20 =	sor.u32 s12, s2;
	[tilespmem:s17+$0x0] =	vst v5;
	v5 =	vld [tilespmem:s0+$0x0];
	vm12 =	vgt.s32 v7, $0x0  }
0x2de: {  	s4 =	sadd.s32 $0xFB00, s26;
	s2 =	sor.u32 s11, s2;
	[tilespmem:s20+$0x0] =	vst v6;
	v6 =	vld.idx.msk [tilespmem:v3+s8+$0x0], $0xffff;
	v7 =	vnsel vm12, $0x0, v7  }
0x2df: {  	s7 =	sor.u32 s25, s4;
	v12 =	vld.idx.msk [tilespmem:v2+s8+$0x0], $0xffff;
	[tilespmem:s2+$0x0] =	vst v9;
	v7 =	vmin.u32 v7, $0x15  }
0x2e0: {  	vm13 =	vgt.s32 v10, $0x0;
	[tilespmem:s7+$0x0] =	vst v4;
	v4 =	vshll.u32 v7, $0x4  }
0x2e1: {  	s10 =	simm.s32 $0x1BC0;
	v7 =	vnsel vm13, $0x0, v10;
	vm14 =	vgt.s32 v11, $0x0;
	v10 =	vld.idx.msk [tilespmem:v1+s8+$0x0], $0xffff;
	v4 =	vor.u32 v0, v4  }
0x2e2: {  	s16 =	sor.u32 s13, s4;
	v9 =	vld.idx.msk [tilespmem:v8+s10+$0x0], $0xffff;
	v11 =	vnsel vm14, $0x0, v11;
	vm15 =	vgt.s32 v5, $0x0;
	v7 =	vmin.u32 v7, $0x15  }
0x2e3: {  	s17 =	sor.u32 s12, s4;
	v11 =	vmin.u32 v11, $0x15;
	v5 =	vnsel vm15, $0x0, v5;
	v7 =	vshll.u32 v7, $0x4;
	[tilespmem:s16+$0x0] =	vst v6  }
0x2e4: {  	[tilespmem:s17+$0x0] =	vst v12;
	v6 =	vshll.u32 v11, $0x4;
	v11 =	vmin.u32 v5, $0x15;
	v5 =	vor.u32 v0, v7;
	v13 =	vld.idx.msk [tilespmem:v3+s10+$0x0], $0xffff  }
0x2e5: {  	s20 =	sadd.s32 $0xFF00, s26;
	s0 =	sor.u32 s11, s4;
	v6 =	vor.u32 v0, v6;
	v7 =	vshll.u32 v11, $0x4;
	v11 =	vld.idx.msk [tilespmem:v2+s10+$0x0], $0xffff  }
0x2e6: {  	s5 =	sor.u32 s25, s20;
	[tilespmem:s0+$0x0] =	vst v10;
	v12 =	vld.idx.msk [tilespmem:v4+s15+$0x0], $0xffff  }
0x2e7: {  	v7 =	vor.u32 v0, v7;
	[tilespmem:s5+$0x0] =	vst v9;
	s5 =	simm.s32 $0x1D20;
	v10 =	vld.idx.msk [tilespmem:v1+s10+$0x0], $0xffff  }
0x2e8: {  	v9 =	vld.idx.msk [tilespmem:v8+s5+$0x0], $0xffff  }
0x2e9: {  	s7 =	sor.u32 s13, s20;
	v14 =	vld.idx.msk [tilespmem:v5+s15+$0x0], $0xffff  }
0x2ea: {  	s8 =	sor.u32 s12, s20;
	s10 =	sadd.s32 $0xB700, s23;
	[tilespmem:s7+$0x0] =	vst v13;
	v15 =	vld.idx.msk [tilespmem:v6+s15+$0x0], $0xffff  }
0x2eb: {  	s16 =	sor.u32 s21, s10;
	[tilespmem:s8+$0x0] =	vst v11;
	v11 =	vld.idx.msk [tilespmem:v3+s5+$0x0], $0xffff  }
0x2ec: {  	s4 =	sadd.s32 $0x10300, s26;
	s1 =	sor.u32 s11, s20;
	v13 =	vld.idx.msk [tilespmem:v7+s15+$0x0], $0xffff;
	[tilespmem:s16+$0x0] =	vst v12  }
0x2ed: {  	s17 =	sor.u32 s25, s4;
	[tilespmem:s1+$0x0] =	vst v10;
	v10 =	vld.idx.msk [tilespmem:v2+s5+$0x0], $0xffff  }
0x2ee: {  	s20 =	sor.u32 s28, s10;
	v12 =	vld.idx.msk [tilespmem:v4+s18+$0x0], $0xffff;
	[tilespmem:s17+$0x0] =	vst v9;
	s17 =	simm.s32 $0x1E80  }
0x2ef: {  	s2 =	sor.u32 s22, s10;
	v9 =	vld.idx.msk [tilespmem:v8+s17+$0x0], $0xffff;
	[tilespmem:s20+$0x0] =	vst v14  }
0x2f0: {  	s8 =	sor.u32 s13, s4;
	v14 =	vld.idx.msk [tilespmem:v5+s18+$0x0], $0xffff;
	[tilespmem:s2+$0x0] =	vst v15  }
0x2f1: {  	s7 =	sor.u32 s24, s10;
	[tilespmem:s8+$0x0] =	vst v11;
	v11 =	vld.idx.msk [tilespmem:v1+s5+$0x0], $0xffff  }
0x2f2: {  	s20 =	sor.u32 s12, s4;
	s2 =	sadd.s32 $0xBB00, s23;
	v15 =	vld.idx.msk [tilespmem:v6+s18+$0x0], $0xffff;
	[tilespmem:s7+$0x0] =	vst v13  }
0x2f3: {  	s1 =	sadd.s32 $0x10700, s26;
	s10 =	sor.u32 s21, s2;
	v13 =	vld.idx.msk [tilespmem:v7+s18+$0x0], $0xffff;
	[tilespmem:s20+$0x0] =	vst v10  }
0x2f4: {  	s16 =	sor.u32 s25, s1;
	v10 =	vld.idx.msk [tilespmem:v3+s17+$0x0], $0xffff;
	[tilespmem:s10+$0x0] =	vst v12  }
0x2f5: {  	s5 =	sor.u32 s28, s2;
	s20 =	simm.s32 $0x1FE0;
	v12 =	vld.idx.msk [tilespmem:v4+s19+$0x0], $0xffff;
	[tilespmem:s16+$0x0] =	vst v9  }
0x2f6: {  	s16 =	sor.u32 s22, s2;
	v9 =	vld.idx.msk [tilespmem:v8+s20+$0x0], $0xffff;
	[tilespmem:s5+$0x0] =	vst v14  }
0x2f7: {  	s5 =	sor.u32 s11, s4;
	v14 =	vld.idx.msk [tilespmem:v5+s19+$0x0], $0xffff;
	[tilespmem:s16+$0x0] =	vst v15  }
0x2f8: {  	s2 =	sor.u32 s24, s2;
	s4 =	sadd.s32 $0xBF00, s23;
	[tilespmem:s5+$0x0] =	vst v11;
	v11 =	vld.idx.msk [tilespmem:v2+s17+$0x0], $0xffff  }
0x2f9: {  	s16 =	sor.u32 s21, s4;
	v15 =	vld.idx.msk [tilespmem:v6+s19+$0x0], $0xffff;
	[tilespmem:s2+$0x0] =	vst v13;
	s2 =	sadd.s32 $0x10B00, s26  }
0x2fa: {  	v13 =	vld.idx.msk [tilespmem:v7+s19+$0x0], $0xffff;
	s5 =	sor.u32 s25, s2;
	[tilespmem:s16+$0x0] =	vst v12  }
0x2fb: {  	s16 =	sor.u32 s13, s1;
	v12 =	vld.idx.msk [tilespmem:v4+s14+$0x0], $0xffff;
	[tilespmem:s5+$0x0] =	vst v9  }
0x2fc: {  	s0 =	sor.u32 s28, s4;
	[tilespmem:s16+$0x0] =	vst v10;
	s16 =	simm.s32 $0x2140;
	v10 =	vld.idx.msk [tilespmem:v1+s17+$0x0], $0xffff  }
0x2fd: {  	s5 =	sor.u32 s22, s4;
	v9 =	vld.idx.msk [tilespmem:v8+s16+$0x0], $0xffff;
	[tilespmem:s0+$0x0] =	vst v14  }
0x2fe: {  	s17 =	sor.u32 s24, s4;
	v14 =	vld.idx.msk [tilespmem:v5+s14+$0x0], $0xffff;
	[tilespmem:s5+$0x0] =	vst v15  }
0x2ff: {  	s4 =	sadd.s32 $0xC300, s23;
	s5 =	sor.u32 s12, s1;
	v15 =	vld.idx.msk [tilespmem:v6+s14+$0x0], $0xffff;
	[tilespmem:s17+$0x0] =	vst v13  }
0x300: {  	s17 =	sor.u32 s21, s4;
	[tilespmem:s5+$0x0] =	vst v11;
	v11 =	vld.idx.msk [tilespmem:v3+s20+$0x0], $0xffff  }
0x301: {  	s0 =	sadd.s32 $0x10F00, s26;
	s1 =	sor.u32 s11, s1;
	v13 =	vld.idx.msk [tilespmem:v7+s14+$0x0], $0xffff;
	[tilespmem:s17+$0x0] =	vst v12  }
0x302: {  	s6 =	simm.s32 $0x880;
	s14 =	sor.u32 s25, s0;
	[tilespmem:s1+$0x0] =	vst v10;
	v10 =	vld.idx.msk [tilespmem:v2+s20+$0x0], $0xffff  }
0x303: {  	s17 =	sor.u32 s28, s4;
	v12 =	vld.idx.msk [tilespmem:v4+s6+$0x0], $0xffff;
	[tilespmem:s14+$0x0] =	vst v9;
	s14 =	simm.s32 $0x22A0  }
0x304: {  	s5 =	sor.u32 s22, s4;
	v9 =	vld.idx.msk [tilespmem:v8+s14+$0x0], $0xffff;
	[tilespmem:s17+$0x0] =	vst v14  }
0x305: {  	s17 =	sor.u32 s24, s4;
	v14 =	vld.idx.msk [tilespmem:v5+s6+$0x0], $0xffff;
	[tilespmem:s5+$0x0] =	vst v15  }
0x306: {  	s5 =	sor.u32 s13, s2;
	v15 =	vld.idx.msk [tilespmem:v6+s6+$0x0], $0xffff;
	[tilespmem:s17+$0x0] =	vst v13  }
0x307: {  	s4 =	sadd.s32 $0xC700, s23;
	[tilespmem:s5+$0x0] =	vst v11;
	v11 =	vld.idx.msk [tilespmem:v1+s20+$0x0], $0xffff;
	s20 =	sor.u32 s12, s2  }
0x308: {  	s1 =	sadd.s32 $0x11300, s26;
	v13 =	vld.idx.msk [tilespmem:v7+s6+$0x0], $0xffff;
	s6 =	sor.u32 s21, s4;
	[tilespmem:s20+$0x0] =	vst v10  }
0x309: {  	s9 =	simm.s32 $0x9E0;
	s17 =	sor.u32 s25, s1;
	v10 =	vld.idx.msk [tilespmem:v3+s16+$0x0], $0xffff;
	[tilespmem:s6+$0x0] =	vst v12  }
0x30a: {  	s6 =	sor.u32 s28, s4;
	v12 =	vld.idx.msk [tilespmem:v4+s9+$0x0], $0xffff;
	[tilespmem:s17+$0x0] =	vst v9;
	s17 =	simm.s32 $0x2400  }
0x30b: {  	s20 =	sor.u32 s22, s4;
	v9 =	vld.idx.msk [tilespmem:v8+s17+$0x0], $0xffff;
	[tilespmem:s6+$0x0] =	vst v14  }
0x30c: {  	s2 =	sor.u32 s11, s2;
	v14 =	vld.idx.msk [tilespmem:v5+s9+$0x0], $0xffff;
	[tilespmem:s20+$0x0] =	vst v15  }
0x30d: {  	s6 =	sor.u32 s24, s4;
	[tilespmem:s2+$0x0] =	vst v11;
	v11 =	vld.idx.msk [tilespmem:v2+s16+$0x0], $0xffff  }
0x30e: {  	s5 =	sadd.s32 $0xCB00, s23;
	v15 =	vld.idx.msk [tilespmem:v6+s9+$0x0], $0xffff;
	[tilespmem:s6+$0x0] =	vst v13;
	s6 =	sor.u32 s13, s0  }
0x30f: {  	s4 =	sadd.s32 $0x11700, s26;
	s20 =	sor.u32 s21, s5;
	v13 =	vld.idx.msk [tilespmem:v7+s9+$0x0], $0xffff;
	[tilespmem:s6+$0x0] =	vst v10  }
0x310: {  	s3 =	sor.u32 s25, s4;
	v10 =	vld.idx.msk [tilespmem:v1+s16+$0x0], $0xffff;
	[tilespmem:s20+$0x0] =	vst v12  }
0x311: {  	s9 =	sor.u32 s28, s5;
	s20 =	simm.s32 $0x2560;
	v12 =	vld.idx.msk [tilespmem:v4+s29+$0x0], $0xffff;
	[tilespmem:s3+$0x0] =	vst v9  }
0x312: {  	s16 =	sor.u32 s12, s0;
	v9 =	vld.idx.msk [tilespmem:v8+s20+$0x0], $0xffff;
	[tilespmem:s9+$0x0] =	vst v14  }
0x313: {  	s6 =	sor.u32 s22, s5;
	[tilespmem:s16+$0x0] =	vst v11;
	v11 =	vld.idx.msk [tilespmem:v3+s14+$0x0], $0xffff  }
0x314: {  	s9 =	sor.u32 s24, s5;
	v14 =	vld.idx.msk [tilespmem:v5+s29+$0x0], $0xffff;
	[tilespmem:s6+$0x0] =	vst v15  }
0x315: {  	s0 =	sor.u32 s11, s0;
	s6 =	sadd.s32 $0xCF00, s23;
	v15 =	vld.idx.msk [tilespmem:v6+s29+$0x0], $0xffff;
	[tilespmem:s9+$0x0] =	vst v13  }
0x316: {  	s3 =	sadd.s32 $0x11B00, s26;
	s9 =	sor.u32 s21, s6;
	[tilespmem:s0+$0x0] =	vst v10;
	v10 =	vld.idx.msk [tilespmem:v2+s14+$0x0], $0xffff  }
0x317: {  	s7 =	simm.s32 $0xCA0;
	s16 =	sor.u32 s25, s3;
	v13 =	vld.idx.msk [tilespmem:v7+s29+$0x0], $0xffff;
	[tilespmem:s9+$0x0] =	vst v12  }
0x318: {  	s9 =	sor.u32 s13, s1;
	v12 =	vld.idx.msk [tilespmem:v4+s7+$0x0], $0xffff;
	[tilespmem:s16+$0x0] =	vst v9  }
0x319: {  	s29 =	sor.u32 s28, s6;
	s16 =	simm.s32 $0x26C0;
	[tilespmem:s9+$0x0] =	vst v11;
	v11 =	vld.idx.msk [tilespmem:v1+s14+$0x0], $0xffff  }
0x31a: {  	s5 =	sor.u32 s22, s6;
	v9 =	vld.idx.msk [tilespmem:v8+s16+$0x0], $0xffff;
	[tilespmem:s29+$0x0] =	vst v14  }
0x31b: {  	s6 =	sor.u32 s24, s6;
	v14 =	vld.idx.msk [tilespmem:v5+s7+$0x0], $0xffff;
	[tilespmem:s5+$0x0] =	vst v15;
	s5 =	sadd.s32 $0xD300, s23  }
0x31c: {  	v15 =	vld.idx.msk [tilespmem:v6+s7+$0x0], $0xffff;
	[tilespmem:s6+$0x0] =	vst v13;
	s29 =	sor.u32 s21, s5  }
0x31d: {  	s0 =	sadd.s32 $0x11F00, s26;
	v13 =	vld.idx.msk [tilespmem:v7+s7+$0x0], $0xffff;
	s7 =	sor.u32 s12, s1;
	[tilespmem:s29+$0x0] =	vst v12  }
0x31e: {  	s8 =	simm.s32 $0xE00;
	s6 =	sor.u32 s25, s0;
	[tilespmem:s7+$0x0] =	vst v10;
	v10 =	vld.idx.msk [tilespmem:v3+s17+$0x0], $0xffff  }
0x31f: {  	s14 =	simm.s32 $0x2820;
	s9 =	sor.u32 s28, s5;
	v12 =	vld.idx.msk [tilespmem:v4+s8+$0x0], $0xffff;
	[tilespmem:s6+$0x0] =	vst v9  }
0x320: {  	s29 =	sor.u32 s22, s5;
	v9 =	vld.idx.msk [tilespmem:v8+s14+$0x0], $0xffff;
	[tilespmem:s9+$0x0] =	vst v14  }
0x321: {  	s9 =	sor.u32 s11, s1;
	v14 =	vld.idx.msk [tilespmem:v5+s8+$0x0], $0xffff;
	[tilespmem:s29+$0x0] =	vst v15  }
0x322: {  	s7 =	sor.u32 s24, s5;
	s6 =	sadd.s32 $0xD700, s23;
	[tilespmem:s9+$0x0] =	vst v11;
	v11 =	vld.idx.msk [tilespmem:v2+s17+$0x0], $0xffff  }
0x323: {  	s29 =	sor.u32 s21, s6;
	v15 =	vld.idx.msk [tilespmem:v6+s8+$0x0], $0xffff;
	[tilespmem:s7+$0x0] =	vst v13  }
0x324: {  	s1 =	sadd.s32 $0x12300, s26;
	v13 =	vld.idx.msk [tilespmem:v7+s8+$0x0], $0xffff;
	s8 =	sor.u32 s13, s4;
	[tilespmem:s29+$0x0] =	vst v12  }
0x325: {  	s10 =	simm.s32 $0xF60;
	s7 =	sor.u32 s25, s1;
	[tilespmem:s8+$0x0] =	vst v10;
	v10 =	vld.idx.msk [tilespmem:v1+s17+$0x0], $0xffff  }
0x326: {  	s9 =	sor.u32 s28, s6;
	s29 =	simm.s32 $0x2980;
	v12 =	vld.idx.msk [tilespmem:v4+s10+$0x0], $0xffff;
	[tilespmem:s7+$0x0] =	vst v9  }
0x327: {  	s7 =	sor.u32 s22, s6;
	v9 =	vld.idx.msk [tilespmem:v8+s29+$0x0], $0xffff;
	[tilespmem:s9+$0x0] =	vst v14  }
0x328: {  	s9 =	sor.u32 s12, s4;
	v14 =	vld.idx.msk [tilespmem:v5+s10+$0x0], $0xffff;
	[tilespmem:s7+$0x0] =	vst v15  }
0x329: {  	s8 =	sor.u32 s24, s6;
	[tilespmem:s9+$0x0] =	vst v11;
	v11 =	vld.idx.msk [tilespmem:v3+s20+$0x0], $0xffff  }
0x32a: {  	s6 =	sadd.s32 $0xDB00, s23;
	s4 =	sor.u32 s11, s4;
	v15 =	vld.idx.msk [tilespmem:v6+s10+$0x0], $0xffff;
	[tilespmem:s8+$0x0] =	vst v13  }
0x32b: {  	s2 =	sadd.s32 $0x12700, s26;
	v13 =	vld.idx.msk [tilespmem:v7+s10+$0x0], $0xffff;
	s10 =	sor.u32 s21, s6;
	[tilespmem:s4+$0x0] =	vst v10  }
0x32c: {  	s17 =	sor.u32 s25, s2;
	s7 =	simm.s32 $0x10C0;
	v10 =	vld.idx.msk [tilespmem:v2+s20+$0x0], $0xffff;
	[tilespmem:s10+$0x0] =	vst v12  }
0x32d: {  	s8 =	sor.u32 s28, s6;
	v12 =	vld.idx.msk [tilespmem:v4+s7+$0x0], $0xffff;
	[tilespmem:s17+$0x0] =	vst v9;
	s17 =	simm.s32 $0x2AE0  }
0x32e: {  	s4 =	sor.u32 s13, s3;
	v9 =	vld.idx.msk [tilespmem:v8+s17+$0x0], $0xffff;
	[tilespmem:s8+$0x0] =	vst v14  }
0x32f: {  	s9 =	sor.u32 s22, s6;
	[tilespmem:s4+$0x0] =	vst v11;
	v11 =	vld.idx.msk [tilespmem:v1+s20+$0x0], $0xffff  }
0x330: {  	s10 =	sor.u32 s24, s6;
	s6 =	sadd.s32 $0xDF00, s23;
	v14 =	vld.idx.msk [tilespmem:v5+s7+$0x0], $0xffff;
	[tilespmem:s9+$0x0] =	vst v15  }
0x331: {  	s8 =	simm.s32 $0x10C0;
	s4 =	sadd.s32 $0x12B00, s26;
	s9 =	sor.u32 s21, s6;
	v15 =	vld.idx.msk [tilespmem:v6+s7+$0x0], $0xffff;
	[tilespmem:s10+$0x0] =	vst v13  }
0x332: {  	s7 =	sor.u32 s25, s4;
	v13 =	vld.idx.msk [tilespmem:v7+s8+$0x0], $0xffff;
	s8 =	simm.s32 $0x1220;
	[tilespmem:s9+$0x0] =	vst v12  }
0x333: {  	s9 =	sor.u32 s12, s3;
	v12 =	vld.idx.msk [tilespmem:v4+s8+$0x0], $0xffff;
	[tilespmem:s7+$0x0] =	vst v9  }
0x334: {  	s20 =	sor.u32 s28, s6;
	[tilespmem:s9+$0x0] =	vst v10;
	s9 =	simm.s32 $0x2C40;
	v10 =	vld.idx.msk [tilespmem:v3+s16+$0x0], $0xffff  }
0x335: {  	s7 =	sor.u32 s22, s6;
	v9 =	vld.idx.msk [tilespmem:v8+s9+$0x0], $0xffff;
	[tilespmem:s20+$0x0] =	vst v14  }
0x336: {  	s20 =	sor.u32 s24, s6;
	s6 =	sor.u32 s11, s3;
	v14 =	vld.idx.msk [tilespmem:v5+s8+$0x0], $0xffff;
	[tilespmem:s7+$0x0] =	vst v15  }
0x337: {  	s7 =	sadd.s32 $0xE300, s23;
	[tilespmem:s6+$0x0] =	vst v11;
	v11 =	vld.idx.msk [tilespmem:v2+s16+$0x0], $0xffff  }
0x338: {  	s3 =	sadd.s32 $0x12F00, s26;
	v15 =	vld.idx.msk [tilespmem:v6+s8+$0x0], $0xffff;
	s8 =	simm.s32 $0x1220;
	[tilespmem:s20+$0x0] =	vst v13;
	s20 =	sor.u32 s21, s7  }
0x339: {  	s6 =	sor.u32 s25, s3;
	v13 =	vld.idx.msk [tilespmem:v7+s8+$0x0], $0xffff;
	s8 =	simm.s32 $0x1380;
	[tilespmem:s20+$0x0] =	vst v12  }
0x33a: {  	s20 =	sor.u32 s13, s0;
	v12 =	vld.idx.msk [tilespmem:v4+s8+$0x0], $0xffff;
	[tilespmem:s6+$0x0] =	vst v9  }
0x33b: {  	s5 =	sor.u32 s28, s7;
	[tilespmem:s20+$0x0] =	vst v10;
	s20 =	simm.s32 $0x2DA0;
	v9 =	vld.idx.msk [tilespmem:v1+s16+$0x0], $0xffff  }
0x33c: {  	s6 =	sor.u32 s22, s7;
	v8 =	vld.idx.msk [tilespmem:v8+s20+$0x0], $0xffff;
	[tilespmem:s5+$0x0] =	vst v14  }
0x33d: {  	s20 =	sor.u32 s24, s7;
	v10 =	vld.idx.msk [tilespmem:v5+s8+$0x0], $0xffff;
	[tilespmem:s6+$0x0] =	vst v15  }
0x33e: {  	s7 =	sadd.s32 $0xE700, s23;
	s6 =	sor.u32 s12, s0;
	v14 =	vld.idx.msk [tilespmem:v6+s8+$0x0], $0xffff;
	[tilespmem:s20+$0x0] =	vst v13  }
0x33f: {  	s16 =	simm.s32 $0x1380;
	s20 =	sor.u32 s21, s7;
	[tilespmem:s6+$0x0] =	vst v11;
	v11 =	vld.idx.msk [tilespmem:v3+s14+$0x0], $0xffff  }
0x340: {  	s5 =	sadd.s32 $0x13300, s26;
	s0 =	sor.u32 s11, s0;
	v13 =	vld.idx.msk [tilespmem:v7+s16+$0x0], $0xffff;
	[tilespmem:s20+$0x0] =	vst v12;
	s20 =	simm.s32 $0x14E0  }
0x341: {  	s16 =	sor.u32 s25, s5;
	[tilespmem:s0+$0x0] =	vst v9;
	v12 =	vld.idx.msk [tilespmem:v4+s20+$0x0], $0xffff  }
0x342: {  	s25 =	sor.u32 s28, s7;
	[tilespmem:s16+$0x0] =	vst v8;
	v8 =	vld.idx.msk [tilespmem:v2+s14+$0x0], $0xffff  }
0x343: {  	s26 =	sor.u32 s22, s7;
	v9 =	vld.idx.msk [tilespmem:v1+s14+$0x0], $0xffff;
	[tilespmem:s25+$0x0] =	vst v10  }
0x344: {  	s14 =	sor.u32 s13, s1;
	v10 =	vld.idx.msk [tilespmem:v5+s20+$0x0], $0xffff;
	[tilespmem:s26+$0x0] =	vst v14  }
0x345: {  	s7 =	sor.u32 s24, s7;
	s16 =	sadd.s32 $0xEB00, s23;
	[tilespmem:s14+$0x0] =	vst v11;
	v14 =	vld.idx.msk [tilespmem:v6+s20+$0x0], $0xffff  }
0x346: {  	s25 =	sor.u32 s21, s16;
	s20 =	simm.s32 $0x14E0;
	[tilespmem:s7+$0x0] =	vst v13;
	v11 =	vld.idx.msk [tilespmem:v3+s29+$0x0], $0xffff  }
0x347: {  	s26 =	sor.u32 s12, s1;
	v13 =	vld.idx.msk [tilespmem:v7+s20+$0x0], $0xffff;
	[tilespmem:s25+$0x0] =	vst v12  }
0x348: {  	s1 =	sor.u32 s11, s1;
	[tilespmem:s26+$0x0] =	vst v8;
	v12 =	vld.idx.msk [tilespmem:v4+s30+$0x0], $0xffff  }
0x349: {  	s6 =	sor.u32 s28, s16;
	[tilespmem:s1+$0x0] =	vst v9;
	v8 =	vld.idx.msk [tilespmem:v2+s29+$0x0], $0xffff  }
0x34a: {  	s8 =	sor.u32 s22, s16;
	v9 =	vld.idx.msk [tilespmem:v1+s29+$0x0], $0xffff;
	[tilespmem:s6+$0x0] =	vst v10  }
0x34b: {  	s14 =	sor.u32 s24, s16;
	s16 =	sor.u32 s13, s2;
	v10 =	vld.idx.msk [tilespmem:v5+s30+$0x0], $0xffff;
	[tilespmem:s8+$0x0] =	vst v14  }
0x34c: {  	s20 =	sadd.s32 $0xEF00, s23;
	[tilespmem:s16+$0x0] =	vst v11;
	v14 =	vld.idx.msk [tilespmem:v6+s30+$0x0], $0xffff  }
0x34d: {  	s25 =	sor.u32 s21, s20;
	[tilespmem:s14+$0x0] =	vst v13;
	v15 =	vld.idx.msk [tilespmem:v3+s17+$0x0], $0xffff  }
0x34e: {  	s26 =	sor.u32 s12, s2;
	v13 =	vld.idx.msk [tilespmem:v7+s30+$0x0], $0xffff;
	[tilespmem:s25+$0x0] =	vst v12  }
0x34f: {  	s29 =	sor.u32 s11, s2;
	[tilespmem:s26+$0x0] =	vst v8;
	v16 =	vld.idx.msk [tilespmem:v4+s31+$0x0], $0xffff  }
0x350: {  	s30 =	sor.u32 s28, s20;
	[tilespmem:s29+$0x0] =	vst v9;
	v8 =	vld.idx.msk [tilespmem:v2+s17+$0x0], $0xffff  }
0x351: {  	s10 =	simm.s32 $0x1900;
	s7 =	sor.u32 s13, s4;
	s2 =	sor.u32 s22, s20;
	[tilespmem:s30+$0x0] =	vst v10;
	v10 =	vld.idx.msk [tilespmem:v1+s17+$0x0], $0xffff  }
0x352: {  	s8 =	sor.u32 s12, s4;
	s4 =	sor.u32 s11, s4;
	s29 =	sor.u32 s24, s20;
	v11 =	vld.idx.msk [tilespmem:v5+s31+$0x0], $0xffff;
	[tilespmem:s2+$0x0] =	vst v14  }
0x353: {  	s16 =	sor.u32 s11, s5;
	s14 =	simm.s32 $0x4;
	s30 =	sadd.s32 $0xF300, s23;
	v12 =	vld.idx.msk [tilespmem:v6+s31+$0x0], $0xffff;
	[tilespmem:s29+$0x0] =	vst v13  }
0x354: {  	s20 =	sor.u32 s12, s3;
	s25 =	sor.u32 s11, s3;
	[tilespmem:s7+$0x0] =	vst v15;
	v13 =	vld.idx.msk [tilespmem:v7+s31+$0x0], $0xffff;
	s31 =	sor.u32 s21, s30  }
0x355: {  	s26 =	sor.u32 s13, s5;
	s12 =	sor.u32 s12, s5;
	s5 =	simm.s32 $0x80;
	v9 =	vld.idx.msk [tilespmem:v3+s9+$0x0], $0xffff;
	[tilespmem:s31+$0x0] =	vst v16  }
0x356: {  	s17 =	sor.u32 s13, s3;
	s3 =	simm.s32 $0x100;
	s2 =	sor.u32 s28, s30;
	[tilespmem:s8+$0x0] =	vst v8;
	v14 =	vld.idx.msk [tilespmem:v4+s10+$0x0], $0xffff  }
0x357: {  	s0 =	sor.u32 s22, s30;
	s1 =	sor.u32 s24, s30;
	v8 =	vmov v6;
	[tilespmem:s4+$0x0] =	vst v10;
	s4 =	simm.s32 $0x20;
	v10 =	vld.idx.msk [tilespmem:v2+s9+$0x0], $0xffff  }
.LBB2_13:
0x358: {  	[dreg:$0x8] =	wrdreg s4  }
0x359: {  	[dreg:$0x7] =	wrdreg s3  }
0x35a: {  	s3 =	rddreg [dreg:$0x7]  }
0x35b: {  	s4 =	rddreg [dreg:$0x8]  }
0x35c: {  	s3 =	sand.u32 $0x300, s3;
	s4 =	sand.u32 $0x80, s4;
	[tilespmem:s2+$0x0] =	vst v11;
	v11 =	vld.idx.msk [tilespmem:v1+s9+$0x0], $0xffff  }
0x35d: {  	s30 =	sand.u32 $0x40, s5;
	s31 =	sor.u32 s4, s3;
	[tilespmem:s0+$0x0] =	vst v12;
	v15 =	vld.idx.msk [tilespmem:v5+s10+$0x0], $0xffff  }
0x35e: {  	s14 =	sadd.s32 $0x4, s14;
	s0 =	sor.u32 $0x30, s30;
	[tilespmem:s1+$0x0] =	vst v13;
	s3 =	sadd.s32 $0x3300, s31;
	v12 =	vld.idx.msk [tilespmem:v6+s10+$0x0], $0xffff  }
0x35f: {  	[dreg:$0x5] =	wrdreg s14;
	s9 =	sadd.s32 $0xF700, s23;
	v13 =	vld.idx.msk [tilespmem:v7+s10+$0x0], $0xffff;
	[tilespmem:s17+$0x0] =	vst v9;
	s13 =	sor.u32 s0, s3  }
0x360: {  	p0 =	slt.u32 s14, $0x3C;
	s14 =	sor.u32 s21, s9;
	[tilespmem:s20+$0x0] =	vst v10;
	s6 =	sor.u32 s30, s3;
	v9 =	vld [tilespmem:s13+$0x0]  }
0x361: {  	s11 =	simm.s32 $0x1A60;
	s2 =	sor.u32 $0x10, s30;
	[tilespmem:s14+$0x0] =	vst v14;
	v10 =	vld [tilespmem:s6+$0x0]  }
0x362: {  	s7 =	sor.u32 $0x20, s30;
	s29 =	sor.u32 s2, s3;
	v14 =	vld.idx.msk [tilespmem:v4+s11+$0x0], $0xffff  }
0x363: {  	[dreg:$0x6] =	wrdreg s5;
	s8 =	sor.u32 s28, s9;
	s5 =	sor.u32 s7, s3;
	[tilespmem:s25+$0x0] =	vst v11;
	v11 =	vld [tilespmem:s29+$0x0]  }
0x364: {  	s10 =	sor.u32 s22, s9;
	[tilespmem:s8+$0x0] =	vst v15;
	v15 =	vld [tilespmem:s5+$0x0]  }
0x365: {  	s4 =	sor.u32 s24, s9;
	[tilespmem:s10+$0x0] =	vst v12;
	v12 =	vld.idx.msk [tilespmem:v5+s11+$0x0], $0xffff;
	vm0 =	vgt.s32 v9, $0x0  }
0x366: {  	s13 =	sadd.s32 $0xFB00, s23;
	[tilespmem:s4+$0x0] =	vst v13;
	v13 =	vld.idx.msk [tilespmem:v6+s11+$0x0], $0xffff;
	v9 =	vnsel vm0, $0x0, v9  }
0x367: {  	s20 =	sor.u32 s21, s13;
	s29 =	simm.s32 $0x2DA0;
	v16 =	vld.idx.msk [tilespmem:v7+s11+$0x0], $0xffff;
	vm13 =	vgt.s32 v10, $0x0;
	v9 =	vmin.u32 v9, $0x15  }
0x368: {  	s25 =	simm.s32 $0x1BC0;
	v17 =	vld.idx.msk [tilespmem:v3+s29+$0x0], $0xffff;
	[tilespmem:s20+$0x0] =	vst v14;
	v10 =	vnsel vm13, $0x0, v10;
	vm14 =	vgt.s32 v11, $0x0;
	v9 =	vshll.u32 v9, $0x4  }
0x369: {  	s14 =	sor.u32 s28, s13;
	v14 =	vld.idx.msk [tilespmem:v4+s25+$0x0], $0xffff;
	v11 =	vnsel vm14, $0x0, v11;
	vm15 =	vgt.s32 v15, $0x0;
	v9 =	vor.u32 v0, v9  }
0x36a: {  	v10 =	vmin.u32 v10, $0x15;
	v11 =	vmin.u32 v11, $0x15;
	v15 =	vnsel vm15, $0x0, v15;
	[tilespmem:s14+$0x0] =	vst v12;
	v12 =	vld.idx.msk [tilespmem:v1+s29+$0x0], $0xffff;
	v1 =	vmovc v7  }
0x36b: {  	s17 =	sor.u32 s22, s13;
	v18 =	vld.idx.msk [tilespmem:v2+s29+$0x0], $0xffff;
	v2 =	vmovc v6;
	v10 =	vshll.u32 v10, $0x4;
	v6 =	vshll.u32 v11, $0x4;
	v11 =	vmin.u32 v15, $0x15  }
0x36c: {  	s1 =	sor.u32 s24, s13;
	v3 =	vmov v5;
	[tilespmem:s17+$0x0] =	vst v13;
	v7 =	vshll.u32 v11, $0x4;
	v11 =	vld.idx.msk [tilespmem:v5+s25+$0x0], $0xffff;
	v5 =	vor.u32 v0, v10  }
0x36d: {  	s8 =	sadd.s32 $0xFF00, s23;
	[tilespmem:s1+$0x0] =	vst v16;
	v6 =	vor.u32 v0, v6;
	v10 =	vld.idx.msk [tilespmem:v8+s25+$0x0], $0xffff  }
0x36e: {  	s11 =	sor.u32 s21, s8;
	[tilespmem:s26+$0x0] =	vst v17;
	v7 =	vor.u32 v0, v7;
	v13 =	vld.idx.msk [tilespmem:v9+s15+$0x0], $0xffff  }
0x36f: {  	[tilespmem:s11+$0x0] =	vst v14;
	s11 =	simm.s32 $0x1D20;
	v15 =	vld.idx.msk [tilespmem:v1+s25+$0x0], $0xffff  }
0x370: {  	[tilespmem:s12+$0x0] =	vst v18;
	v14 =	vld.idx.msk [tilespmem:v4+s11+$0x0], $0xffff  }
0x371: {  	s9 =	sor.u32 s28, s8;
	[tilespmem:s16+$0x0] =	vst v12;
	v61 =	vld.idx.msk [tilespmem:v5+s15+$0x0], $0xffff  }
0x372: {  	s10 =	sor.u32 s22, s8;
	s12 =	sadd.s32 $0xB700, s31;
	v12 =	vld.idx.msk [tilespmem:v6+s15+$0x0], $0xffff;
	[tilespmem:s9+$0x0] =	vst v11  }
0x373: {  	[tilespmem:s10+$0x0] =	vst v10;
	v11 =	vld.idx.msk [tilespmem:v7+s15+$0x0], $0xffff;
	s15 =	sor.u32 s0, s12  }
0x374: {  	s3 =	sor.u32 s24, s8;
	s8 =	sadd.s32 $0x10300, s23;
	v10 =	vld.idx.msk [tilespmem:v3+s11+$0x0], $0xffff;
	[tilespmem:s15+$0x0] =	vst v13  }
0x375: {  	s17 =	sor.u32 s21, s8;
	[tilespmem:s3+$0x0] =	vst v15;
	v15 =	vld.idx.msk [tilespmem:v2+s11+$0x0], $0xffff  }
0x376: {  	s14 =	simm.s32 $0x1E80;
	s13 =	sor.u32 s30, s12;
	v13 =	vld.idx.msk [tilespmem:v9+s18+$0x0], $0xffff;
	[tilespmem:s17+$0x0] =	vst v14  }
0x377: {  	s16 =	sor.u32 s2, s12;
	v14 =	vld.idx.msk [tilespmem:v4+s14+$0x0], $0xffff;
	[tilespmem:s13+$0x0] =	vst v61  }
0x378: {  	s1 =	sor.u32 s7, s12;
	[tilespmem:s16+$0x0] =	vst v12;
	v16 =	vld.idx.msk [tilespmem:v5+s18+$0x0], $0xffff  }
0x379: {  	s20 =	sor.u32 s28, s8;
	s26 =	sadd.s32 $0xBB00, s31;
	v12 =	vld.idx.msk [tilespmem:v6+s18+$0x0], $0xffff;
	[tilespmem:s1+$0x0] =	vst v11  }
0x37a: {  	s6 =	sadd.s32 $0x10700, s23;
	s5 =	sor.u32 s0, s26;
	[tilespmem:s20+$0x0] =	vst v10;
	v11 =	vld.idx.msk [tilespmem:v7+s18+$0x0], $0xffff  }
0x37b: {  	s17 =	sor.u32 s21, s6;
	v10 =	vld.idx.msk [tilespmem:v1+s11+$0x0], $0xffff;
	[tilespmem:s5+$0x0] =	vst v13  }
0x37c: {  	s29 =	sor.u32 s30, s26;
	s15 =	simm.s32 $0x1FE0;
	v13 =	vld.idx.msk [tilespmem:v9+s19+$0x0], $0xffff;
	[tilespmem:s17+$0x0] =	vst v14  }
0x37d: {  	s25 =	sor.u32 s22, s8;
	v14 =	vld.idx.msk [tilespmem:v4+s15+$0x0], $0xffff;
	[tilespmem:s29+$0x0] =	vst v16  }
0x37e: {  	s9 =	sor.u32 s2, s26;
	[tilespmem:s25+$0x0] =	vst v15;
	v15 =	vld.idx.msk [tilespmem:v3+s14+$0x0], $0xffff  }
0x37f: {  	s13 =	sor.u32 s7, s26;
	[tilespmem:s9+$0x0] =	vst v12;
	v16 =	vld.idx.msk [tilespmem:v5+s19+$0x0], $0xffff  }
0x380: {  	s8 =	sor.u32 s24, s8;
	s16 =	sadd.s32 $0xBF00, s31;
	v12 =	vld.idx.msk [tilespmem:v6+s19+$0x0], $0xffff;
	[tilespmem:s13+$0x0] =	vst v11  }
0x381: {  	s20 =	sadd.s32 $0x10B00, s23;
	v11 =	vld.idx.msk [tilespmem:v7+s19+$0x0], $0xffff;
	s19 =	sor.u32 s0, s16;
	[tilespmem:s8+$0x0] =	vst v10  }
0x382: {  	s26 =	sor.u32 s21, s20;
	s29 =	simm.s32 $0x720;
	v10 =	vld.idx.msk [tilespmem:v2+s14+$0x0], $0xffff;
	[tilespmem:s19+$0x0] =	vst v13  }
0x383: {  	s18 =	sor.u32 s28, s6;
	v13 =	vld.idx.msk [tilespmem:v9+s29+$0x0], $0xffff;
	[tilespmem:s26+$0x0] =	vst v14  }
0x384: {  	s17 =	sor.u32 s30, s16;
	[tilespmem:s18+$0x0] =	vst v15;
	s18 =	simm.s32 $0x2140;
	v15 =	vld.idx.msk [tilespmem:v1+s14+$0x0], $0xffff  }
0x385: {  	s25 =	sor.u32 s2, s16;
	[tilespmem:s17+$0x0] =	vst v16;
	v14 =	vld.idx.msk [tilespmem:v4+s18+$0x0], $0xffff  }
0x386: {  	s1 =	sor.u32 s7, s16;
	[tilespmem:s25+$0x0] =	vst v12;
	v16 =	vld.idx.msk [tilespmem:v5+s29+$0x0], $0xffff  }
0x387: {  	s12 =	sor.u32 s22, s6;
	s3 =	sor.u32 s24, s6;
	s14 =	sadd.s32 $0xC300, s31;
	v12 =	vld.idx.msk [tilespmem:v6+s29+$0x0], $0xffff;
	[tilespmem:s1+$0x0] =	vst v11  }
0x388: {  	s6 =	sor.u32 s22, s20;
	s4 =	sor.u32 s24, s20;
	s19 =	sor.u32 s0, s14;
	[tilespmem:s12+$0x0] =	vst v10;
	v10 =	vld.idx.msk [tilespmem:v3+s15+$0x0], $0xffff  }
0x389: {  	s13 =	sor.u32 s28, s20;
	s20 =	sadd.s32 $0x10F00, s23;
	v11 =	vld.idx.msk [tilespmem:v7+s29+$0x0], $0xffff;
	s29 =	simm.s32 $0x880;
	[tilespmem:s19+$0x0] =	vst v13  }
0x38a: {  	s26 =	sor.u32 s21, s20;
	v13 =	vld.idx.msk [tilespmem:v9+s29+$0x0], $0xffff;
	[tilespmem:s3+$0x0] =	vst v15  }
0x38b: {  	s17 =	sor.u32 s30, s14;
	s19 =	simm.s32 $0x22A0;
	v15 =	vld.idx.msk [tilespmem:v2+s15+$0x0], $0xffff;
	[tilespmem:s26+$0x0] =	vst v14  }
0x38c: {  	s25 =	sor.u32 s2, s14;
	[tilespmem:s17+$0x0] =	vst v16;
	v14 =	vld.idx.msk [tilespmem:v4+s19+$0x0], $0xffff  }
0x38d: {  	s5 =	sor.u32 s7, s14;
	[tilespmem:s25+$0x0] =	vst v12;
	v16 =	vld.idx.msk [tilespmem:v5+s29+$0x0], $0xffff  }
0x38e: {  	s12 =	sadd.s32 $0xC700, s31;
	v12 =	vld.idx.msk [tilespmem:v6+s29+$0x0], $0xffff;
	[tilespmem:s5+$0x0] =	vst v11  }
0x38f: {  	s16 =	sadd.s32 $0x11300, s23;
	s14 =	sor.u32 s0, s12;
	[tilespmem:s13+$0x0] =	vst v10;
	v11 =	vld.idx.msk [tilespmem:v7+s29+$0x0], $0xffff  }
0x390: {  	s26 =	sor.u32 s21, s16;
	v10 =	vld.idx.msk [tilespmem:v1+s15+$0x0], $0xffff;
	s29 =	simm.s32 $0x9E0;
	[tilespmem:s14+$0x0] =	vst v13  }
0x391: {  	s9 =	sor.u32 s30, s12;
	s25 =	simm.s32 $0x2400;
	v13 =	vld.idx.msk [tilespmem:v9+s29+$0x0], $0xffff;
	[tilespmem:s26+$0x0] =	vst v14  }
0x392: {  	[tilespmem:s9+$0x0] =	vst v16;
	v14 =	vld.idx.msk [tilespmem:v4+s25+$0x0], $0xffff  }
0x393: {  	s11 =	sor.u32 s28, s20;
	s17 =	sor.u32 s2, s12;
	[tilespmem:s6+$0x0] =	vst v15;
	v15 =	vld.idx.msk [tilespmem:v3+s18+$0x0], $0xffff  }
0x394: {  	s10 =	sor.u32 s22, s20;
	s1 =	sor.u32 s24, s20;
	s20 =	sor.u32 s7, s12;
	[tilespmem:s17+$0x0] =	vst v12;
	v16 =	vld.idx.msk [tilespmem:v5+s29+$0x0], $0xffff  }
0x395: {  	s8 =	sor.u32 s28, s16;
	s3 =	sor.u32 s24, s16;
	s13 =	sadd.s32 $0xCB00, s31;
	v12 =	vld.idx.msk [tilespmem:v6+s29+$0x0], $0xffff;
	[tilespmem:s20+$0x0] =	vst v11  }
0x396: {  	s5 =	sor.u32 s22, s16;
	s16 =	sadd.s32 $0x11700, s23;
	s15 =	sor.u32 s0, s13;
	v11 =	vld.idx.msk [tilespmem:v7+s29+$0x0], $0xffff;
	[tilespmem:s4+$0x0] =	vst v10  }
0x397: {  	s26 =	sor.u32 s21, s16;
	v10 =	vld.idx.msk [tilespmem:v2+s18+$0x0], $0xffff;
	s29 =	simm.s32 $0xB40;
	[tilespmem:s15+$0x0] =	vst v13  }
0x398: {  	v13 =	vld.idx.msk [tilespmem:v9+s29+$0x0], $0xffff;
	[tilespmem:s26+$0x0] =	vst v14  }
0x399: {  	s14 =	sor.u32 s30, s13;
	[tilespmem:s11+$0x0] =	vst v15;
	s26 =	simm.s32 $0x2560;
	v15 =	vld.idx.msk [tilespmem:v1+s18+$0x0], $0xffff  }
0x39a: {  	s17 =	sor.u32 s2, s13;
	[tilespmem:s14+$0x0] =	vst v16;
	v14 =	vld.idx.msk [tilespmem:v4+s26+$0x0], $0xffff  }
0x39b: {  	s20 =	sor.u32 s7, s13;
	[tilespmem:s17+$0x0] =	vst v12;
	v16 =	vld.idx.msk [tilespmem:v5+s29+$0x0], $0xffff  }
0x39c: {  	s14 =	sadd.s32 $0xCF00, s31;
	v12 =	vld.idx.msk [tilespmem:v6+s29+$0x0], $0xffff;
	[tilespmem:s20+$0x0] =	vst v11  }
0x39d: {  	s15 =	sor.u32 s0, s14;
	[tilespmem:s10+$0x0] =	vst v10;
	v10 =	vld.idx.msk [tilespmem:v3+s19+$0x0], $0xffff  }
0x39e: {  	s17 =	sadd.s32 $0x11B00, s23;
	s20 =	simm.s32 $0xCA0;
	v11 =	vld.idx.msk [tilespmem:v7+s29+$0x0], $0xffff;
	[tilespmem:s15+$0x0] =	vst v13  }
0x39f: {  	s18 =	sor.u32 s21, s17;
	v13 =	vld.idx.msk [tilespmem:v9+s20+$0x0], $0xffff;
	[tilespmem:s1+$0x0] =	vst v15  }
0x3a0: {  	s6 =	sor.u32 s22, s16;
	s12 =	sor.u32 s30, s14;
	s29 =	simm.s32 $0x26C0;
	v15 =	vld.idx.msk [tilespmem:v2+s19+$0x0], $0xffff;
	[tilespmem:s18+$0x0] =	vst v14  }
0x3a1: {  	s9 =	sor.u32 s28, s16;
	s4 =	sor.u32 s24, s16;
	s16 =	sor.u32 s2, s14;
	[tilespmem:s12+$0x0] =	vst v16;
	v14 =	vld.idx.msk [tilespmem:v4+s29+$0x0], $0xffff  }
0x3a2: {  	s11 =	sor.u32 s7, s14;
	[tilespmem:s16+$0x0] =	vst v12;
	v16 =	vld.idx.msk [tilespmem:v5+s20+$0x0], $0xffff  }
0x3a3: {  	s12 =	sadd.s32 $0xD300, s31;
	v12 =	vld.idx.msk [tilespmem:v6+s20+$0x0], $0xffff;
	[tilespmem:s11+$0x0] =	vst v11  }
0x3a4: {  	s18 =	sadd.s32 $0x11F00, s23;
	s14 =	sor.u32 s0, s12;
	[tilespmem:s8+$0x0] =	vst v10;
	v11 =	vld.idx.msk [tilespmem:v7+s20+$0x0], $0xffff  }
0x3a5: {  	v10 =	vld.idx.msk [tilespmem:v1+s19+$0x0], $0xffff;
	s19 =	sor.u32 s21, s18;
	s20 =	simm.s32 $0xE00;
	[tilespmem:s14+$0x0] =	vst v13  }
0x3a6: {  	s1 =	simm.s32 $0x2820;
	s11 =	sor.u32 s30, s12;
	v13 =	vld.idx.msk [tilespmem:v9+s20+$0x0], $0xffff;
	[tilespmem:s19+$0x0] =	vst v14  }
0x3a7: {  	[tilespmem:s11+$0x0] =	vst v16;
	v14 =	vld.idx.msk [tilespmem:v4+s1+$0x0], $0xffff  }
0x3a8: {  	s13 =	sor.u32 s22, s17;
	s16 =	sor.u32 s2, s12;
	[tilespmem:s5+$0x0] =	vst v15;
	v15 =	vld.idx.msk [tilespmem:v3+s25+$0x0], $0xffff  }
0x3a9: {  	s10 =	sor.u32 s24, s17;
	s15 =	sor.u32 s28, s17;
	s17 =	sor.u32 s7, s12;
	[tilespmem:s16+$0x0] =	vst v12;
	v16 =	vld.idx.msk [tilespmem:v5+s20+$0x0], $0xffff  }
0x3aa: {  	s11 =	sadd.s32 $0xD700, s31;
	v12 =	vld.idx.msk [tilespmem:v6+s20+$0x0], $0xffff;
	[tilespmem:s17+$0x0] =	vst v11  }
0x3ab: {  	s29 =	sor.u32 s22, s18;
	s19 =	sadd.s32 $0x12300, s23;
	s16 =	sor.u32 s0, s11;
	v11 =	vld.idx.msk [tilespmem:v7+s20+$0x0], $0xffff;
	[tilespmem:s3+$0x0] =	vst v10  }
0x3ac: {  	[dreg:$0x12] =	wrdreg s29;
	s29 =	simm.s32 $0xF60;
	v10 =	vld.idx.msk [tilespmem:v2+s25+$0x0], $0xffff;
	s20 =	sor.u32 s21, s19;
	[tilespmem:s16+$0x0] =	vst v13  }
0x3ad: {  	s8 =	sor.u32 s24, s18;
	v13 =	vld.idx.msk [tilespmem:v9+s29+$0x0], $0xffff;
	[tilespmem:s20+$0x0] =	vst v14  }
0x3ae: {  	[dreg:$0xd] =	wrdreg s8;
	s14 =	sor.u32 s30, s11;
	s8 =	sor.u32 s24, s19;
	[tilespmem:s9+$0x0] =	vst v15  }
0x3af: {  	s17 =	sor.u32 s2, s11;
	[dreg:$0xe] =	wrdreg s8;
	s8 =	simm.s32 $0x2980;
	[tilespmem:s14+$0x0] =	vst v16;
	v15 =	vld.idx.msk [tilespmem:v1+s25+$0x0], $0xffff  }
0x3b0: {  	s12 =	sor.u32 s28, s18;
	s18 =	sor.u32 s7, s11;
	[tilespmem:s17+$0x0] =	vst v12;
	v14 =	vld.idx.msk [tilespmem:v4+s8+$0x0], $0xffff  }
0x3b1: {  	s14 =	sadd.s32 $0xDB00, s31;
	v16 =	vld.idx.msk [tilespmem:v5+s29+$0x0], $0xffff;
	[tilespmem:s18+$0x0] =	vst v11  }
0x3b2: {  	v12 =	vld.idx.msk [tilespmem:v6+s29+$0x0], $0xffff;
	s17 =	sor.u32 s0, s14;
	[tilespmem:s6+$0x0] =	vst v10  }
0x3b3: {  	s18 =	sadd.s32 $0x12700, s23;
	v11 =	vld.idx.msk [tilespmem:v7+s29+$0x0], $0xffff;
	[tilespmem:s17+$0x0] =	vst v13  }
0x3b4: {  	s3 =	simm.s32 $0x10C0;
	v10 =	vld.idx.msk [tilespmem:v3+s26+$0x0], $0xffff;
	s29 =	sor.u32 s21, s18;
	[tilespmem:s4+$0x0] =	vst v15  }
0x3b5: {  	s5 =	sor.u32 s28, s19;
	s16 =	sor.u32 s30, s14;
	v13 =	vld.idx.msk [tilespmem:v9+s3+$0x0], $0xffff;
	[tilespmem:s29+$0x0] =	vst v14  }
0x3b6: {  	s11 =	sor.u32 s22, s19;
	s19 =	sor.u32 s2, s14;
	v15 =	vld.idx.msk [tilespmem:v2+s26+$0x0], $0xffff;
	s29 =	simm.s32 $0x2AE0;
	[tilespmem:s16+$0x0] =	vst v16  }
0x3b7: {  	s20 =	sor.u32 s7, s14;
	[tilespmem:s19+$0x0] =	vst v12;
	v14 =	vld.idx.msk [tilespmem:v4+s29+$0x0], $0xffff  }
0x3b8: {  	s14 =	sor.u32 s28, s18;
	s17 =	sadd.s32 $0xDF00, s31;
	v16 =	vld.idx.msk [tilespmem:v5+s3+$0x0], $0xffff;
	[tilespmem:s20+$0x0] =	vst v11  }
0x3b9: {  	s6 =	sor.u32 s22, s18;
	s9 =	sor.u32 s24, s18;
	s18 =	sor.u32 s0, s17;
	v12 =	vld.idx.msk [tilespmem:v6+s3+$0x0], $0xffff;
	[tilespmem:s15+$0x0] =	vst v10  }
0x3ba: {  	s19 =	sadd.s32 $0x12B00, s23;
	v11 =	vld.idx.msk [tilespmem:v7+s3+$0x0], $0xffff;
	[tilespmem:s18+$0x0] =	vst v13  }
0x3bb: {  	s25 =	sor.u32 s2, s17;
	v10 =	vld.idx.msk [tilespmem:v1+s26+$0x0], $0xffff;
	s26 =	sor.u32 s21, s19;
	s3 =	simm.s32 $0x1220;
	[tilespmem:s13+$0x0] =	vst v15  }
0x3bc: {  	s16 =	sor.u32 s30, s17;
	s20 =	sor.u32 s7, s17;
	s17 =	simm.s32 $0x2C40;
	v13 =	vld.idx.msk [tilespmem:v9+s3+$0x0], $0xffff;
	[tilespmem:s26+$0x0] =	vst v14  }
0x3bd: {  	[tilespmem:s16+$0x0] =	vst v16;
	v14 =	vld.idx.msk [tilespmem:v4+s17+$0x0], $0xffff  }
0x3be: {  	[tilespmem:s25+$0x0] =	vst v12;
	v16 =	vld.idx.msk [tilespmem:v5+s3+$0x0], $0xffff  }
0x3bf: {  	s17 =	simm.s32 $0x26C0;
	v12 =	vld.idx.msk [tilespmem:v6+s3+$0x0], $0xffff  }
0x3c0: {  	s26 =	sadd.s32 $0xE300, s31;
	[tilespmem:s20+$0x0] =	vst v11;
	v15 =	vld.idx.msk [tilespmem:v3+s17+$0x0], $0xffff  }
0x3c1: {  	s15 =	sor.u32 s28, s19;
	s25 =	sadd.s32 $0x12F00, s23;
	v11 =	vld.idx.msk [tilespmem:v7+s3+$0x0], $0xffff;
	s3 =	sor.u32 s0, s26;
	[tilespmem:s10+$0x0] =	vst v10  }
0x3c2: {  	s4 =	sor.u32 s22, s19;
	s16 =	sor.u32 s21, s25;
	s20 =	simm.s32 $0x1380;
	v10 =	vld.idx.msk [tilespmem:v2+s17+$0x0], $0xffff;
	[tilespmem:s3+$0x0] =	vst v13  }
0x3c3: {  	s18 =	sor.u32 s24, s19;
	s19 =	sor.u32 s30, s26;
	v13 =	vld.idx.msk [tilespmem:v9+s20+$0x0], $0xffff;
	[tilespmem:s16+$0x0] =	vst v14;
	s16 =	simm.s32 $0x2DA0  }
0x3c4: {  	s13 =	sor.u32 s7, s26;
	s10 =	sor.u32 s2, s26;
	s26 =	simm.s32 $0x26C0;
	[tilespmem:s19+$0x0] =	vst v16;
	v14 =	vld.idx.msk [tilespmem:v4+s16+$0x0], $0xffff  }
0x3c5: {  	[tilespmem:s10+$0x0] =	vst v12;
	v4 =	vmov v9;
	v9 =	vld.idx.msk [tilespmem:v1+s26+$0x0], $0xffff  }
0x3c6: {  	s17 =	sor.u32 s22, s25;
	[tilespmem:s12+$0x0] =	vst v15;
	v12 =	vld.idx.msk [tilespmem:v6+s20+$0x0], $0xffff  }
0x3c7: {  	s3 =	sor.u32 s28, s25;
	s25 =	sor.u32 s24, s25;
	s12 =	sadd.s32 $0xE700, s31;
	[tilespmem:s13+$0x0] =	vst v11;
	v15 =	vld.idx.msk [tilespmem:v5+s20+$0x0], $0xffff  }
0x3c8: {  	s16 =	sadd.s32 $0x13300, s23;
	s13 =	sor.u32 s30, s12;
	v11 =	vld.idx.msk [tilespmem:v7+s20+$0x0], $0xffff;
	s20 =	rddreg [dreg:$0x12]  }
0x3c9: {  	s26 =	sor.u32 s0, s12;
	s19 =	sor.u32 s2, s12;
	s10 =	sor.u32 s7, s12;
	[tilespmem:s20+$0x0] =	vst v10  }
0x3ca: {  	s23 =	sor.u32 s21, s16;
	s12 =	sor.u32 s22, s16;
	v10 =	vld.idx.msk [tilespmem:v3+s1+$0x0], $0xffff;
	s20 =	simm.s32 $0x14E0;
	[tilespmem:s26+$0x0] =	vst v13  }
0x3cb: {  	s26 =	sor.u32 s28, s16;
	s16 =	sor.u32 s24, s16;
	s24 =	rddreg [dreg:$0xd];
	v13 =	vld.idx.msk [tilespmem:v4+s20+$0x0], $0xffff;
	[tilespmem:s23+$0x0] =	vst v14  }
0x3cc: {  	[tilespmem:s24+$0x0] =	vst v9  }
0x3cd: {  	v14 =	vld.idx.msk [tilespmem:v2+s1+$0x0], $0xffff;
	[tilespmem:s19+$0x0] =	vst v12  }
0x3ce: {  	s23 =	smov.u32 s31;
	[tilespmem:s13+$0x0] =	vst v15;
	v9 =	vld.idx.msk [tilespmem:v1+s1+$0x0], $0xffff  }
0x3cf: {  	s21 =	smov.u32 s0;
	s24 =	smov.u32 s7;
	s7 =	sadd.s32 $0xEB00, s23;
	v12 =	vld.idx.msk [tilespmem:v6+s20+$0x0], $0xffff;
	[tilespmem:s10+$0x0] =	vst v11  }
0x3d0: {  	v15 =	vld.idx.msk [tilespmem:v5+s20+$0x0], $0xffff;
	s10 =	sor.u32 s21, s7;
	[tilespmem:s5+$0x0] =	vst v10  }
0x3d1: {  	s22 =	smov.u32 s2;
	v11 =	vld.idx.msk [tilespmem:v7+s20+$0x0], $0xffff;
	[tilespmem:s10+$0x0] =	vst v13  }
0x3d2: {  	s28 =	smov.u32 s30;
	s30 =	simm.s32 $0x1640;
	s13 =	rddreg [dreg:$0xe];
	v10 =	vld.idx.msk [tilespmem:v3+s8+$0x0], $0xffff;
	[tilespmem:s11+$0x0] =	vst v14  }
0x3d3: {  	s2 =	sor.u32 s22, s7;
	v13 =	vld.idx.msk [tilespmem:v4+s30+$0x0], $0xffff;
	[tilespmem:s13+$0x0] =	vst v9  }
0x3d4: {  	s1 =	sor.u32 s28, s7;
	v14 =	vld.idx.msk [tilespmem:v2+s8+$0x0], $0xffff;
	[tilespmem:s2+$0x0] =	vst v12  }
0x3d5: {  	s0 =	sor.u32 s24, s7;
	[tilespmem:s1+$0x0] =	vst v15;
	v9 =	vld.idx.msk [tilespmem:v1+s8+$0x0], $0xffff  }
0x3d6: {  	s20 =	smov.u32 s17;
	s17 =	smov.u32 s3;
	s3 =	sadd.s32 $0xEF00, s23;
	v12 =	vld.idx.msk [tilespmem:v6+s30+$0x0], $0xffff;
	[tilespmem:s0+$0x0] =	vst v11  }
0x3d7: {  	s8 =	sor.u32 s21, s3;
	v15 =	vld.idx.msk [tilespmem:v5+s30+$0x0], $0xffff;
	[tilespmem:s14+$0x0] =	vst v10  }
0x3d8: {  	v62 =	vld.idx.msk [tilespmem:v7+s30+$0x0], $0xffff;
	[tilespmem:s8+$0x0] =	vst v13  }
0x3d9: {  	s31 =	simm.s32 $0x17A0;
	v10 =	vld.idx.msk [tilespmem:v3+s29+$0x0], $0xffff;
	[tilespmem:s6+$0x0] =	vst v14  }
0x3da: {  	s7 =	sor.u32 s22, s3;
	v63 =	vld.idx.msk [tilespmem:v4+s31+$0x0], $0xffff;
	[tilespmem:s9+$0x0] =	vst v9  }
0x3db: {  	s5 =	sor.u32 s28, s3;
	v18 =	vld.idx.msk [tilespmem:v2+s29+$0x0], $0xffff;
	[tilespmem:s7+$0x0] =	vst v12  }
0x3dc: {  	s19 =	simm.s32 $0x5C0;
	[tilespmem:s5+$0x0] =	vst v15;
	v15 =	vld.idx.msk [tilespmem:v1+s29+$0x0], $0xffff  }
0x3dd: {  	s10 =	simm.s32 $0x1900;
	s11 =	sadd.s32 $0xF300, s23;
	s1 =	sor.u32 s24, s3;
	v12 =	vld.idx.msk [tilespmem:v6+s31+$0x0], $0xffff  }
.Ltmp8:
0x3de: {  	s2 =	sor.u32 s28, s11;
	s14 =	rddreg [dreg:$0x5];
	[tilespmem:s1+$0x0] =	vst v62;
	v11 =	vld.idx.msk [tilespmem:v5+s31+$0x0], $0xffff;
	(pc) =	sbr.rel @p0 .LBB2_13-.Ltmp8, $4  }
0x3df: {  	s13 =	sor.u32 s21, s11;
	s30 =	rddreg [dreg:$0x6];
	s9 =	simm.s32 $0x2C40;
	v13 =	vld.idx.msk [tilespmem:v7+s31+$0x0], $0xffff;
	[tilespmem:s15+$0x0] =	vst v10  }
0x3e0: {  	s0 =	sor.u32 s22, s11;
	s1 =	sor.u32 s24, s11;
	s29 =	rddreg [dreg:$0x7];
	v9 =	vld.idx.msk [tilespmem:v3+s9+$0x0], $0xffff;
	[tilespmem:s13+$0x0] =	vst v63  }
0x3e1: {  	s5 =	sadd.s32 $0x40, s30;
	s15 =	simm.s32 $0x300;
	s31 =	rddreg [dreg:$0x8];
	[tilespmem:s4+$0x0] =	vst v18;
	v14 =	vld.idx.msk [tilespmem:v4+s10+$0x0], $0xffff  }
0x3e2: {  	v8 =	vmov v6;
	s3 =	sadd.s32 $0x80, s29;
	s4 =	sadd.s32 $0x10, s31;
	v10 =	vld.idx.msk [tilespmem:v2+s9+$0x0], $0xffff;
	[tilespmem:s18+$0x0] =	vst v15;
	s18 =	simm.s32 $0x460  }
0x3e3: {  	_ =	sdelay $0x2  }
0x3e4: {  	[tilespmem:s2+$0x0] =	vst v11  }
0x3e5: {  	v11 =	vld.idx.msk [tilespmem:v5+s10+$0x0], $0xffff  }
0x3e6: {  	[tilespmem:s0+$0x0] =	vst v12;
	s3 =	sadd.s32 $0xF700, s23  }
0x3e7: {  	v12 =	vld.idx.msk [tilespmem:v6+s10+$0x0], $0xffff;
	[tilespmem:s1+$0x0] =	vst v13;
	s4 =	sor.u32 s21, s3  }
0x3e8: {  	s7 =	simm.s32 $0x1A60;
	v13 =	vld.idx.msk [tilespmem:v7+s10+$0x0], $0xffff;
	[tilespmem:s4+$0x0] =	vst v14  }
0x3e9: {  	s5 =	sor.u32 s28, s3;
	v48 =	vld.idx.msk [tilespmem:v4+s7+$0x0], $0xffff  }
0x3ea: {  	[tilespmem:s5+$0x0] =	vst v11  }
0x3eb: {  	s6 =	sor.u32 s22, s3;
	v49 =	vld.idx.msk [tilespmem:v5+s7+$0x0], $0xffff  }
0x3ec: {  	s8 =	sadd.s32 $0xFB00, s23;
	s0 =	sor.u32 s24, s3;
	[tilespmem:s6+$0x0] =	vst v12  }
0x3ed: {  	s11 =	sor.u32 s21, s8;
	[tilespmem:s0+$0x0] =	vst v13;
	v50 =	vld.idx.msk [tilespmem:v6+s7+$0x0], $0xffff  }
0x3ee: {  	s29 =	simm.s32 $0x1BC0;
	v51 =	vld.idx.msk [tilespmem:v7+s7+$0x0], $0xffff;
	[tilespmem:s11+$0x0] =	vst v48  }
0x3ef: {  	s13 =	sor.u32 s28, s8;
	v11 =	vld.idx.msk [tilespmem:v4+s29+$0x0], $0xffff  }
0x3f0: {  	[tilespmem:s13+$0x0] =	vst v49  }
0x3f1: {  	s14 =	sor.u32 s22, s8;
	v12 =	vld.idx.msk [tilespmem:v5+s29+$0x0], $0xffff  }
0x3f2: {  	s30 =	sadd.s32 $0xFF00, s23;
	s0 =	sor.u32 s24, s8;
	[tilespmem:s14+$0x0] =	vst v50  }
0x3f3: {  	s31 =	sor.u32 s21, s30;
	v8 =	vld.idx.msk [tilespmem:v8+s29+$0x0], $0xffff;
	[tilespmem:s0+$0x0] =	vst v51  }
0x3f4: {  	s4 =	simm.s32 $0x1D20;
	v52 =	vld.idx.msk [tilespmem:v7+s29+$0x0], $0xffff;
	[tilespmem:s31+$0x0] =	vst v11  }
0x3f5: {  	s2 =	sor.u32 s28, s30;
	v11 =	vld.idx.msk [tilespmem:v4+s4+$0x0], $0xffff  }
0x3f6: {  	[tilespmem:s2+$0x0] =	vst v12  }
0x3f7: {  	s3 =	sor.u32 s22, s30;
	v53 =	vld.idx.msk [tilespmem:v5+s4+$0x0], $0xffff  }
0x3f8: {  	s5 =	sadd.s32 $0x10300, s23;
	s0 =	sor.u32 s24, s30;
	[tilespmem:s3+$0x0] =	vst v8  }
0x3f9: {  	s6 =	sor.u32 s21, s5;
	[tilespmem:s0+$0x0] =	vst v52;
	v54 =	vld.idx.msk [tilespmem:v6+s4+$0x0], $0xffff  }
0x3fa: {  	s11 =	simm.s32 $0x1E80;
	v13 =	vld.idx.msk [tilespmem:v7+s4+$0x0], $0xffff;
	[tilespmem:s6+$0x0] =	vst v11  }
0x3fb: {  	s7 =	sor.u32 s28, s5;
	v55 =	vld.idx.msk [tilespmem:v4+s11+$0x0], $0xffff  }
0x3fc: {  	[tilespmem:s7+$0x0] =	vst v53  }
0x3fd: {  	s8 =	sor.u32 s22, s5;
	v56 =	vld.idx.msk [tilespmem:v5+s11+$0x0], $0xffff  }
0x3fe: {  	s13 =	sadd.s32 $0x10700, s23;
	s0 =	sor.u32 s24, s5;
	[tilespmem:s8+$0x0] =	vst v54  }
0x3ff: {  	s14 =	sor.u32 s21, s13;
	[tilespmem:s0+$0x0] =	vst v13;
	v12 =	vld.idx.msk [tilespmem:v6+s11+$0x0], $0xffff  }
0x400: {  	s31 =	simm.s32 $0x1FE0;
	v13 =	vld.idx.msk [tilespmem:v7+s11+$0x0], $0xffff;
	[tilespmem:s14+$0x0] =	vst v55  }
0x401: {  	s29 =	sor.u32 s28, s13;
	v8 =	vld.idx.msk [tilespmem:v4+s31+$0x0], $0xffff  }
0x402: {  	[tilespmem:s29+$0x0] =	vst v56  }
0x403: {  	s30 =	sor.u32 s22, s13;
	v11 =	vld.idx.msk [tilespmem:v5+s31+$0x0], $0xffff  }
0x404: {  	s3 =	sadd.s32 $0x10B00, s23;
	s0 =	sor.u32 s24, s13;
	[tilespmem:s30+$0x0] =	vst v12  }
0x405: {  	s4 =	sor.u32 s21, s3;
	[tilespmem:s0+$0x0] =	vst v13;
	v12 =	vld.idx.msk [tilespmem:v6+s31+$0x0], $0xffff  }
0x406: {  	s7 =	simm.s32 $0x2140;
	v13 =	vld.idx.msk [tilespmem:v7+s31+$0x0], $0xffff;
	[tilespmem:s4+$0x0] =	vst v8  }
0x407: {  	s5 =	sor.u32 s28, s3;
	v8 =	vld.idx.msk [tilespmem:v4+s7+$0x0], $0xffff  }
0x408: {  	[tilespmem:s5+$0x0] =	vst v11  }
0x409: {  	s6 =	sor.u32 s22, s3;
	v11 =	vld.idx.msk [tilespmem:v5+s7+$0x0], $0xffff  }
0x40a: {  	s8 =	sadd.s32 $0x10F00, s23;
	s0 =	sor.u32 s24, s3;
	[tilespmem:s6+$0x0] =	vst v12  }
0x40b: {  	s11 =	sor.u32 s21, s8;
	[tilespmem:s0+$0x0] =	vst v13;
	v12 =	vld.idx.msk [tilespmem:v6+s7+$0x0], $0xffff  }
0x40c: {  	s29 =	simm.s32 $0x22A0;
	v13 =	vld.idx.msk [tilespmem:v7+s7+$0x0], $0xffff;
	[tilespmem:s11+$0x0] =	vst v8  }
0x40d: {  	s13 =	sor.u32 s28, s8;
	v8 =	vld.idx.msk [tilespmem:v4+s29+$0x0], $0xffff  }
0x40e: {  	[tilespmem:s13+$0x0] =	vst v11  }
0x40f: {  	s14 =	sor.u32 s22, s8;
	v11 =	vld.idx.msk [tilespmem:v5+s29+$0x0], $0xffff  }
0x410: {  	s30 =	sadd.s32 $0x11300, s23;
	s0 =	sor.u32 s24, s8;
	[tilespmem:s14+$0x0] =	vst v12  }
0x411: {  	s31 =	sor.u32 s21, s30;
	[tilespmem:s0+$0x0] =	vst v13;
	v12 =	vld.idx.msk [tilespmem:v6+s29+$0x0], $0xffff  }
0x412: {  	s4 =	simm.s32 $0x2400;
	v13 =	vld.idx.msk [tilespmem:v7+s29+$0x0], $0xffff;
	[tilespmem:s31+$0x0] =	vst v8  }
0x413: {  	s2 =	sor.u32 s28, s30;
	v8 =	vld.idx.msk [tilespmem:v4+s4+$0x0], $0xffff  }
0x414: {  	[tilespmem:s2+$0x0] =	vst v11  }
0x415: {  	s3 =	sor.u32 s22, s30;
	v11 =	vld.idx.msk [tilespmem:v5+s4+$0x0], $0xffff  }
0x416: {  	s5 =	sadd.s32 $0x11700, s23;
	s0 =	sor.u32 s24, s30;
	[tilespmem:s3+$0x0] =	vst v12  }
0x417: {  	s6 =	sor.u32 s21, s5;
	[tilespmem:s0+$0x0] =	vst v13;
	v12 =	vld.idx.msk [tilespmem:v6+s4+$0x0], $0xffff  }
0x418: {  	s11 =	simm.s32 $0x2560;
	v13 =	vld.idx.msk [tilespmem:v7+s4+$0x0], $0xffff;
	[tilespmem:s6+$0x0] =	vst v8  }
0x419: {  	s7 =	sor.u32 s28, s5;
	v8 =	vld.idx.msk [tilespmem:v4+s11+$0x0], $0xffff  }
0x41a: {  	[tilespmem:s7+$0x0] =	vst v11  }
0x41b: {  	s8 =	sor.u32 s22, s5;
	v11 =	vld.idx.msk [tilespmem:v5+s11+$0x0], $0xffff  }
0x41c: {  	s13 =	sadd.s32 $0x11B00, s23;
	s0 =	sor.u32 s24, s5;
	[tilespmem:s8+$0x0] =	vst v12  }
0x41d: {  	s14 =	sor.u32 s21, s13;
	[tilespmem:s0+$0x0] =	vst v13;
	v12 =	vld.idx.msk [tilespmem:v6+s11+$0x0], $0xffff  }
0x41e: {  	s31 =	simm.s32 $0x26C0;
	v13 =	vld.idx.msk [tilespmem:v7+s11+$0x0], $0xffff;
	[tilespmem:s14+$0x0] =	vst v8  }
0x41f: {  	s29 =	sor.u32 s28, s13;
	v8 =	vld.idx.msk [tilespmem:v4+s31+$0x0], $0xffff  }
0x420: {  	[tilespmem:s29+$0x0] =	vst v11  }
0x421: {  	s30 =	sor.u32 s22, s13;
	v11 =	vld.idx.msk [tilespmem:v5+s31+$0x0], $0xffff  }
0x422: {  	s3 =	sadd.s32 $0x11F00, s23;
	s0 =	sor.u32 s24, s13;
	[tilespmem:s30+$0x0] =	vst v12  }
0x423: {  	s4 =	sor.u32 s21, s3;
	[tilespmem:s0+$0x0] =	vst v13;
	v12 =	vld.idx.msk [tilespmem:v6+s31+$0x0], $0xffff  }
0x424: {  	s7 =	simm.s32 $0x2820;
	v13 =	vld.idx.msk [tilespmem:v7+s31+$0x0], $0xffff;
	[tilespmem:s4+$0x0] =	vst v8  }
0x425: {  	s5 =	sor.u32 s28, s3;
	v8 =	vld.idx.msk [tilespmem:v4+s7+$0x0], $0xffff  }
0x426: {  	[tilespmem:s5+$0x0] =	vst v11  }
0x427: {  	s6 =	sor.u32 s22, s3;
	v11 =	vld.idx.msk [tilespmem:v5+s7+$0x0], $0xffff  }
0x428: {  	s8 =	sadd.s32 $0x12300, s23;
	s0 =	sor.u32 s24, s3;
	[tilespmem:s6+$0x0] =	vst v12  }
0x429: {  	s11 =	sor.u32 s21, s8;
	v12 =	vld.idx.msk [tilespmem:v6+s7+$0x0], $0xffff;
	[tilespmem:s0+$0x0] =	vst v13  }
0x42a: {  	s29 =	simm.s32 $0x2980;
	v13 =	vld.idx.msk [tilespmem:v7+s7+$0x0], $0xffff;
	[tilespmem:s11+$0x0] =	vst v8  }
0x42b: {  	s13 =	sor.u32 s28, s8;
	v8 =	vld.idx.msk [tilespmem:v4+s29+$0x0], $0xffff  }
0x42c: {  	[tilespmem:s13+$0x0] =	vst v11  }
0x42d: {  	s14 =	sor.u32 s22, s8;
	v11 =	vld.idx.msk [tilespmem:v5+s29+$0x0], $0xffff  }
0x42e: {  	s30 =	sadd.s32 $0x12700, s23;
	s0 =	sor.u32 s24, s8;
	[tilespmem:s14+$0x0] =	vst v12  }
0x42f: {  	s31 =	sor.u32 s21, s30;
	v12 =	vld.idx.msk [tilespmem:v6+s29+$0x0], $0xffff;
	[tilespmem:s0+$0x0] =	vst v13  }
0x430: {  	s4 =	simm.s32 $0x2AE0;
	v13 =	vld.idx.msk [tilespmem:v7+s29+$0x0], $0xffff;
	[tilespmem:s31+$0x0] =	vst v8  }
0x431: {  	[tilespmem:s17+$0x0] =	vst v9;
	s2 =	sor.u32 s28, s30;
	v8 =	vld.idx.msk [tilespmem:v4+s4+$0x0], $0xffff  }
0x432: {  	v58 =	vld.idx.msk [tilespmem:v1+s9+$0x0], $0xffff;
	[tilespmem:s2+$0x0] =	vst v11  }
0x433: {  	[tilespmem:s20+$0x0] =	vst v10;
	s3 =	sor.u32 s22, s30;
	s7 =	simm.s32 $0x2DA0;
	v11 =	vld.idx.msk [tilespmem:v5+s4+$0x0], $0xffff  }
0x434: {  	s5 =	sadd.s32 $0x12B00, s23;
	v3 =	vld.idx.msk [tilespmem:v3+s7+$0x0], $0xffff;
	s0 =	sor.u32 s24, s30;
	[tilespmem:s3+$0x0] =	vst v12  }
0x435: {  	s6 =	sor.u32 s21, s5;
	[tilespmem:s0+$0x0] =	vst v13;
	v12 =	vld.idx.msk [tilespmem:v6+s4+$0x0], $0xffff  }
0x436: {  	v57 =	vld.idx.msk [tilespmem:v7+s4+$0x0], $0xffff;
	[tilespmem:s6+$0x0] =	vst v8  }
0x437: {  	[tilespmem:s25+$0x0] =	vst v58;
	s8 =	sor.u32 s28, s5;
	v8 =	vld.idx.msk [tilespmem:v4+s9+$0x0], $0xffff  }
0x438: {  	v2 =	vld.idx.msk [tilespmem:v2+s7+$0x0], $0xffff;
	[tilespmem:s8+$0x0] =	vst v11  }
0x439: {  	s11 =	sor.u32 s22, s5;
	[tilespmem:s26+$0x0] =	vst v3;
	v59 =	vld.idx.msk [tilespmem:v5+s9+$0x0], $0xffff  }
0x43a: {  	v1 =	vld.idx.msk [tilespmem:v1+s7+$0x0], $0xffff;
	s13 =	sadd.s32 $0x12F00, s23;
	s0 =	sor.u32 s24, s5;
	[tilespmem:s11+$0x0] =	vst v12  }
0x43b: {  	s14 =	sor.u32 s21, s13;
	[tilespmem:s0+$0x0] =	vst v57;
	v60 =	vld.idx.msk [tilespmem:v6+s9+$0x0], $0xffff  }
0x43c: {  	v61 =	vld.idx.msk [tilespmem:v7+s9+$0x0], $0xffff;
	[tilespmem:s14+$0x0] =	vst v8  }
0x43d: {  	s17 =	sor.u32 s28, s13;
	[tilespmem:s12+$0x0] =	vst v2;
	v3 =	vld.idx.msk [tilespmem:v4+s7+$0x0], $0xffff  }
0x43e: {  	[tilespmem:s17+$0x0] =	vst v59  }
0x43f: {  	s20 =	sor.u32 s22, s13;
	[tilespmem:s16+$0x0] =	vst v1;
	v62 =	vld.idx.msk [tilespmem:v5+s7+$0x0], $0xffff  }
0x440: {  	s23 =	sadd.s32 $0x13300, s23;
	s0 =	sor.u32 s24, s13;
	[tilespmem:s20+$0x0] =	vst v60  }
0x441: {  	s25 =	sor.u32 s21, s23;
	[tilespmem:s0+$0x0] =	vst v61  }
0x442: {  	s30 =	rddreg [dreg:$0x2];
	v63 =	vld.idx.msk [tilespmem:v6+s7+$0x0], $0xffff;
	[tilespmem:s25+$0x0] =	vst v3  }
0x443: {  	s26 =	sor.u32 s28, s23;
	v2 =	vld.idx.msk [tilespmem:v7+s7+$0x0], $0xffff;
	s28 =	rddreg [dreg:$0x19]  }
0x444: {  	s29 =	sor.u32 s22, s23;
	s3 =	rddreg [dreg:$0x1e];
	[tilespmem:s26+$0x0] =	vst v62  }
0x445: {  	s31 =	simm.s32 $0xB700;
	s2 =	sor.u32 s28, s3;
	s1 =	rddreg [dreg:$0x1f]  }
0x446: {  	s8 =	simm.s32 $0x1E80;
	s13 =	simm.s32 $0x100;
	s1 =	sor.u32 s1, s2  }
0x447: {  	s14 =	simm.s32 $0x400;
	s0 =	sor.u32 s24, s23;
	[tilespmem:s29+$0x0] =	vst v63;
	s1 =	sshrl.u32 s1, $0x3  }
0x448: {  	s7 =	simm.s32 $0x1D20;
	[tilespmem:s0+$0x0] =	vst v2;
	s0 =	sadd.s32 s30, s1;
	s1 =	simm.s32 $0x1000  }
0x449: {  	[hbm4b:s0+s13] =	stream.strided.scatter [tilespmem:s31], [sflag:$0x4], $0x400, s14, s13, $0x38;
	[tilespmem:$0x13700] =	vst v63  }
.LBB2_15:
0x44a: {  	p0 =	sne.s32 s1, $0x1F000  }
.Ltmp9:
0x44b: {  	_ = 	snop;
	(pc) =	sbr.rel @p0 .LBB2_15-.Ltmp9, $4  }
0x44c: {  	_ = 	snop  }
0x44d: {  	s2 =	sshra.s32 s1, $0x2;
	s1 =	sadd.s32 $0x1000, s1  }
0x44e: {  	s0 =	sadd.s32 $0x8000, s0;
	s2 =	sadd.s32 $0xB700, s2  }
0x44f: {  	[hbm4b:s0+s13] =	stream.strided.scatter [tilespmem:s2], [sflag:$0x4], $0x400, s14, s13, $0x38;
	[tilespmem:$0x13700] =	vst v63  }
0x450: {  	s3 =	rddreg [dreg:$0x1c]  }
0x451: {  	p0 =	seq.s32 s3, $0xF  }
.Ltmp10:
0x452: {  	_ = 	snop;
	(pc) =	sbr.rel @p0 .LBB2_18-.Ltmp10, $4  }
0x453: {  	_ = 	snop  }
0x454: {  	s12 =	simm.s32 $0x0  }
0x455: {  	s16 =	simm.s32 $0x880;
	s17 =	simm.s32 $0x9E0;
	s25 =	simm.s32 $0xB40  }
0x456: {  	s29 =	simm.s32 $0xCA0;
	s30 =	simm.s32 $0xE00;
	s20 =	simm.s32 $0xF60  }
0x457: {  	s0 =	rddreg [dreg:$0x1d]  }
0x458: {  	s0 =	sadd.s32 $0x3, s0  }
0x459: {  	s2 =	rddreg [dreg:$0x13];
	s1 =	sshll.u32 s0, $0xA  }
0x45a: {  	s1 =	sadd.s32 s2, s1  }
0x45b: {  	s26 =	rddreg [dreg:$0x14];
	s0 =	sshll.u32 s0, $0x8;
	s1 =	sand.u32 $0x7F000, s1  }
.Ltmp11:
0x45c: {  	s0 =	sand.u32 $0x300, s0;
	s1 =	sadd.s32 s26, s1;
	(pc) =	sbr.rel .LBB2_4-.Ltmp11, $4  }
0x45d: {  	s0 =	sor.u32 s0, s1  }
0x45e: {  	s28 =	rddreg [dreg:$0x0];
	s0 =	sshrl.u32 s0, $0x3  }
0x45f: {  	s31 =	simm.s32 $0x3300;
	s3 =	sadd.s32 $0x1, s3;
	s0 =	sadd.s32 s28, s0  }
0x460: {  	[tilespmem:s31], [sflag:$0x2] =	stream.strided.gather [hbm4b:s0+s13], $0x400, s14, s13, $0x38;
	[tilespmem:$0x13700] =	vst v63  }
.LBB2_19:
0x461: {  	_ =	sfence.sel $0x180000  }
0x462: {  	[bflag:$0x0] =	sbarrier.arrive $0xFFFF  }
0x463: {  	_ =	strace $0x90000047  }
0x464: {  	s0 =	stileid.u32;
	[bflag:$0x2] =	sbarrier.arrive $0xFFFF  }
0x465: {  	p0 =	sne.s32 s0, $0x0;
	s0 =	rddreg [dreg:$0x3]  }
0x466: {  	s0 =	sadd.s32 @!p0 $0x100000, s0  }
0x467: {  	[sflag:s0] =	ssyncadd.tile.s32 @!p0 $0x1;
	_ =	shalt  }
.Lfunc_end2:
_tile_overlayer_lowered:
.L_overlay_start_2:
0x468: {  	(tag) =	ssettag $0x2  }
0x469: {  	s0 =	rddreg [dreg:$0x0];
	s2 =	stileid.u32  }
0x46a: {  	s1 =	rddreg [dreg:$0x1];
	p0 =	sne.s32 s2, $0x0  }
0x46b: {  	s3 =	rddreg [dreg:$0x2];
	[bflag:$0x3] =	sbarrier.arrive $0xFFFF;
	s2 =	simm.s32 @!p0 $0x1C05  }
0x46c: {  	[timem:s3], [sflag:s2] =	dma.local @!p0 [hbm:s0], s1  }
0x46d: {  	s0 =	simm.s32 @!p0 $0x5  }
0x46e: {  	_ =	swait.ge @!p0 [sflag:s0], s1  }
0x46f: {  	s1 =	ssub.s32 @!p0 $0x0, s1;
	[sflag:s0] =	ssyncset.done @!p0 $0x0  }
0x470: {  	[sflag:s0] =	ssyncadd.s32 @!p0 s1  }
0x471: {  	[bflag:$0x3] =	sbarrier.arrive $0xFFFF  }
0x472: {  	_ =	shalt  }

</sc_bundles>
